<compile_context>
chip_gen: v7x
topology: tpu7x:2x2x1
jax: 0.10.2.dev20260603
libtpu: 0.0.44.dev20260713+nightly
codegen_flags: <defaults>
</compile_context>

<pallas_src>
import functools

import jax
import jax.numpy as jnp
import numpy as np
from jax.experimental import pallas as pl
from jax.experimental.pallas import tpu as pltpu

_NUM_SPECIES = 7
_N_RBF = 16
_R_MAX = 0.51
_R_MIN = 0.08
_A_MAX = 0.35
_A_MIN = 0.08
_ANG_DIV = 8
_ANG_SEC = 4
_RADIAL_ETA = 1970.0
_ANGULAR_ETA = 1250.0
_ZETA = 14.1
_NUM_PAIRS = _NUM_SPECIES * (_NUM_SPECIES + 1) // 2

_B = 16
_C = 128


def _aev_kernel(offs_ref, dmax_ref,
                sa_ref, spo_ref, close_ref, vx_ref, vy_ref, vz_ref,
                sd_ref, fca_ref, fcr_ref,
                rad_ref, ang_ref,
                *, total):
    g = pl.program_id(0)
    a0 = g * _B
    pos_start = offs_ref[a0]
    pos_end = offs_ref[a0 + _B]

    rad_ref[:, :] = jnp.zeros((_B * _NUM_SPECIES, _N_RBF), jnp.float32)
    ang_ref[:, :] = jnp.zeros((_B * _NUM_PAIRS, _ANG_SEC * _ANG_DIV), jnp.float32)

    ir = jax.lax.broadcasted_iota(jnp.int32, (_N_RBF, 1), 0).astype(jnp.float32)
    shifts_r = _R_MIN + (_R_MAX - _R_MIN) / _N_RBF * ir
    shfz_np = (np.arange(_ANG_SEC) + 0.5) * np.pi / _ANG_SEC
    cz_np = np.cos(shfz_np)
    sz_np = np.sin(shfz_np)
    iz = jax.lax.broadcasted_iota(jnp.int32, (_ANG_SEC, 1, 1), 0).astype(jnp.float32)

    def _sel4(vals):
        out = jnp.full((_ANG_SEC, 1, 1), float(vals[-1]), jnp.float32)
        for k in range(_ANG_SEC - 2, -1, -1):
            out = jnp.where(iz < (k + 0.5), float(vals[k]), out)
        return out

    cz = _sel4(cz_np)
    sz = _sel4(sz_np)
    ia = jax.lax.broadcasted_iota(jnp.int32, (1, _ANG_DIV, 1), 1).astype(jnp.float32)
    shfa = _A_MIN + (_A_MAX - _A_MIN) / _ANG_DIV * ia

    rb = pos_start // _C
    abase = rb * _C
    nchunks = (pos_end - abase + _C - 1) // _C

    rad_rows = jax.lax.broadcasted_iota(jnp.int32, (_B * _NUM_SPECIES, _C), 0)
    ang_rows = jax.lax.broadcasted_iota(jnp.int32, (_B * _NUM_PAIRS, _C), 0)

    def chunk_body(q, _):
        base = abase + q * _C
        sl = pl.ds((rb + q) * _C, _C)
        sa1 = sa_ref[0, sl].reshape(1, _C)
        spo1 = spo_ref[0, sl].reshape(1, _C)
        cl1 = close_ref[0, sl].reshape(1, _C)
        vx1 = vx_ref[0, sl].reshape(1, _C)
        vy1 = vy_ref[0, sl].reshape(1, _C)
        vz1 = vz_ref[0, sl].reshape(1, _C)
        sd1 = sd_ref[0, sl].reshape(1, _C)
        fca1 = fca_ref[0, sl].reshape(1, _C)

        local1 = sa1 - a0

        fcr1 = fcr_ref[0, sl].reshape(1, _C)
        rt = 0.25 * jnp.exp(-_RADIAL_ETA * (sd1 - shifts_r) ** 2) * fcr1
        rrow = local1 * _NUM_SPECIES + spo1
        oh_r = (rad_rows == rrow).astype(jnp.float32)
        rad_ref[:, :] += jax.lax.dot_general(
            oh_r, rt, (((1,), (1,)), ((), ())),
            preferred_element_type=jnp.float32)

        nd = jnp.minimum(dmax_ref[g], total - base)

        sl_dw = pl.ds((rb + q) * _C, 2 * _C)
        sa_dw = sa_ref[0, sl_dw].reshape(1, 2 * _C)
        spo_dw = spo_ref[0, sl_dw].reshape(1, 2 * _C)
        cl_dw = close_ref[0, sl_dw].reshape(1, 2 * _C)
        vx_dw = vx_ref[0, sl_dw].reshape(1, 2 * _C)
        vy_dw = vy_ref[0, sl_dw].reshape(1, 2 * _C)
        vz_dw = vz_ref[0, sl_dw].reshape(1, 2 * _C)
        sd_dw = sd_ref[0, sl_dw].reshape(1, 2 * _C)
        fca_dw = fca_ref[0, sl_dw].reshape(1, 2 * _C)

        def pair_math(sa2, spo2, cl2, vx2, vy2, vz2, sd2, fca2):
            valid = (sa2 == sa1) & (cl1 > 0) & (cl2 > 0)

            def do(_):
                _ang_accum(valid, spo2, vx2, vy2, vz2, sd2, fca2)
                return 0

            jax.lax.cond(jnp.any(valid), do, lambda _: 0, 0)

        def _ang_accum(valid, spo2, vx2, vy2, vz2, sd2, fca2):
            dot = vx1 * vx2 + vy1 * vy2 + vz1 * vz2
            cosang = 0.95 * dot / (sd1 * sd2 + 1e-10)
            cosang_c = jnp.clip(cosang, -1.0, 1.0)
            sinang = jnp.sqrt(jnp.maximum(1.0 - cosang_c * cosang_c, 0.0))
            base1 = (1.0 + cosang_c * cz + sinang * sz) * 0.5
            f1 = jnp.exp(_ZETA * jnp.log(jnp.maximum(base1, 1e-30)))
            dmean = (sd1 + sd2) * 0.5
            f2 = jnp.exp(-_ANGULAR_ETA * (dmean - shfa) ** 2)
            at = 2.0 * f1 * f2 * (fca1 * fca2)
            at = at.reshape(_ANG_SEC * _ANG_DIV, _C)
            at = jnp.where(valid, at, 0.0)

            im = jnp.minimum(spo1, spo2)
            jm = jnp.maximum(spo1, spo2)
            trow = im * (2 * _NUM_SPECIES + 1 - im) // 2 + (jm - im)
            arow = local1 * _NUM_PAIRS + trow
            oh_a = ((ang_rows == arow) & valid).astype(jnp.float32)
            ang_ref[:, :] += jax.lax.dot_general(
                oh_a, at, (((1,), (1,)), ((), ())),
                preferred_element_type=jnp.float32)
            return 0

        def delta_fast(delta, _):
            rot = 2 * _C - delta

            def part(dw):
                return pltpu.roll(dw, rot, 1)[:, :_C]

            pair_math(part(sa_dw), part(spo_dw), part(cl_dw), part(vx_dw),
                      part(vy_dw), part(vz_dw), part(sd_dw), part(fca_dw))
            return 0

        def delta_slow(delta, _):
            w = delta // _C
            rem = delta - w * _C
            sl2 = pl.ds((rb + q + w) * _C, 2 * _C)
            rot = 2 * _C - rem

            def part(ref):
                return pltpu.roll(ref[0, sl2].reshape(1, 2 * _C), rot, 1)[:, :_C]

            pair_math(part(sa_ref), part(spo_ref), part(close_ref),
                      part(vx_ref), part(vy_ref), part(vz_ref),
                      part(sd_ref), part(fca_ref))
            return 0

        jax.lax.fori_loop(1, jnp.minimum(nd, _C) + 1, delta_fast, 0)
        jax.lax.fori_loop(_C + 1, nd + 1, delta_slow, 0)
        return 0

    jax.lax.fori_loop(0, nchunks, chunk_body, 0)


def kernel(d_ij, r_ij, pair_indices, atom_index):
    N = atom_index.shape[0]
    P = pair_indices.shape[1]
    total = 2 * P
    d = d_ij.reshape(-1).astype(jnp.float32)

    ai = jnp.concatenate([pair_indices[0], pair_indices[1]]).astype(jnp.int32)
    order = jnp.argsort(ai).astype(jnp.int32)
    col = order % P
    sign = jnp.where(order < P, 1.0, -1.0).astype(jnp.float32)
    sa = ai[order]
    vec = r_ij[col] * sign[:, None]
    sd = d[col]
    other = jnp.where(order < P, pair_indices[1][col], pair_indices[0][col])
    spo = atom_index[other].astype(jnp.int32)
    close = (sd <= _A_MAX).astype(jnp.int32)
    fca = jnp.where(
        sd < _A_MAX, 0.5 * (jnp.cos(jnp.pi * sd / _A_MAX) + 1.0), 0.0
    ).astype(jnp.float32)
    fcr = jnp.where(
        sd < _R_MAX, 0.5 * (jnp.cos(jnp.pi * sd / _R_MAX) + 1.0), 0.0
    ).astype(jnp.float32)

    counts = jnp.bincount(ai, length=N).astype(jnp.int32)
    offsets = jnp.zeros((N + 1,), jnp.int32).at[1:].set(
        jnp.cumsum(counts).astype(jnp.int32))
    nb = N // _B
    dmaxg = counts.reshape(nb, _B).max(axis=1) - 1

    def pad_f(x, v):
        return jnp.concatenate(
            [x.astype(jnp.float32), jnp.full((2 * _C,), v, jnp.float32)]
        ).reshape(1, total + 2 * _C)

    def pad_i(x, v):
        return jnp.concatenate(
            [x.astype(jnp.int32), jnp.full((2 * _C,), v, jnp.int32)]
        ).reshape(1, total + 2 * _C)

    sa_p = pad_i(sa, N)
    spo_p = pad_i(spo, 0)
    close_p = pad_i(close, 0)
    vx_p = pad_f(vec[:, 0], 0.0)
    vy_p = pad_f(vec[:, 1], 0.0)
    vz_p = pad_f(vec[:, 2], 0.0)
    sd_p = pad_f(sd, 1e3)
    fca_p = pad_f(fca, 0.0)
    fcr_p = pad_f(fcr, 0.0)

    full_spec = pl.BlockSpec((1, total + 2 * _C), lambda g, *_: (0, 0))
    grid_spec = pltpu.PrefetchScalarGridSpec(
        num_scalar_prefetch=2,
        grid=(nb,),
        in_specs=[full_spec] * 9,
        out_specs=[
            pl.BlockSpec((_B * _NUM_SPECIES, _N_RBF), lambda g, *_: (g, 0)),
            pl.BlockSpec((_B * _NUM_PAIRS, _ANG_SEC * _ANG_DIV),
                         lambda g, *_: (g, 0)),
        ],
    )
    rad, ang = pl.pallas_call(
        functools.partial(_aev_kernel, total=total),
        grid_spec=grid_spec,
        out_shape=[
            jax.ShapeDtypeStruct((N * _NUM_SPECIES, _N_RBF), jnp.float32),
            jax.ShapeDtypeStruct((N * _NUM_PAIRS, _ANG_SEC * _ANG_DIV),
                                 jnp.float32),
        ],
    )(offsets, dmaxg, sa_p, spo_p, close_p, vx_p, vy_p, vz_p, sd_p,
      fca_p, fcr_p)
    return jnp.concatenate(
        [rad.reshape(N, _NUM_SPECIES * _N_RBF),
         ang.reshape(N, _NUM_PAIRS * _ANG_SEC * _ANG_DIV)], axis=-1)

# --- scband reference (transcript-rebuilt; emitter-appended) ---
"""Pipeline reference for scband-anirepresentation-25769804390 (READ-ONLY COPY).

The authoritative reference and input builder live on the scoring server;
editing this copy changes nothing except your own understanding.
"""

import jax, jax.numpy as jnp
import numpy as np

NUM_SPECIES = 7
N_RBF = 16
R_MAX = 0.51
R_MIN = 0.08
A_MAX = 0.35
A_MIN = 0.08
ANG_DIV = 8
ANG_SEC = 4
RADIAL_ETA = 1970.0
ANGULAR_ETA = 1250.0
ZETA = 14.1
NUM_PAIRS = NUM_SPECIES * (NUM_SPECIES + 1) // 2


def _triu_index(ns):
    s1, s2 = np.triu_indices(ns)
    ret = np.zeros((ns, ns), dtype=np.int64)
    pi = np.arange(s1.shape[0], dtype=np.int64)
    ret[s1, s2] = pi
    ret[s2, s1] = pi
    return ret

TRIU = _triu_index(NUM_SPECIES)


def _cumsum_from_zero(x):
    c = np.zeros_like(x)
    c[1:] = np.cumsum(x[:-1])
    return c


def triple_by_molecule_np(atom_pairs):
    ai1 = atom_pairs.reshape(-1)
    rev_indices = np.argsort(ai1, kind='stable')
    sorted_ai1 = ai1[rev_indices]
    uniq, counts = np.unique(sorted_ai1, return_counts=True)
    pair_sizes = counts * (counts - 1) // 2
    pair_idx = np.repeat(np.arange(counts.shape[0]), pair_sizes)
    central_atom_index = uniq[pair_idx]
    m = int(counts.max()) if counts.size else 0
    row, col = np.tril_indices(m, -1)
    intra = np.stack([row, col]).astype(np.int64)
    T = intra.shape[1]
    nC = counts.shape[0]
    mask = (np.arange(T)[None, :] < pair_sizes[:, None]).reshape(-1)
    sorted_local = np.broadcast_to(intra[:, None, :], (2, nC, T)).reshape(2, -1)[:, mask]
    sorted_local = sorted_local + _cumsum_from_zero(counts)[pair_idx][None, :]
    local_index12 = rev_indices[sorted_local]
    P = atom_pairs.shape[1]
    sign12 = (local_index12 < P).astype(np.int64) * 2 - 1
    return central_atom_index, local_index12 % P, sign12


def cosine_cutoff(d, rcut):
    return jnp.where(d < rcut, 0.5 * (jnp.cos(jnp.pi * d / rcut) + 1.0), 0.0)


def precompute(pair_indices_np, d_np, species_np):
    closer_idx = np.nonzero(d_np.reshape(-1) <= A_MAX)[0]
    pairs_c = pair_indices_np[:, closer_idx]
    central_atom_index, pair_index12, sign12 = triple_by_molecule_np(pairs_c)
    species12_c = species_np[pairs_c]
    sp_small = species12_c[:, pair_index12]
    species12_ = np.where(sign12 == 1, sp_small[1], sp_small[0])
    ang_index = central_atom_index * NUM_PAIRS + TRIU[species12_[0], species12_[1]]
    return closer_idx, pair_index12, sign12, ang_index


def compute_aev(d_ij, r_ij, pair_indices, atom_index, closer_idx, pair_index12, sign12, ang_index):
    N = atom_index.shape[0]
    d = d_ij.reshape(-1)
    shifts = jnp.asarray(np.linspace(R_MIN, R_MAX, N_RBF, endpoint=False), dtype=jnp.float32)
    rt = 0.25 * jnp.exp(-RADIAL_ETA * (d[:, None] - shifts[None, :]) ** 2)
    rt = rt * cosine_cutoff(d, R_MAX)[:, None]
    species12 = atom_index[pair_indices]
    index12 = pair_indices * NUM_SPECIES + species12[::-1]
    radial_aev = jnp.zeros((N * NUM_SPECIES, N_RBF), dtype=rt.dtype)
    radial_aev = radial_aev.at[index12[0]].add(rt).at[index12[1]].add(rt)
    radial_aev = radial_aev.reshape(N, NUM_SPECIES * N_RBF)
    vec_c = r_ij[closer_idx]
    vec12 = vec_c[pair_index12.reshape(-1)].reshape(2, -1, 3) * jnp.asarray(sign12).astype(r_ij.dtype)[:, :, None]
    d12 = jnp.linalg.norm(vec12, axis=-1)
    dot = jnp.sum(vec12[0] * vec12[1], axis=-1)
    cos_angles = 0.95 * dot / (d12[0] * d12[1] + 1e-10)
    angles = jnp.arccos(cos_angles)
    fcj12 = cosine_cutoff(d12, A_MAX)
    shfz = jnp.asarray((np.arange(ANG_SEC) + 0.5) * np.pi / ANG_SEC, dtype=jnp.float32)
    shfa = jnp.asarray(np.linspace(A_MIN, A_MAX, ANG_DIV, endpoint=False), dtype=jnp.float32)
    factor1 = ((1.0 + jnp.cos(angles[:, None] - shfz[None, :])) / 2.0) ** ZETA
    factor2 = jnp.exp(-ANGULAR_ETA * ((d12.sum(0) / 2.0)[:, None] - shfa[None, :]) ** 2)
    at = 2.0 * factor1[:, :, None] * factor2[:, None, :] * fcj12.prod(0)[:, None, None]
    at = at.reshape(at.shape[0], -1)
    angular_aev = jnp.zeros((N * NUM_PAIRS, ANG_SEC * ANG_DIV), dtype=at.dtype)
    angular_aev = angular_aev.at[jnp.asarray(ang_index)].add(at)
    angular_aev = angular_aev.reshape(N, NUM_PAIRS * ANG_SEC * ANG_DIV)
    return jnp.concatenate([radial_aev, angular_aev], axis=-1)


def setup_inputs(seed: int = 0):
    key = jax.random.key(seed)
    N, P = 16384, 65536
    k1, k2, k3 = jax.random.split(key, 3)
    r_ij = jax.random.normal(k1, (P, 3), dtype=jnp.float32) * 0.15
    d_ij = jnp.linalg.norm(r_ij, axis=-1, keepdims=True)
    pair_indices = jax.random.randint(k2, (2, P), 0, N)
    atom_index = jax.random.randint(k3, (N,), 0, NUM_SPECIES)
    return {"d_ij": d_ij, "r_ij": r_ij, "pair_indices": pair_indices, "atom_index": atom_index}


def reference(d_ij, r_ij, pair_indices, atom_index):
    N = atom_index.shape[0]
    P = pair_indices.shape[1]
    d = d_ij.reshape(-1)
    shifts = jnp.asarray(np.linspace(R_MIN, R_MAX, N_RBF, endpoint=False), dtype=jnp.float32)
    rt = 0.25 * jnp.exp(-RADIAL_ETA * (d[:, None] - shifts[None, :]) ** 2)
    rt = rt * cosine_cutoff(d, R_MAX)[:, None]
    species12 = atom_index[pair_indices]
    index12 = pair_indices * NUM_SPECIES + species12[::-1]
    radial_aev = jnp.zeros((N * NUM_SPECIES, N_RBF), dtype=rt.dtype)
    radial_aev = radial_aev.at[index12[0]].add(rt).at[index12[1]].add(rt)
    radial_aev = radial_aev.reshape(N, NUM_SPECIES * N_RBF)

    closer_mask = d <= A_MAX
    (closer_idx,) = jnp.nonzero(closer_mask, size=P, fill_value=0)
    n_closer = jnp.sum(closer_mask)
    valid_col = jnp.arange(P) < n_closer
    pairs_c = pair_indices[:, closer_idx]
    pc0 = jnp.where(valid_col, pairs_c[0], N)
    pc1 = jnp.where(valid_col, pairs_c[1], N)
    ai = jnp.concatenate([pc0, pc1])
    order = jnp.argsort(ai, stable=True)
    sorted_ai = ai[order]
    counts = jnp.bincount(ai, length=N + 1)
    maxc = jnp.max(counts[:N])
    vec_c = r_ij[closer_idx]
    triu = jnp.asarray(TRIU)
    shfz = jnp.asarray((np.arange(ANG_SEC) + 0.5) * np.pi / ANG_SEC, dtype=jnp.float32)
    shfa = jnp.asarray(np.linspace(A_MIN, A_MAX, ANG_DIV, endpoint=False), dtype=jnp.float32)
    pos = jnp.arange(2 * P)

    def _cond(carry):
        return carry[0] < maxc

    def _body(carry):
        delta, acc = carry
        i1 = pos + delta
        inb = i1 < 2 * P
        i1c = jnp.where(inb, i1, 0)
        a1 = sorted_ai[i1c]
        valid = inb & (a1 == sorted_ai) & (sorted_ai < N)
        p1 = order[i1c]
        p2 = order
        sign1 = jnp.where(p1 < P, 1.0, -1.0).astype(r_ij.dtype)
        sign2 = jnp.where(p2 < P, 1.0, -1.0).astype(r_ij.dtype)
        col1 = jnp.where(p1 < P, p1, p1 - P)
        col2 = jnp.where(p2 < P, p2, p2 - P)
        vec1 = vec_c[col1] * sign1[:, None]
        vec2 = vec_c[col2] * sign2[:, None]
        d1 = jnp.linalg.norm(vec1, axis=-1)
        d2 = jnp.linalg.norm(vec2, axis=-1)
        dot = jnp.sum(vec1 * vec2, axis=-1)
        cos_angles = 0.95 * dot / (d1 * d2 + 1e-10)
        angles = jnp.arccos(cos_angles)
        fc1 = cosine_cutoff(d1, A_MAX)
        fc2 = cosine_cutoff(d2, A_MAX)
        factor1 = ((1.0 + jnp.cos(angles[:, None] - shfz[None, :])) / 2.0) ** ZETA
        factor2 = jnp.exp(-ANGULAR_ETA * (((d1 + d2) / 2.0)[:, None] - shfa[None, :]) ** 2)
        at = 2.0 * factor1[:, :, None] * factor2[:, None, :] * (fc1 * fc2)[:, None, None]
        at = at.reshape(at.shape[0], -1)
        at = at * valid[:, None].astype(at.dtype)
        other1 = jnp.where(sign1 > 0, pc1[col1], pc0[col1])
        other2 = jnp.where(sign2 > 0, pc1[col2], pc0[col2])
        sp1 = atom_index[other1]
        sp2 = atom_index[other2]
        ang_index = jnp.where(valid, sorted_ai * NUM_PAIRS + triu[sp1, sp2], 0)
        acc = acc.at[ang_index].add(at)
        return delta + 1, acc

    angular_aev = jnp.zeros((N * NUM_PAIRS, ANG_SEC * ANG_DIV), dtype=rt.dtype)
    _, angular_aev = jax.lax.while_loop(_cond, _body, (jnp.int32(1), angular_aev))
    angular_aev = angular_aev.reshape(N, NUM_PAIRS * ANG_SEC * ANG_DIV)
    return jnp.concatenate([radial_aev, angular_aev], axis=-1)

if __name__ == "__main__":
    import jax
    _d = setup_inputs()
    print(jax.jit(kernel)(*tuple(_d.values())))

</pallas_src>

<mosaic_0001>
module attributes {stable_mosaic.version = 14 : i64} {
  func.func @_aev_kernel(%arg0: i32, %arg1: memref<16385xi32, #tpu.memory_space<smem>>, %arg2: memref<1024xi32, #tpu.memory_space<smem>>, %arg3: memref<1x131328xi32, #tpu.memory_space<vmem>>, %arg4: memref<1x131328xi32, #tpu.memory_space<vmem>>, %arg5: memref<1x131328xi32, #tpu.memory_space<vmem>>, %arg6: memref<1x131328xf32, #tpu.memory_space<vmem>>, %arg7: memref<1x131328xf32, #tpu.memory_space<vmem>>, %arg8: memref<1x131328xf32, #tpu.memory_space<vmem>>, %arg9: memref<1x131328xf32, #tpu.memory_space<vmem>>, %arg10: memref<1x131328xf32, #tpu.memory_space<vmem>>, %arg11: memref<1x131328xf32, #tpu.memory_space<vmem>>, %arg12: memref<112x16xf32, #tpu.memory_space<vmem>>, %arg13: memref<448x32xf32, #tpu.memory_space<vmem>>) attributes {dimension_semantics = [#tpu.dimension_semantics<arbitrary>], iteration_bounds = array<i64: 1024>, scalar_prefetch = 2 : i64, scratch_operands = 0 : i64, tpu.core_type = #tpu.core_type<tc>, window_params = [{pipeline_mode = #tpu.pipeline_mode<synchronous>, transform_indices = @transform_0, window_bounds = array<i64: 1, 131328>}, {pipeline_mode = #tpu.pipeline_mode<synchronous>, transform_indices = @transform_1, window_bounds = array<i64: 1, 131328>}, {pipeline_mode = #tpu.pipeline_mode<synchronous>, transform_indices = @transform_2, window_bounds = array<i64: 1, 131328>}, {pipeline_mode = #tpu.pipeline_mode<synchronous>, transform_indices = @transform_3, window_bounds = array<i64: 1, 131328>}, {pipeline_mode = #tpu.pipeline_mode<synchronous>, transform_indices = @transform_4, window_bounds = array<i64: 1, 131328>}, {pipeline_mode = #tpu.pipeline_mode<synchronous>, transform_indices = @transform_5, window_bounds = array<i64: 1, 131328>}, {pipeline_mode = #tpu.pipeline_mode<synchronous>, transform_indices = @transform_6, window_bounds = array<i64: 1, 131328>}, {pipeline_mode = #tpu.pipeline_mode<synchronous>, transform_indices = @transform_7, window_bounds = array<i64: 1, 131328>}, {pipeline_mode = #tpu.pipeline_mode<synchronous>, transform_indices = @transform_8, window_bounds = array<i64: 1, 131328>}, {transform_indices = @transform_9, window_bounds = array<i64: 112, 16>}, {transform_indices = @transform_10, window_bounds = array<i64: 448, 32>}]} {
    %mul3A = arith.constant 16 : i32
    %mul3A_0 = arith.muli %arg0, %mul3A : i32
    %get3A = arith.index_cast %mul3A_0 : i32 to index
    %get3A_1 = memref.load %arg1[%get3A] : memref<16385xi32, #tpu.memory_space<smem>>
    %add3A = arith.constant 16 : i32
    %add3A_2 = arith.addi %mul3A_0, %add3A : i32
    %get3A_3 = arith.index_cast %add3A_2 : i32 to index
    %get3A_4 = memref.load %arg1[%get3A_3] : memref<16385xi32, #tpu.memory_space<smem>>
    %broadcast_in_dim3A = arith.constant 0.000000e+00 : f32
    %broadcast_in_dim3A_5 = vector.broadcast %broadcast_in_dim3A : f32 to vector<112x16xf32>
    %swap3A = arith.constant 0 : index
    %swap3A_6 = arith.constant 0 : index
    %swap3A_7 = vector.load %arg12[%swap3A, %swap3A_6] : memref<112x16xf32, #tpu.memory_space<vmem>>, vector<112x16xf32>
    tpu.vector_store %arg12[%swap3A, %swap3A_6], %broadcast_in_dim3A_5 {strides = array<i32>} : memref<112x16xf32, #tpu.memory_space<vmem>>, vector<112x16xf32>,
    %broadcast_in_dim3A_8 = arith.constant 0.000000e+00 : f32
    %broadcast_in_dim3A_9 = vector.broadcast %broadcast_in_dim3A_8 : f32 to vector<448x32xf32>
    %swap3A_10 = arith.constant 0 : index
    %swap3A_11 = arith.constant 0 : index
    %swap3A_12 = vector.load %arg13[%swap3A_10, %swap3A_11] : memref<448x32xf32, #tpu.memory_space<vmem>>, vector<448x32xf32>
    tpu.vector_store %arg13[%swap3A_10, %swap3A_11], %broadcast_in_dim3A_9 {strides = array<i32>} : memref<448x32xf32, #tpu.memory_space<vmem>>, vector<448x32xf32>,
    %iota3A = tpu.iota {dimensions = array<i32: 0>} : vector<16x1xi32>
    %convert_element_type3A = arith.sitofp %iota3A : vector<16x1xi32> to vector<16x1xf32>
    %mul3A_13 = arith.constant 2.687500e-02 : f32
    %mul3A_14 = vector.broadcast %mul3A_13 : f32 to vector<16x1xf32>
    %mul3A_15 = arith.mulf %mul3A_14, %convert_element_type3A : vector<16x1xf32>
    %add3A_16 = arith.constant 8.000000e-02 : f32
    %add3A_17 = vector.broadcast %add3A_16 : f32 to vector<16x1xf32>
    %add3A_18 = arith.addf %add3A_17, %mul3A_15 : vector<16x1xf32>
    %iota3A_19 = tpu.iota {dimensions = array<i32: 0>} : vector<4x1x1xi32>
    %convert_element_type3A_20 = arith.sitofp %iota3A_19 : vector<4x1x1xi32> to vector<4x1x1xf32>
    %broadcast_in_dim3A_21 = arith.constant -0.923879504 : f32
    %broadcast_in_dim3A_22 = vector.broadcast %broadcast_in_dim3A_21 : f32 to vector<4x1x1xf32>
    %lt3A = arith.constant 2.500000e+00 : f32
    %lt3A_23 = vector.broadcast %lt3A : f32 to vector<4x1x1xf32>
    %lt3A_24 = arith.cmpf olt, %convert_element_type3A_20, %lt3A_23 : vector<4x1x1xf32>
    %jit3A = arith.constant -0.382683426 : f32
    %broadcast_in_dim3A_25 = vector.broadcast %jit3A : f32 to vector<4x1x1xf32>
    %select_n3A = arith.select %lt3A_24, %broadcast_in_dim3A_25, %broadcast_in_dim3A_22 : vector<4x1x1xi1>, vector<4x1x1xf32>
    %lt3A_26 = arith.constant 1.500000e+00 : f32
    %lt3A_27 = vector.broadcast %lt3A_26 : f32 to vector<4x1x1xf32>
    %lt3A_28 = arith.cmpf olt, %convert_element_type3A_20, %lt3A_27 : vector<4x1x1xf32>
    %jit3A_29 = arith.constant 0.382683426 : f32
    %broadcast_in_dim3A_30 = vector.broadcast %jit3A_29 : f32 to vector<4x1x1xf32>
    %select_n3A_31 = arith.select %lt3A_28, %broadcast_in_dim3A_30, %select_n3A : vector<4x1x1xi1>, vector<4x1x1xf32>
    %lt3A_32 = arith.constant 5.000000e-01 : f32
    %lt3A_33 = vector.broadcast %lt3A_32 : f32 to vector<4x1x1xf32>
    %lt3A_34 = arith.cmpf olt, %convert_element_type3A_20, %lt3A_33 : vector<4x1x1xf32>
    %jit3A_35 = arith.constant 0.923879504 : f32
    %broadcast_in_dim3A_36 = vector.broadcast %jit3A_35 : f32 to vector<4x1x1xf32>
    %select_n3A_37 = arith.select %lt3A_34, %broadcast_in_dim3A_36, %select_n3A_31 : vector<4x1x1xi1>, vector<4x1x1xf32>
    %broadcast_in_dim3A_38 = arith.constant 0.382683426 : f32
    %broadcast_in_dim3A_39 = vector.broadcast %broadcast_in_dim3A_38 : f32 to vector<4x1x1xf32>
    %lt3A_40 = arith.constant 2.500000e+00 : f32
    %lt3A_41 = vector.broadcast %lt3A_40 : f32 to vector<4x1x1xf32>
    %lt3A_42 = arith.cmpf olt, %convert_element_type3A_20, %lt3A_41 : vector<4x1x1xf32>
    %jit3A_43 = arith.constant 0.923879504 : f32
    %broadcast_in_dim3A_44 = vector.broadcast %jit3A_43 : f32 to vector<4x1x1xf32>
    %select_n3A_45 = arith.select %lt3A_42, %broadcast_in_dim3A_44, %broadcast_in_dim3A_39 : vector<4x1x1xi1>, vector<4x1x1xf32>
    %lt3A_46 = arith.constant 1.500000e+00 : f32
    %lt3A_47 = vector.broadcast %lt3A_46 : f32 to vector<4x1x1xf32>
    %lt3A_48 = arith.cmpf olt, %convert_element_type3A_20, %lt3A_47 : vector<4x1x1xf32>
    %jit3A_49 = arith.constant 0.923879504 : f32
    %broadcast_in_dim3A_50 = vector.broadcast %jit3A_49 : f32 to vector<4x1x1xf32>
    %select_n3A_51 = arith.select %lt3A_48, %broadcast_in_dim3A_50, %select_n3A_45 : vector<4x1x1xi1>, vector<4x1x1xf32>
    %lt3A_52 = arith.constant 5.000000e-01 : f32
    %lt3A_53 = vector.broadcast %lt3A_52 : f32 to vector<4x1x1xf32>
    %lt3A_54 = arith.cmpf olt, %convert_element_type3A_20, %lt3A_53 : vector<4x1x1xf32>
    %jit3A_55 = arith.constant 0.382683426 : f32
    %broadcast_in_dim3A_56 = vector.broadcast %jit3A_55 : f32 to vector<4x1x1xf32>
    %select_n3A_57 = arith.select %lt3A_54, %broadcast_in_dim3A_56, %select_n3A_51 : vector<4x1x1xi1>, vector<4x1x1xf32>
    %iota3A_58 = tpu.iota {dimensions = array<i32: 1>} : vector<1x8x1xi32>
    %convert_element_type3A_59 = arith.sitofp %iota3A_58 : vector<1x8x1xi32> to vector<1x8x1xf32>
    %mul3A_60 = arith.constant 3.375000e-02 : f32
    %mul3A_61 = vector.broadcast %mul3A_60 : f32 to vector<1x8x1xf32>
    %mul3A_62 = arith.mulf %mul3A_61, %convert_element_type3A_59 : vector<1x8x1xf32>
    %add3A_63 = arith.constant 8.000000e-02 : f32
    %add3A_64 = vector.broadcast %add3A_63 : f32 to vector<1x8x1xf32>
    %add3A_65 = arith.addf %add3A_64, %mul3A_62 : vector<1x8x1xf32>
    %jit3A_66 = arith.constant 128 : i32
    %div3A = arith.divsi %get3A_1, %jit3A_66 : i32
    %sign3A = arith.constant 0 : i32
    %sign3A_67 = arith.cmpi sgt, %get3A_1, %sign3A : i32
    %sign3A_68 = arith.extui %sign3A_67 : i1 to i32
    %sign3A_69 = arith.constant 0 : i32
    %sign3A_70 = arith.cmpi slt, %get3A_1, %sign3A_69 : i32
    %sign3A_71 = arith.extui %sign3A_70 : i1 to i32
    %sign3A_72 = arith.subi %sign3A_68, %sign3A_71 : i32
    %sign3A_73 = arith.constant 0 : i32
    %sign3A_74 = arith.cmpi sgt, %jit3A_66, %sign3A_73 : i32
    %sign3A_75 = arith.extui %sign3A_74 : i1 to i32
    %sign3A_76 = arith.constant 0 : i32
    %sign3A_77 = arith.cmpi slt, %jit3A_66, %sign3A_76 : i32
    %sign3A_78 = arith.extui %sign3A_77 : i1 to i32
    %sign3A_79 = arith.subi %sign3A_75, %sign3A_78 : i32
    %ne3A = arith.cmpi ne, %sign3A_72, %sign3A_79 : i32
    %rem3A = arith.remsi %get3A_1, %jit3A_66 : i32
    %ne3A_80 = arith.constant 0 : i32
    %ne3A_81 = arith.cmpi ne, %rem3A, %ne3A_80 : i32
    %and3A = arith.andi %ne3A, %ne3A_81 : i1
    %sub3A = arith.constant 1 : i32
    %sub3A_82 = arith.subi %div3A, %sub3A : i32
    %select_n3A_83 = arith.select %and3A, %sub3A_82, %div3A : i32
    %mul3A_84 = arith.constant 128 : i32
    %mul3A_85 = arith.muli %select_n3A_83, %mul3A_84 : i32
    %sub3A_86 = arith.subi %get3A_4, %mul3A_85 : i32
    %add3A_87 = arith.constant 128 : i32
    %add3A_88 = arith.addi %sub3A_86, %add3A_87 : i32
    %sub3A_89 = arith.constant 1 : i32
    %sub3A_90 = arith.subi %add3A_88, %sub3A_89 : i32
    %jit3A_91 = arith.constant 128 : i32
    %div3A_92 = arith.divsi %sub3A_90, %jit3A_91 : i32
    %sign3A_93 = arith.constant 0 : i32
    %sign3A_94 = arith.cmpi sgt, %sub3A_90, %sign3A_93 : i32
    %sign3A_95 = arith.extui %sign3A_94 : i1 to i32
    %sign3A_96 = arith.constant 0 : i32
    %sign3A_97 = arith.cmpi slt, %sub3A_90, %sign3A_96 : i32
    %sign3A_98 = arith.extui %sign3A_97 : i1 to i32
    %sign3A_99 = arith.subi %sign3A_95, %sign3A_98 : i32
    %sign3A_100 = arith.constant 0 : i32
    %sign3A_101 = arith.cmpi sgt, %jit3A_91, %sign3A_100 : i32
    %sign3A_102 = arith.extui %sign3A_101 : i1 to i32
    %sign3A_103 = arith.constant 0 : i32
    %sign3A_104 = arith.cmpi slt, %jit3A_91, %sign3A_103 : i32
    %sign3A_105 = arith.extui %sign3A_104 : i1 to i32
    %sign3A_106 = arith.subi %sign3A_102, %sign3A_105 : i32
    %ne3A_107 = arith.cmpi ne, %sign3A_99, %sign3A_106 : i32
    %rem3A_108 = arith.remsi %sub3A_90, %jit3A_91 : i32
    %ne3A_109 = arith.constant 0 : i32
    %ne3A_110 = arith.cmpi ne, %rem3A_108, %ne3A_109 : i32
    %and3A_111 = arith.andi %ne3A_107, %ne3A_110 : i1
    %sub3A_112 = arith.constant 1 : i32
    %sub3A_113 = arith.subi %div3A_92, %sub3A_112 : i32
    %select_n3A_114 = arith.select %and3A_111, %sub3A_113, %div3A_92 : i32
    %iota3A_115 = tpu.iota {dimensions = array<i32: 0>} : vector<112x128xi32>
    %iota3A_116 = tpu.iota {dimensions = array<i32: 0>} : vector<448x128xi32>
    %while3A = arith.constant 0 : i32
    %while3A_117 = arith.constant 0 : i32
    %while3A_118 = arith.subi %select_n3A_114, %while3A : i32
    %while3A_119 = arith.addi %while3A, %while3A_118 : i32
    %while3A_120 = arith.constant 1 : i32
    %while3A_121 = arith.divsi %while3A_118, %while3A_120 : i32
    %while3A_122 = arith.muli %while3A_121, %while3A_120 : i32
    %while3A_123 = arith.addi %while3A, %while3A_122 : i32
    %while3A_124 = arith.constant 1 : i32
    %while3A_125 = scf.for %while3A_128 = %while3A to %while3A_123 step %while3A_124 iter_args(%while3A_129 = %while3A_117) -> (i32)  : i32 {
      %mul3A_130 = arith.constant 128 : i32
      %mul3A_131 = arith.muli %while3A_128, %mul3A_130 : i32
      %add3A_132 = arith.addi %mul3A_85, %mul3A_131 : i32
      %add3A_133 = arith.addi %select_n3A_83, %while3A_128 : i32
      %mul3A_134 = arith.constant 128 : i32
      %mul3A_135 = arith.muli %add3A_133, %mul3A_134 : i32
      %get3A_136 = arith.constant 0 : index
      %get3A_137 = arith.index_cast %mul3A_135 : i32 to index
      %get3A_138 = vector.load %arg3[%get3A_136, %get3A_137] : memref<1x131328xi32, #tpu.memory_space<vmem>>, vector<1x128xi32>
      %get3A_139 = vector.shape_cast %get3A_138 : vector<1x128xi32> to vector<128xi32>
      %reshape3A = vector.shape_cast %get3A_139 : vector<128xi32> to vector<1x128xi32>
      %get3A_140 = arith.constant 0 : index
      %get3A_141 = arith.index_cast %mul3A_135 : i32 to index
      %get3A_142 = vector.load %arg4[%get3A_140, %get3A_141] : memref<1x131328xi32, #tpu.memory_space<vmem>>, vector<1x128xi32>
      %get3A_143 = vector.shape_cast %get3A_142 : vector<1x128xi32> to vector<128xi32>
      %reshape3A_144 = vector.shape_cast %get3A_143 : vector<128xi32> to vector<1x128xi32>
      %get3A_145 = arith.constant 0 : index
      %get3A_146 = arith.index_cast %mul3A_135 : i32 to index
      %get3A_147 = vector.load %arg5[%get3A_145, %get3A_146] : memref<1x131328xi32, #tpu.memory_space<vmem>>, vector<1x128xi32>
      %get3A_148 = vector.shape_cast %get3A_147 : vector<1x128xi32> to vector<128xi32>
      %reshape3A_149 = vector.shape_cast %get3A_148 : vector<128xi32> to vector<1x128xi32>
      %get3A_150 = arith.constant 0 : index
      %get3A_151 = arith.index_cast %mul3A_135 : i32 to index
      %get3A_152 = vector.load %arg6[%get3A_150, %get3A_151] : memref<1x131328xf32, #tpu.memory_space<vmem>>, vector<1x128xf32>
      %get3A_153 = vector.shape_cast %get3A_152 : vector<1x128xf32> to vector<128xf32>
      %reshape3A_154 = vector.shape_cast %get3A_153 : vector<128xf32> to vector<1x128xf32>
      %get3A_155 = arith.constant 0 : index
      %get3A_156 = arith.index_cast %mul3A_135 : i32 to index
      %get3A_157 = vector.load %arg7[%get3A_155, %get3A_156] : memref<1x131328xf32, #tpu.memory_space<vmem>>, vector<1x128xf32>
      %get3A_158 = vector.shape_cast %get3A_157 : vector<1x128xf32> to vector<128xf32>
      %reshape3A_159 = vector.shape_cast %get3A_158 : vector<128xf32> to vector<1x128xf32>
      %get3A_160 = arith.constant 0 : index
      %get3A_161 = arith.index_cast %mul3A_135 : i32 to index
      %get3A_162 = vector.load %arg8[%get3A_160, %get3A_161] : memref<1x131328xf32, #tpu.memory_space<vmem>>, vector<1x128xf32>
      %get3A_163 = vector.shape_cast %get3A_162 : vector<1x128xf32> to vector<128xf32>
      %reshape3A_164 = vector.shape_cast %get3A_163 : vector<128xf32> to vector<1x128xf32>
      %get3A_165 = arith.constant 0 : index
      %get3A_166 = arith.index_cast %mul3A_135 : i32 to index
      %get3A_167 = vector.load %arg9[%get3A_165, %get3A_166] : memref<1x131328xf32, #tpu.memory_space<vmem>>, vector<1x128xf32>
      %get3A_168 = vector.shape_cast %get3A_167 : vector<1x128xf32> to vector<128xf32>
      %reshape3A_169 = vector.shape_cast %get3A_168 : vector<128xf32> to vector<1x128xf32>
      %get3A_170 = arith.constant 0 : index
      %get3A_171 = arith.index_cast %mul3A_135 : i32 to index
      %get3A_172 = vector.load %arg10[%get3A_170, %get3A_171] : memref<1x131328xf32, #tpu.memory_space<vmem>>, vector<1x128xf32>
      %get3A_173 = vector.shape_cast %get3A_172 : vector<1x128xf32> to vector<128xf32>
      %reshape3A_174 = vector.shape_cast %get3A_173 : vector<128xf32> to vector<1x128xf32>
      %sub3A_175 = vector.broadcast %mul3A_0 : i32 to vector<1x128xi32>
      %sub3A_176 = arith.subi %reshape3A, %sub3A_175 : vector<1x128xi32>
      %get3A_177 = arith.constant 0 : index
      %get3A_178 = arith.index_cast %mul3A_135 : i32 to index
      %get3A_179 = vector.load %arg11[%get3A_177, %get3A_178] : memref<1x131328xf32, #tpu.memory_space<vmem>>, vector<1x128xf32>
      %get3A_180 = vector.shape_cast %get3A_179 : vector<1x128xf32> to vector<128xf32>
      %reshape3A_181 = vector.shape_cast %get3A_180 : vector<128xf32> to vector<1x128xf32>
      %sub3A_182 = vector.broadcast %reshape3A_169 : vector<1x128xf32> to vector<16x128xf32>
      %sub3A_183 = vector.broadcast %add3A_18 : vector<16x1xf32> to vector<16x128xf32>
      %sub3A_184 = arith.subf %sub3A_182, %sub3A_183 : vector<16x128xf32>
      %integer_pow3A = arith.mulf %sub3A_184, %sub3A_184 : vector<16x128xf32>
      %mul3A_185 = arith.constant -1.970000e+03 : f32
      %mul3A_186 = vector.broadcast %mul3A_185 : f32 to vector<16x128xf32>
      %mul3A_187 = arith.mulf %mul3A_186, %integer_pow3A : vector<16x128xf32>
      %exp3A = math.exp %mul3A_187 : vector<16x128xf32>
      %mul3A_188 = arith.constant 2.500000e-01 : f32
      %mul3A_189 = vector.broadcast %mul3A_188 : f32 to vector<16x128xf32>
      %mul3A_190 = arith.mulf %mul3A_189, %exp3A : vector<16x128xf32>
      %mul3A_191 = vector.broadcast %reshape3A_181 : vector<1x128xf32> to vector<16x128xf32>
      %mul3A_192 = arith.mulf %mul3A_190, %mul3A_191 : vector<16x128xf32>
      %mul3A_193 = arith.constant 7 : i32
      %mul3A_194 = vector.broadcast %mul3A_193 : i32 to vector<1x128xi32>
      %mul3A_195 = arith.muli %sub3A_176, %mul3A_194 : vector<1x128xi32>
      %add3A_196 = arith.addi %mul3A_195, %reshape3A_144 : vector<1x128xi32>
      %eq3A = vector.broadcast %add3A_196 : vector<1x128xi32> to vector<112x128xi32>
      %eq3A_197 = arith.cmpi eq, %iota3A_115, %eq3A : vector<112x128xi32>
      %convert_element_type3A_198 = arith.extui %eq3A_197 : vector<112x128xi1> to vector<112x128xi32>
      %convert_element_type3A_199 = arith.sitofp %convert_element_type3A_198 : vector<112x128xi32> to vector<112x128xf32>
      %get3A_200 = arith.constant 0 : index
      %get3A_201 = arith.constant 0 : index
      %get3A_202 = vector.load %arg12[%get3A_200, %get3A_201] : memref<112x16xf32, #tpu.memory_space<vmem>>, vector<112x16xf32>
      %dot_general3A = arith.constant dense<0.000000e+00> : vector<112x16xf32>
      %dot_general3A_203 = tpu.matmul %convert_element_type3A_199, %mul3A_192, %dot_general3A {dimension_numbers = #tpu.dot_dimension_numbers<[1], [1], [0], [0], [0, 0, 1, 0], [], []>, transpose_lhs_hint = false} : vector<112x128xf32>, vector<16x128xf32>, vector<112x16xf32> -> vector<112x16xf32>
      %add3A_204 = arith.addf %get3A_202, %dot_general3A_203 : vector<112x16xf32>
      %swap3A_205 = arith.constant 0 : index
      %swap3A_206 = arith.constant 0 : index
      %swap3A_207 = vector.load %arg12[%swap3A_205, %swap3A_206] : memref<112x16xf32, #tpu.memory_space<vmem>>, vector<112x16xf32>
      tpu.vector_store %arg12[%swap3A_205, %swap3A_206], %add3A_204 {strides = array<i32>} : memref<112x16xf32, #tpu.memory_space<vmem>>, vector<112x16xf32>,
      %get3A_208 = arith.index_cast %arg0 : i32 to index
      %get3A_209 = memref.load %arg2[%get3A_208] : memref<1024xi32, #tpu.memory_space<smem>>
      %sub3A_210 = arith.constant 131072 : i32
      %sub3A_211 = arith.subi %sub3A_210, %add3A_132 : i32
      %min3A = arith.minsi %get3A_209, %sub3A_211 : i32
      %add3A_212 = arith.addi %select_n3A_83, %while3A_128 : i32
      %mul3A_213 = arith.constant 128 : i32
      %mul3A_214 = arith.muli %add3A_212, %mul3A_213 : i32
      %get3A_215 = arith.constant 0 : index
      %get3A_216 = arith.index_cast %mul3A_214 : i32 to index
      %get3A_217 = vector.load %arg3[%get3A_215, %get3A_216] : memref<1x131328xi32, #tpu.memory_space<vmem>>, vector<1x256xi32>
      %get3A_218 = vector.shape_cast %get3A_217 : vector<1x256xi32> to vector<256xi32>
      %reshape3A_219 = vector.shape_cast %get3A_218 : vector<256xi32> to vector<1x256xi32>
      %get3A_220 = arith.constant 0 : index
      %get3A_221 = arith.index_cast %mul3A_214 : i32 to index
      %get3A_222 = vector.load %arg4[%get3A_220, %get3A_221] : memref<1x131328xi32, #tpu.memory_space<vmem>>, vector<1x256xi32>
      %get3A_223 = vector.shape_cast %get3A_222 : vector<1x256xi32> to vector<256xi32>
      %reshape3A_224 = vector.shape_cast %get3A_223 : vector<256xi32> to vector<1x256xi32>
      %get3A_225 = arith.constant 0 : index
      %get3A_226 = arith.index_cast %mul3A_214 : i32 to index
      %get3A_227 = vector.load %arg5[%get3A_225, %get3A_226] : memref<1x131328xi32, #tpu.memory_space<vmem>>, vector<1x256xi32>
      %get3A_228 = vector.shape_cast %get3A_227 : vector<1x256xi32> to vector<256xi32>
      %reshape3A_229 = vector.shape_cast %get3A_228 : vector<256xi32> to vector<1x256xi32>
      %get3A_230 = arith.constant 0 : index
      %get3A_231 = arith.index_cast %mul3A_214 : i32 to index
      %get3A_232 = vector.load %arg6[%get3A_230, %get3A_231] : memref<1x131328xf32, #tpu.memory_space<vmem>>, vector<1x256xf32>
      %get3A_233 = vector.shape_cast %get3A_232 : vector<1x256xf32> to vector<256xf32>
      %reshape3A_234 = vector.shape_cast %get3A_233 : vector<256xf32> to vector<1x256xf32>
      %get3A_235 = arith.constant 0 : index
      %get3A_236 = arith.index_cast %mul3A_214 : i32 to index
      %get3A_237 = vector.load %arg7[%get3A_235, %get3A_236] : memref<1x131328xf32, #tpu.memory_space<vmem>>, vector<1x256xf32>
      %get3A_238 = vector.shape_cast %get3A_237 : vector<1x256xf32> to vector<256xf32>
      %reshape3A_239 = vector.shape_cast %get3A_238 : vector<256xf32> to vector<1x256xf32>
      %get3A_240 = arith.constant 0 : index
      %get3A_241 = arith.index_cast %mul3A_214 : i32 to index
      %get3A_242 = vector.load %arg8[%get3A_240, %get3A_241] : memref<1x131328xf32, #tpu.memory_space<vmem>>, vector<1x256xf32>
      %get3A_243 = vector.shape_cast %get3A_242 : vector<1x256xf32> to vector<256xf32>
      %reshape3A_244 = vector.shape_cast %get3A_243 : vector<256xf32> to vector<1x256xf32>
      %get3A_245 = arith.constant 0 : index
      %get3A_246 = arith.index_cast %mul3A_214 : i32 to index
      %get3A_247 = vector.load %arg9[%get3A_245, %get3A_246] : memref<1x131328xf32, #tpu.memory_space<vmem>>, vector<1x256xf32>
      %get3A_248 = vector.shape_cast %get3A_247 : vector<1x256xf32> to vector<256xf32>
      %reshape3A_249 = vector.shape_cast %get3A_248 : vector<256xf32> to vector<1x256xf32>
      %get3A_250 = arith.constant 0 : index
      %get3A_251 = arith.index_cast %mul3A_214 : i32 to index
      %get3A_252 = vector.load %arg10[%get3A_250, %get3A_251] : memref<1x131328xf32, #tpu.memory_space<vmem>>, vector<1x256xf32>
      %get3A_253 = vector.shape_cast %get3A_252 : vector<1x256xf32> to vector<256xf32>
      %reshape3A_254 = vector.shape_cast %get3A_253 : vector<256xf32> to vector<1x256xf32>
      %min3A_255 = arith.constant 128 : i32
      %min3A_256 = arith.minsi %min3A, %min3A_255 : i32
      %add3A_257 = arith.constant 1 : i32
      %add3A_258 = arith.addi %min3A_256, %add3A_257 : i32
      %while3A_259 = arith.constant 1 : i32
      %while3A_260 = arith.constant 0 : i32
      %while3A_261 = arith.subi %add3A_258, %while3A_259 : i32
      %while3A_262 = arith.addi %while3A_259, %while3A_261 : i32
      %while3A_263 = arith.constant 1 : i32
      %while3A_264 = arith.divsi %while3A_261, %while3A_263 : i32
      %while3A_265 = arith.muli %while3A_264, %while3A_263 : i32
      %while3A_266 = arith.addi %while3A_259, %while3A_265 : i32
      %while3A_267 = arith.constant 1 : i32
      %while3A_268 = scf.for %while3A_286 = %while3A_259 to %while3A_266 step %while3A_267 iter_args(%while3A_287 = %while3A_260) -> (i32)  : i32 {
        %sub3A_288 = arith.constant 256 : i32
        %sub3A_289 = arith.subi %sub3A_288, %while3A_286 : i32
        %roll3A = tpu.dynamic_rotate %reshape3A_219 by %sub3A_289 dim 1 : vector<1x256xi32>, i32 -> vector<1x256xi32>
        %slice3A = vector.extract_strided_slice %roll3A {offsets = [0, 0], sizes = [1, 128], strides = [1, 1]} : vector<1x256xi32> to vector<1x128xi32>
        %roll3A_290 = tpu.dynamic_rotate %reshape3A_224 by %sub3A_289 dim 1 : vector<1x256xi32>, i32 -> vector<1x256xi32>
        %slice3A_291 = vector.extract_strided_slice %roll3A_290 {offsets = [0, 0], sizes = [1, 128], strides = [1, 1]} : vector<1x256xi32> to vector<1x128xi32>
        %roll3A_292 = tpu.dynamic_rotate %reshape3A_229 by %sub3A_289 dim 1 : vector<1x256xi32>, i32 -> vector<1x256xi32>
        %slice3A_293 = vector.extract_strided_slice %roll3A_292 {offsets = [0, 0], sizes = [1, 128], strides = [1, 1]} : vector<1x256xi32> to vector<1x128xi32>
        %roll3A_294 = tpu.dynamic_rotate %reshape3A_234 by %sub3A_289 dim 1 : vector<1x256xf32>, i32 -> vector<1x256xf32>
        %slice3A_295 = vector.extract_strided_slice %roll3A_294 {offsets = [0, 0], sizes = [1, 128], strides = [1, 1]} : vector<1x256xf32> to vector<1x128xf32>
        %roll3A_296 = tpu.dynamic_rotate %reshape3A_239 by %sub3A_289 dim 1 : vector<1x256xf32>, i32 -> vector<1x256xf32>
        %slice3A_297 = vector.extract_strided_slice %roll3A_296 {offsets = [0, 0], sizes = [1, 128], strides = [1, 1]} : vector<1x256xf32> to vector<1x128xf32>
        %roll3A_298 = tpu.dynamic_rotate %reshape3A_244 by %sub3A_289 dim 1 : vector<1x256xf32>, i32 -> vector<1x256xf32>
        %slice3A_299 = vector.extract_strided_slice %roll3A_298 {offsets = [0, 0], sizes = [1, 128], strides = [1, 1]} : vector<1x256xf32> to vector<1x128xf32>
        %roll3A_300 = tpu.dynamic_rotate %reshape3A_249 by %sub3A_289 dim 1 : vector<1x256xf32>, i32 -> vector<1x256xf32>
        %slice3A_301 = vector.extract_strided_slice %roll3A_300 {offsets = [0, 0], sizes = [1, 128], strides = [1, 1]} : vector<1x256xf32> to vector<1x128xf32>
        %roll3A_302 = tpu.dynamic_rotate %reshape3A_254 by %sub3A_289 dim 1 : vector<1x256xf32>, i32 -> vector<1x256xf32>
        %slice3A_303 = vector.extract_strided_slice %roll3A_302 {offsets = [0, 0], sizes = [1, 128], strides = [1, 1]} : vector<1x256xf32> to vector<1x128xf32>
        %eq3A_304 = arith.cmpi eq, %slice3A, %reshape3A : vector<1x128xi32>
        %gt3A = arith.constant 0 : i32
        %gt3A_305 = vector.broadcast %gt3A : i32 to vector<1x128xi32>
        %gt3A_306 = arith.cmpi sgt, %reshape3A_149, %gt3A_305 : vector<1x128xi32>
        %and3A_307 = arith.andi %eq3A_304, %gt3A_306 : vector<1x128xi1>
        %gt3A_308 = arith.constant 0 : i32
        %gt3A_309 = vector.broadcast %gt3A_308 : i32 to vector<1x128xi32>
        %gt3A_310 = arith.cmpi sgt, %slice3A_293, %gt3A_309 : vector<1x128xi32>
        %and3A_311 = arith.andi %and3A_307, %gt3A_310 : vector<1x128xi1>
        %reduce_or3A = arith.constant 1.000000e+00 : f32
        %reduce_or3A_312 = arith.constant 0.000000e+00 : f32
        %reduce_or3A_313 = vector.broadcast %reduce_or3A : f32 to vector<1x128xf32>
        %reduce_or3A_314 = vector.broadcast %reduce_or3A_312 : f32 to vector<1x128xf32>
        %reduce_or3A_315 = arith.select %and3A_311, %reduce_or3A_313, %reduce_or3A_314 : vector<1x128xi1>, vector<1x128xf32>
        %reduce_or3A_316 = vector.shape_cast %reduce_or3A_315 : vector<1x128xf32> to vector<1x1x128xf32>
        %reduce_or3A_317 = arith.constant dense<0xFF800000> : vector<1xf32>
        %reduce_or3A_318 = vector.multi_reduction <maximumf>, %reduce_or3A_316, %reduce_or3A_317 [1, 2] : vector<1x1x128xf32> to vector<1xf32>
        %reduce_or3A_319 = vector.shape_cast %reduce_or3A_318 : vector<1xf32> to vector<1x1x1xf32>
        %reduce_or3A_320 = vector.extract %reduce_or3A_319[0, 0, 0] : f32 from vector<1x1x1xf32>
        %reduce_or3A_321 = arith.constant 0.000000e+00 : f32
        %reduce_or3A_322 = arith.cmpf ogt, %reduce_or3A_320, %reduce_or3A_321 : f32
        %convert_element_type3A_323 = arith.extui %reduce_or3A_322 : i1 to i32
        %cond3A = arith.constant 0 : i32
        %cond3A_324 = arith.constant 0 : i32
        %cond3A_325 = arith.cmpi ne, %convert_element_type3A_323, %cond3A_324 : i32
        %cond3A_326 = scf.if %cond3A_325 -> (i32) {
          %mul3A_328 = arith.mulf %reshape3A_154, %slice3A_295 : vector<1x128xf32>
          %mul3A_329 = arith.mulf %reshape3A_159, %slice3A_297 : vector<1x128xf32>
          %add3A_330 = arith.addf %mul3A_328, %mul3A_329 : vector<1x128xf32>
          %mul3A_331 = arith.mulf %reshape3A_164, %slice3A_299 : vector<1x128xf32>
          %add3A_332 = arith.addf %add3A_330, %mul3A_331 : vector<1x128xf32>
          %mul3A_333 = arith.constant 0.949999988 : f32
          %mul3A_334 = vector.broadcast %mul3A_333 : f32 to vector<1x128xf32>
          %mul3A_335 = arith.mulf %mul3A_334, %add3A_332 : vector<1x128xf32>
          %mul3A_336 = arith.mulf %reshape3A_169, %slice3A_301 : vector<1x128xf32>
          %add3A_337 = arith.constant 1.000000e-10 : f32
          %add3A_338 = vector.broadcast %add3A_337 : f32 to vector<1x128xf32>
          %add3A_339 = arith.addf %mul3A_336, %add3A_338 : vector<1x128xf32>
          %div3A_340 = arith.divf %mul3A_335, %add3A_339 : vector<1x128xf32>
          %jit3A_341 = arith.constant -1.000000e+00 : f32
          %jit3A_342 = arith.constant 1.000000e+00 : f32
          %max3A = vector.broadcast %jit3A_341 : f32 to vector<1x128xf32>
          %max3A_343 = arith.maximumf %max3A, %div3A_340 : vector<1x128xf32>
          %min3A_344 = vector.broadcast %jit3A_342 : f32 to vector<1x128xf32>
          %min3A_345 = arith.minimumf %min3A_344, %max3A_343 : vector<1x128xf32>
          %mul3A_346 = arith.mulf %min3A_345, %min3A_345 : vector<1x128xf32>
          %sub3A_347 = arith.constant 1.000000e+00 : f32
          %sub3A_348 = vector.broadcast %sub3A_347 : f32 to vector<1x128xf32>
          %sub3A_349 = arith.subf %sub3A_348, %mul3A_346 : vector<1x128xf32>
          %max3A_350 = arith.constant 0.000000e+00 : f32
          %max3A_351 = vector.broadcast %max3A_350 : f32 to vector<1x128xf32>
          %max3A_352 = arith.maximumf %sub3A_349, %max3A_351 : vector<1x128xf32>
          %sqrt3A = math.sqrt %max3A_352 : vector<1x128xf32>
          %broadcast_in_dim3A_353 = vector.shape_cast %min3A_345 : vector<1x128xf32> to vector<1x1x128xf32>
          %mul3A_354 = vector.broadcast %broadcast_in_dim3A_353 : vector<1x1x128xf32> to vector<4x1x128xf32>
          %mul3A_355 = vector.broadcast %select_n3A_37 : vector<4x1x1xf32> to vector<4x1x128xf32>
          %mul3A_356 = arith.mulf %mul3A_354, %mul3A_355 : vector<4x1x128xf32>
          %add3A_357 = arith.constant 1.000000e+00 : f32
          %add3A_358 = vector.broadcast %add3A_357 : f32 to vector<4x1x128xf32>
          %add3A_359 = arith.addf %add3A_358, %mul3A_356 : vector<4x1x128xf32>
          %broadcast_in_dim3A_360 = vector.shape_cast %sqrt3A : vector<1x128xf32> to vector<1x1x128xf32>
          %mul3A_361 = vector.broadcast %broadcast_in_dim3A_360 : vector<1x1x128xf32> to vector<4x1x128xf32>
          %mul3A_362 = vector.broadcast %select_n3A_57 : vector<4x1x1xf32> to vector<4x1x128xf32>
          %mul3A_363 = arith.mulf %mul3A_361, %mul3A_362 : vector<4x1x128xf32>
          %add3A_364 = arith.addf %add3A_359, %mul3A_363 : vector<4x1x128xf32>
          %mul3A_365 = arith.constant 5.000000e-01 : f32
          %mul3A_366 = vector.broadcast %mul3A_365 : f32 to vector<4x1x128xf32>
          %mul3A_367 = arith.mulf %add3A_364, %mul3A_366 : vector<4x1x128xf32>
          %max3A_368 = arith.constant 1.000000e-30 : f32
          %max3A_369 = vector.broadcast %max3A_368 : f32 to vector<4x1x128xf32>
          %max3A_370 = arith.maximumf %mul3A_367, %max3A_369 : vector<4x1x128xf32>
          %log3A = math.log %max3A_370 : vector<4x1x128xf32>
          %mul3A_371 = arith.constant 1.410000e+01 : f32
          %mul3A_372 = vector.broadcast %mul3A_371 : f32 to vector<4x1x128xf32>
          %mul3A_373 = arith.mulf %mul3A_372, %log3A : vector<4x1x128xf32>
          %exp3A_374 = math.exp %mul3A_373 : vector<4x1x128xf32>
          %add3A_375 = arith.addf %reshape3A_169, %slice3A_301 : vector<1x128xf32>
          %mul3A_376 = arith.constant 5.000000e-01 : f32
          %mul3A_377 = vector.broadcast %mul3A_376 : f32 to vector<1x128xf32>
          %mul3A_378 = arith.mulf %add3A_375, %mul3A_377 : vector<1x128xf32>
          %broadcast_in_dim3A_379 = vector.shape_cast %mul3A_378 : vector<1x128xf32> to vector<1x1x128xf32>
          %sub3A_380 = vector.broadcast %broadcast_in_dim3A_379 : vector<1x1x128xf32> to vector<1x8x128xf32>
          %sub3A_381 = vector.broadcast %add3A_65 : vector<1x8x1xf32> to vector<1x8x128xf32>
          %sub3A_382 = arith.subf %sub3A_380, %sub3A_381 : vector<1x8x128xf32>
          %integer_pow3A_383 = arith.mulf %sub3A_382, %sub3A_382 : vector<1x8x128xf32>
          %mul3A_384 = arith.constant -1.250000e+03 : f32
          %mul3A_385 = vector.broadcast %mul3A_384 : f32 to vector<1x8x128xf32>
          %mul3A_386 = arith.mulf %mul3A_385, %integer_pow3A_383 : vector<1x8x128xf32>
          %exp3A_387 = math.exp %mul3A_386 : vector<1x8x128xf32>
          %mul3A_388 = arith.constant 2.000000e+00 : f32
          %mul3A_389 = vector.broadcast %mul3A_388 : f32 to vector<4x1x128xf32>
          %mul3A_390 = arith.mulf %mul3A_389, %exp3A_374 : vector<4x1x128xf32>
          %mul3A_391 = vector.broadcast %mul3A_390 : vector<4x1x128xf32> to vector<4x8x128xf32>
          %mul3A_392 = vector.broadcast %exp3A_387 : vector<1x8x128xf32> to vector<4x8x128xf32>
          %mul3A_393 = arith.mulf %mul3A_391, %mul3A_392 : vector<4x8x128xf32>
          %mul3A_394 = arith.mulf %reshape3A_174, %slice3A_303 : vector<1x128xf32>
          %broadcast_in_dim3A_395 = vector.shape_cast %mul3A_394 : vector<1x128xf32> to vector<1x1x128xf32>
          %mul3A_396 = vector.broadcast %broadcast_in_dim3A_395 : vector<1x1x128xf32> to vector<4x8x128xf32>
          %mul3A_397 = arith.mulf %mul3A_393, %mul3A_396 : vector<4x8x128xf32>
          %reshape3A_398 = vector.shape_cast %mul3A_397 : vector<4x8x128xf32> to vector<32x128xf32>
          %jit3A_399 = arith.constant 0.000000e+00 : f32
          %broadcast_in_dim3A_400 = vector.shape_cast %and3A_311 : vector<1x128xi1> to vector<1x128xi1>
          %broadcast_in_dim3A_401 = vector.broadcast %broadcast_in_dim3A_400 : vector<1x128xi1> to vector<32x128xi1>
          %broadcast_in_dim3A_402 = vector.broadcast %jit3A_399 : f32 to vector<32x128xf32>
          %select_n3A_403 = arith.select %broadcast_in_dim3A_401, %reshape3A_398, %broadcast_in_dim3A_402 : vector<32x128xi1>, vector<32x128xf32>
          %min3A_404 = arith.minsi %reshape3A_144, %slice3A_291 : vector<1x128xi32>
          %max3A_405 = arith.maxsi %reshape3A_144, %slice3A_291 : vector<1x128xi32>
          %sub3A_406 = arith.constant 15 : i32
          %sub3A_407 = vector.broadcast %sub3A_406 : i32 to vector<1x128xi32>
          %sub3A_408 = arith.subi %sub3A_407, %min3A_404 : vector<1x128xi32>
          %mul3A_409 = arith.muli %min3A_404, %sub3A_408 : vector<1x128xi32>
          %jit3A_410 = arith.constant 2 : i32
          %div3A_411 = vector.broadcast %jit3A_410 : i32 to vector<1x128xi32>
          %div3A_412 = arith.divsi %mul3A_409, %div3A_411 : vector<1x128xi32>
          %sign3A_413 = arith.constant 0 : i32
          %sign3A_414 = vector.broadcast %sign3A_413 : i32 to vector<1x128xi32>
          %sign3A_415 = arith.cmpi sgt, %mul3A_409, %sign3A_414 : vector<1x128xi32>
          %sign3A_416 = arith.extui %sign3A_415 : vector<1x128xi1> to vector<1x128xi32>
          %sign3A_417 = arith.constant 0 : i32
          %sign3A_418 = vector.broadcast %sign3A_417 : i32 to vector<1x128xi32>
          %sign3A_419 = arith.cmpi slt, %mul3A_409, %sign3A_418 : vector<1x128xi32>
          %sign3A_420 = arith.extui %sign3A_419 : vector<1x128xi1> to vector<1x128xi32>
          %sign3A_421 = arith.subi %sign3A_416, %sign3A_420 : vector<1x128xi32>
          %sign3A_422 = arith.constant 0 : i32
          %sign3A_423 = arith.cmpi sgt, %jit3A_410, %sign3A_422 : i32
          %sign3A_424 = arith.extui %sign3A_423 : i1 to i32
          %sign3A_425 = arith.constant 0 : i32
          %sign3A_426 = arith.cmpi slt, %jit3A_410, %sign3A_425 : i32
          %sign3A_427 = arith.extui %sign3A_426 : i1 to i32
          %sign3A_428 = arith.subi %sign3A_424, %sign3A_427 : i32
          %ne3A_429 = vector.broadcast %sign3A_428 : i32 to vector<1x128xi32>
          %ne3A_430 = arith.cmpi ne, %sign3A_421, %ne3A_429 : vector<1x128xi32>
          %rem3A_431 = vector.broadcast %jit3A_410 : i32 to vector<1x128xi32>
          %rem3A_432 = arith.remsi %mul3A_409, %rem3A_431 : vector<1x128xi32>
          %ne3A_433 = arith.constant 0 : i32
          %ne3A_434 = vector.broadcast %ne3A_433 : i32 to vector<1x128xi32>
          %ne3A_435 = arith.cmpi ne, %rem3A_432, %ne3A_434 : vector<1x128xi32>
          %and3A_436 = arith.andi %ne3A_430, %ne3A_435 : vector<1x128xi1>
          %sub3A_437 = arith.constant 1 : i32
          %sub3A_438 = vector.broadcast %sub3A_437 : i32 to vector<1x128xi32>
          %sub3A_439 = arith.subi %div3A_412, %sub3A_438 : vector<1x128xi32>
          %select_n3A_440 = arith.select %and3A_436, %sub3A_439, %div3A_412 : vector<1x128xi1>, vector<1x128xi32>
          %sub3A_441 = arith.subi %max3A_405, %min3A_404 : vector<1x128xi32>
          %add3A_442 = arith.addi %select_n3A_440, %sub3A_441 : vector<1x128xi32>
          %mul3A_443 = arith.constant 28 : i32
          %mul3A_444 = vector.broadcast %mul3A_443 : i32 to vector<1x128xi32>
          %mul3A_445 = arith.muli %sub3A_176, %mul3A_444 : vector<1x128xi32>
          %add3A_446 = arith.addi %mul3A_445, %add3A_442 : vector<1x128xi32>
          %eq3A_447 = vector.broadcast %add3A_446 : vector<1x128xi32> to vector<448x128xi32>
          %eq3A_448 = arith.cmpi eq, %iota3A_116, %eq3A_447 : vector<448x128xi32>
          %and3A_449 = vector.broadcast %and3A_311 : vector<1x128xi1> to vector<448x128xi1>
          %and3A_450 = arith.andi %eq3A_448, %and3A_449 : vector<448x128xi1>
          %convert_element_type3A_451 = arith.extui %and3A_450 : vector<448x128xi1> to vector<448x128xi32>
          %convert_element_type3A_452 = arith.sitofp %convert_element_type3A_451 : vector<448x128xi32> to vector<448x128xf32>
          %get3A_453 = arith.constant 0 : index
          %get3A_454 = arith.constant 0 : index
          %get3A_455 = vector.load %arg13[%get3A_453, %get3A_454] : memref<448x32xf32, #tpu.memory_space<vmem>>, vector<448x32xf32>
          %dot_general3A_456 = arith.constant dense<0.000000e+00> : vector<448x32xf32>
          %dot_general3A_457 = tpu.matmul %convert_element_type3A_452, %select_n3A_403, %dot_general3A_456 {dimension_numbers = #tpu.dot_dimension_numbers<[1], [1], [0], [0], [0, 0, 1, 0], [], []>, transpose_lhs_hint = false} : vector<448x128xf32>, vector<32x128xf32>, vector<448x32xf32> -> vector<448x32xf32>
          %add3A_458 = arith.addf %get3A_455, %dot_general3A_457 : vector<448x32xf32>
          %swap3A_459 = arith.constant 0 : index
          %swap3A_460 = arith.constant 0 : index
          %swap3A_461 = vector.load %arg13[%swap3A_459, %swap3A_460] : memref<448x32xf32, #tpu.memory_space<vmem>>, vector<448x32xf32>
          tpu.vector_store %arg13[%swap3A_459, %swap3A_460], %add3A_458 {strides = array<i32>} : memref<448x32xf32, #tpu.memory_space<vmem>>, vector<448x32xf32>,
          %cond3A_462 = arith.constant 0 : i32
          scf.yield %cond3A_462 : i32
        } else {
          %cond3A_328 = arith.constant 0 : i32
          scf.yield %cond3A_328 : i32
        }
        %while3A_327 = arith.constant 0 : i32
        scf.yield %while3A_327 : i32
      }
      %while3A_269 = arith.constant 1 : i32
      %while3A_270 = scf.for %while3A_286 = %while3A_266 to %while3A_262 step %while3A_269 iter_args(%while3A_287 = %while3A_268) -> (i32)  : i32 {
        %sub3A_288 = arith.constant 256 : i32
        %sub3A_289 = arith.subi %sub3A_288, %while3A_286 : i32
        %roll3A = tpu.dynamic_rotate %reshape3A_219 by %sub3A_289 dim 1 : vector<1x256xi32>, i32 -> vector<1x256xi32>
        %slice3A = vector.extract_strided_slice %roll3A {offsets = [0, 0], sizes = [1, 128], strides = [1, 1]} : vector<1x256xi32> to vector<1x128xi32>
        %roll3A_290 = tpu.dynamic_rotate %reshape3A_224 by %sub3A_289 dim 1 : vector<1x256xi32>, i32 -> vector<1x256xi32>
        %slice3A_291 = vector.extract_strided_slice %roll3A_290 {offsets = [0, 0], sizes = [1, 128], strides = [1, 1]} : vector<1x256xi32> to vector<1x128xi32>
        %roll3A_292 = tpu.dynamic_rotate %reshape3A_229 by %sub3A_289 dim 1 : vector<1x256xi32>, i32 -> vector<1x256xi32>
        %slice3A_293 = vector.extract_strided_slice %roll3A_292 {offsets = [0, 0], sizes = [1, 128], strides = [1, 1]} : vector<1x256xi32> to vector<1x128xi32>
        %roll3A_294 = tpu.dynamic_rotate %reshape3A_234 by %sub3A_289 dim 1 : vector<1x256xf32>, i32 -> vector<1x256xf32>
        %slice3A_295 = vector.extract_strided_slice %roll3A_294 {offsets = [0, 0], sizes = [1, 128], strides = [1, 1]} : vector<1x256xf32> to vector<1x128xf32>
        %roll3A_296 = tpu.dynamic_rotate %reshape3A_239 by %sub3A_289 dim 1 : vector<1x256xf32>, i32 -> vector<1x256xf32>
        %slice3A_297 = vector.extract_strided_slice %roll3A_296 {offsets = [0, 0], sizes = [1, 128], strides = [1, 1]} : vector<1x256xf32> to vector<1x128xf32>
        %roll3A_298 = tpu.dynamic_rotate %reshape3A_244 by %sub3A_289 dim 1 : vector<1x256xf32>, i32 -> vector<1x256xf32>
        %slice3A_299 = vector.extract_strided_slice %roll3A_298 {offsets = [0, 0], sizes = [1, 128], strides = [1, 1]} : vector<1x256xf32> to vector<1x128xf32>
        %roll3A_300 = tpu.dynamic_rotate %reshape3A_249 by %sub3A_289 dim 1 : vector<1x256xf32>, i32 -> vector<1x256xf32>
        %slice3A_301 = vector.extract_strided_slice %roll3A_300 {offsets = [0, 0], sizes = [1, 128], strides = [1, 1]} : vector<1x256xf32> to vector<1x128xf32>
        %roll3A_302 = tpu.dynamic_rotate %reshape3A_254 by %sub3A_289 dim 1 : vector<1x256xf32>, i32 -> vector<1x256xf32>
        %slice3A_303 = vector.extract_strided_slice %roll3A_302 {offsets = [0, 0], sizes = [1, 128], strides = [1, 1]} : vector<1x256xf32> to vector<1x128xf32>
        %eq3A_304 = arith.cmpi eq, %slice3A, %reshape3A : vector<1x128xi32>
        %gt3A = arith.constant 0 : i32
        %gt3A_305 = vector.broadcast %gt3A : i32 to vector<1x128xi32>
        %gt3A_306 = arith.cmpi sgt, %reshape3A_149, %gt3A_305 : vector<1x128xi32>
        %and3A_307 = arith.andi %eq3A_304, %gt3A_306 : vector<1x128xi1>
        %gt3A_308 = arith.constant 0 : i32
        %gt3A_309 = vector.broadcast %gt3A_308 : i32 to vector<1x128xi32>
        %gt3A_310 = arith.cmpi sgt, %slice3A_293, %gt3A_309 : vector<1x128xi32>
        %and3A_311 = arith.andi %and3A_307, %gt3A_310 : vector<1x128xi1>
        %reduce_or3A = arith.constant 1.000000e+00 : f32
        %reduce_or3A_312 = arith.constant 0.000000e+00 : f32
        %reduce_or3A_313 = vector.broadcast %reduce_or3A : f32 to vector<1x128xf32>
        %reduce_or3A_314 = vector.broadcast %reduce_or3A_312 : f32 to vector<1x128xf32>
        %reduce_or3A_315 = arith.select %and3A_311, %reduce_or3A_313, %reduce_or3A_314 : vector<1x128xi1>, vector<1x128xf32>
        %reduce_or3A_316 = vector.shape_cast %reduce_or3A_315 : vector<1x128xf32> to vector<1x1x128xf32>
        %reduce_or3A_317 = arith.constant dense<0xFF800000> : vector<1xf32>
        %reduce_or3A_318 = vector.multi_reduction <maximumf>, %reduce_or3A_316, %reduce_or3A_317 [1, 2] : vector<1x1x128xf32> to vector<1xf32>
        %reduce_or3A_319 = vector.shape_cast %reduce_or3A_318 : vector<1xf32> to vector<1x1x1xf32>
        %reduce_or3A_320 = vector.extract %reduce_or3A_319[0, 0, 0] : f32 from vector<1x1x1xf32>
        %reduce_or3A_321 = arith.constant 0.000000e+00 : f32
        %reduce_or3A_322 = arith.cmpf ogt, %reduce_or3A_320, %reduce_or3A_321 : f32
        %convert_element_type3A_323 = arith.extui %reduce_or3A_322 : i1 to i32
        %cond3A = arith.constant 0 : i32
        %cond3A_324 = arith.constant 0 : i32
        %cond3A_325 = arith.cmpi ne, %convert_element_type3A_323, %cond3A_324 : i32
        %cond3A_326 = scf.if %cond3A_325 -> (i32) {
          %mul3A_328 = arith.mulf %reshape3A_154, %slice3A_295 : vector<1x128xf32>
          %mul3A_329 = arith.mulf %reshape3A_159, %slice3A_297 : vector<1x128xf32>
          %add3A_330 = arith.addf %mul3A_328, %mul3A_329 : vector<1x128xf32>
          %mul3A_331 = arith.mulf %reshape3A_164, %slice3A_299 : vector<1x128xf32>
          %add3A_332 = arith.addf %add3A_330, %mul3A_331 : vector<1x128xf32>
          %mul3A_333 = arith.constant 0.949999988 : f32
          %mul3A_334 = vector.broadcast %mul3A_333 : f32 to vector<1x128xf32>
          %mul3A_335 = arith.mulf %mul3A_334, %add3A_332 : vector<1x128xf32>
          %mul3A_336 = arith.mulf %reshape3A_169, %slice3A_301 : vector<1x128xf32>
          %add3A_337 = arith.constant 1.000000e-10 : f32
          %add3A_338 = vector.broadcast %add3A_337 : f32 to vector<1x128xf32>
          %add3A_339 = arith.addf %mul3A_336, %add3A_338 : vector<1x128xf32>
          %div3A_340 = arith.divf %mul3A_335, %add3A_339 : vector<1x128xf32>
          %jit3A_341 = arith.constant -1.000000e+00 : f32
          %jit3A_342 = arith.constant 1.000000e+00 : f32
          %max3A = vector.broadcast %jit3A_341 : f32 to vector<1x128xf32>
          %max3A_343 = arith.maximumf %max3A, %div3A_340 : vector<1x128xf32>
          %min3A_344 = vector.broadcast %jit3A_342 : f32 to vector<1x128xf32>
          %min3A_345 = arith.minimumf %min3A_344, %max3A_343 : vector<1x128xf32>
          %mul3A_346 = arith.mulf %min3A_345, %min3A_345 : vector<1x128xf32>
          %sub3A_347 = arith.constant 1.000000e+00 : f32
          %sub3A_348 = vector.broadcast %sub3A_347 : f32 to vector<1x128xf32>
          %sub3A_349 = arith.subf %sub3A_348, %mul3A_346 : vector<1x128xf32>
          %max3A_350 = arith.constant 0.000000e+00 : f32
          %max3A_351 = vector.broadcast %max3A_350 : f32 to vector<1x128xf32>
          %max3A_352 = arith.maximumf %sub3A_349, %max3A_351 : vector<1x128xf32>
          %sqrt3A = math.sqrt %max3A_352 : vector<1x128xf32>
          %broadcast_in_dim3A_353 = vector.shape_cast %min3A_345 : vector<1x128xf32> to vector<1x1x128xf32>
          %mul3A_354 = vector.broadcast %broadcast_in_dim3A_353 : vector<1x1x128xf32> to vector<4x1x128xf32>
          %mul3A_355 = vector.broadcast %select_n3A_37 : vector<4x1x1xf32> to vector<4x1x128xf32>
          %mul3A_356 = arith.mulf %mul3A_354, %mul3A_355 : vector<4x1x128xf32>
          %add3A_357 = arith.constant 1.000000e+00 : f32
          %add3A_358 = vector.broadcast %add3A_357 : f32 to vector<4x1x128xf32>
          %add3A_359 = arith.addf %add3A_358, %mul3A_356 : vector<4x1x128xf32>
          %broadcast_in_dim3A_360 = vector.shape_cast %sqrt3A : vector<1x128xf32> to vector<1x1x128xf32>
          %mul3A_361 = vector.broadcast %broadcast_in_dim3A_360 : vector<1x1x128xf32> to vector<4x1x128xf32>
          %mul3A_362 = vector.broadcast %select_n3A_57 : vector<4x1x1xf32> to vector<4x1x128xf32>
          %mul3A_363 = arith.mulf %mul3A_361, %mul3A_362 : vector<4x1x128xf32>
          %add3A_364 = arith.addf %add3A_359, %mul3A_363 : vector<4x1x128xf32>
          %mul3A_365 = arith.constant 5.000000e-01 : f32
          %mul3A_366 = vector.broadcast %mul3A_365 : f32 to vector<4x1x128xf32>
          %mul3A_367 = arith.mulf %add3A_364, %mul3A_366 : vector<4x1x128xf32>
          %max3A_368 = arith.constant 1.000000e-30 : f32
          %max3A_369 = vector.broadcast %max3A_368 : f32 to vector<4x1x128xf32>
          %max3A_370 = arith.maximumf %mul3A_367, %max3A_369 : vector<4x1x128xf32>
          %log3A = math.log %max3A_370 : vector<4x1x128xf32>
          %mul3A_371 = arith.constant 1.410000e+01 : f32
          %mul3A_372 = vector.broadcast %mul3A_371 : f32 to vector<4x1x128xf32>
          %mul3A_373 = arith.mulf %mul3A_372, %log3A : vector<4x1x128xf32>
          %exp3A_374 = math.exp %mul3A_373 : vector<4x1x128xf32>
          %add3A_375 = arith.addf %reshape3A_169, %slice3A_301 : vector<1x128xf32>
          %mul3A_376 = arith.constant 5.000000e-01 : f32
          %mul3A_377 = vector.broadcast %mul3A_376 : f32 to vector<1x128xf32>
          %mul3A_378 = arith.mulf %add3A_375, %mul3A_377 : vector<1x128xf32>
          %broadcast_in_dim3A_379 = vector.shape_cast %mul3A_378 : vector<1x128xf32> to vector<1x1x128xf32>
          %sub3A_380 = vector.broadcast %broadcast_in_dim3A_379 : vector<1x1x128xf32> to vector<1x8x128xf32>
          %sub3A_381 = vector.broadcast %add3A_65 : vector<1x8x1xf32> to vector<1x8x128xf32>
          %sub3A_382 = arith.subf %sub3A_380, %sub3A_381 : vector<1x8x128xf32>
          %integer_pow3A_383 = arith.mulf %sub3A_382, %sub3A_382 : vector<1x8x128xf32>
          %mul3A_384 = arith.constant -1.250000e+03 : f32
          %mul3A_385 = vector.broadcast %mul3A_384 : f32 to vector<1x8x128xf32>
          %mul3A_386 = arith.mulf %mul3A_385, %integer_pow3A_383 : vector<1x8x128xf32>
          %exp3A_387 = math.exp %mul3A_386 : vector<1x8x128xf32>
          %mul3A_388 = arith.constant 2.000000e+00 : f32
          %mul3A_389 = vector.broadcast %mul3A_388 : f32 to vector<4x1x128xf32>
          %mul3A_390 = arith.mulf %mul3A_389, %exp3A_374 : vector<4x1x128xf32>
          %mul3A_391 = vector.broadcast %mul3A_390 : vector<4x1x128xf32> to vector<4x8x128xf32>
          %mul3A_392 = vector.broadcast %exp3A_387 : vector<1x8x128xf32> to vector<4x8x128xf32>
          %mul3A_393 = arith.mulf %mul3A_391, %mul3A_392 : vector<4x8x128xf32>
          %mul3A_394 = arith.mulf %reshape3A_174, %slice3A_303 : vector<1x128xf32>
          %broadcast_in_dim3A_395 = vector.shape_cast %mul3A_394 : vector<1x128xf32> to vector<1x1x128xf32>
          %mul3A_396 = vector.broadcast %broadcast_in_dim3A_395 : vector<1x1x128xf32> to vector<4x8x128xf32>
          %mul3A_397 = arith.mulf %mul3A_393, %mul3A_396 : vector<4x8x128xf32>
          %reshape3A_398 = vector.shape_cast %mul3A_397 : vector<4x8x128xf32> to vector<32x128xf32>
          %jit3A_399 = arith.constant 0.000000e+00 : f32
          %broadcast_in_dim3A_400 = vector.shape_cast %and3A_311 : vector<1x128xi1> to vector<1x128xi1>
          %broadcast_in_dim3A_401 = vector.broadcast %broadcast_in_dim3A_400 : vector<1x128xi1> to vector<32x128xi1>
          %broadcast_in_dim3A_402 = vector.broadcast %jit3A_399 : f32 to vector<32x128xf32>
          %select_n3A_403 = arith.select %broadcast_in_dim3A_401, %reshape3A_398, %broadcast_in_dim3A_402 : vector<32x128xi1>, vector<32x128xf32>
          %min3A_404 = arith.minsi %reshape3A_144, %slice3A_291 : vector<1x128xi32>
          %max3A_405 = arith.maxsi %reshape3A_144, %slice3A_291 : vector<1x128xi32>
          %sub3A_406 = arith.constant 15 : i32
          %sub3A_407 = vector.broadcast %sub3A_406 : i32 to vector<1x128xi32>
          %sub3A_408 = arith.subi %sub3A_407, %min3A_404 : vector<1x128xi32>
          %mul3A_409 = arith.muli %min3A_404, %sub3A_408 : vector<1x128xi32>
          %jit3A_410 = arith.constant 2 : i32
          %div3A_411 = vector.broadcast %jit3A_410 : i32 to vector<1x128xi32>
          %div3A_412 = arith.divsi %mul3A_409, %div3A_411 : vector<1x128xi32>
          %sign3A_413 = arith.constant 0 : i32
          %sign3A_414 = vector.broadcast %sign3A_413 : i32 to vector<1x128xi32>
          %sign3A_415 = arith.cmpi sgt, %mul3A_409, %sign3A_414 : vector<1x128xi32>
          %sign3A_416 = arith.extui %sign3A_415 : vector<1x128xi1> to vector<1x128xi32>
          %sign3A_417 = arith.constant 0 : i32
          %sign3A_418 = vector.broadcast %sign3A_417 : i32 to vector<1x128xi32>
          %sign3A_419 = arith.cmpi slt, %mul3A_409, %sign3A_418 : vector<1x128xi32>
          %sign3A_420 = arith.extui %sign3A_419 : vector<1x128xi1> to vector<1x128xi32>
          %sign3A_421 = arith.subi %sign3A_416, %sign3A_420 : vector<1x128xi32>
          %sign3A_422 = arith.constant 0 : i32
          %sign3A_423 = arith.cmpi sgt, %jit3A_410, %sign3A_422 : i32
          %sign3A_424 = arith.extui %sign3A_423 : i1 to i32
          %sign3A_425 = arith.constant 0 : i32
          %sign3A_426 = arith.cmpi slt, %jit3A_410, %sign3A_425 : i32
          %sign3A_427 = arith.extui %sign3A_426 : i1 to i32
          %sign3A_428 = arith.subi %sign3A_424, %sign3A_427 : i32
          %ne3A_429 = vector.broadcast %sign3A_428 : i32 to vector<1x128xi32>
          %ne3A_430 = arith.cmpi ne, %sign3A_421, %ne3A_429 : vector<1x128xi32>
          %rem3A_431 = vector.broadcast %jit3A_410 : i32 to vector<1x128xi32>
          %rem3A_432 = arith.remsi %mul3A_409, %rem3A_431 : vector<1x128xi32>
          %ne3A_433 = arith.constant 0 : i32
          %ne3A_434 = vector.broadcast %ne3A_433 : i32 to vector<1x128xi32>
          %ne3A_435 = arith.cmpi ne, %rem3A_432, %ne3A_434 : vector<1x128xi32>
          %and3A_436 = arith.andi %ne3A_430, %ne3A_435 : vector<1x128xi1>
          %sub3A_437 = arith.constant 1 : i32
          %sub3A_438 = vector.broadcast %sub3A_437 : i32 to vector<1x128xi32>
          %sub3A_439 = arith.subi %div3A_412, %sub3A_438 : vector<1x128xi32>
          %select_n3A_440 = arith.select %and3A_436, %sub3A_439, %div3A_412 : vector<1x128xi1>, vector<1x128xi32>
          %sub3A_441 = arith.subi %max3A_405, %min3A_404 : vector<1x128xi32>
          %add3A_442 = arith.addi %select_n3A_440, %sub3A_441 : vector<1x128xi32>
          %mul3A_443 = arith.constant 28 : i32
          %mul3A_444 = vector.broadcast %mul3A_443 : i32 to vector<1x128xi32>
          %mul3A_445 = arith.muli %sub3A_176, %mul3A_444 : vector<1x128xi32>
          %add3A_446 = arith.addi %mul3A_445, %add3A_442 : vector<1x128xi32>
          %eq3A_447 = vector.broadcast %add3A_446 : vector<1x128xi32> to vector<448x128xi32>
          %eq3A_448 = arith.cmpi eq, %iota3A_116, %eq3A_447 : vector<448x128xi32>
          %and3A_449 = vector.broadcast %and3A_311 : vector<1x128xi1> to vector<448x128xi1>
          %and3A_450 = arith.andi %eq3A_448, %and3A_449 : vector<448x128xi1>
          %convert_element_type3A_451 = arith.extui %and3A_450 : vector<448x128xi1> to vector<448x128xi32>
          %convert_element_type3A_452 = arith.sitofp %convert_element_type3A_451 : vector<448x128xi32> to vector<448x128xf32>
          %get3A_453 = arith.constant 0 : index
          %get3A_454 = arith.constant 0 : index
          %get3A_455 = vector.load %arg13[%get3A_453, %get3A_454] : memref<448x32xf32, #tpu.memory_space<vmem>>, vector<448x32xf32>
          %dot_general3A_456 = arith.constant dense<0.000000e+00> : vector<448x32xf32>
          %dot_general3A_457 = tpu.matmul %convert_element_type3A_452, %select_n3A_403, %dot_general3A_456 {dimension_numbers = #tpu.dot_dimension_numbers<[1], [1], [0], [0], [0, 0, 1, 0], [], []>, transpose_lhs_hint = false} : vector<448x128xf32>, vector<32x128xf32>, vector<448x32xf32> -> vector<448x32xf32>
          %add3A_458 = arith.addf %get3A_455, %dot_general3A_457 : vector<448x32xf32>
          %swap3A_459 = arith.constant 0 : index
          %swap3A_460 = arith.constant 0 : index
          %swap3A_461 = vector.load %arg13[%swap3A_459, %swap3A_460] : memref<448x32xf32, #tpu.memory_space<vmem>>, vector<448x32xf32>
          tpu.vector_store %arg13[%swap3A_459, %swap3A_460], %add3A_458 {strides = array<i32>} : memref<448x32xf32, #tpu.memory_space<vmem>>, vector<448x32xf32>,
          %cond3A_462 = arith.constant 0 : i32
          scf.yield %cond3A_462 : i32
        } else {
          %cond3A_328 = arith.constant 0 : i32
          scf.yield %cond3A_328 : i32
        }
        %while3A_327 = arith.constant 0 : i32
        scf.yield %while3A_327 : i32
      }
      %add3A_271 = arith.constant 1 : i32
      %add3A_272 = arith.addi %min3A, %add3A_271 : i32
      %while3A_273 = arith.constant 129 : i32
      %while3A_274 = arith.constant 0 : i32
      %while3A_275 = arith.subi %add3A_272, %while3A_273 : i32
      %while3A_276 = arith.addi %while3A_273, %while3A_275 : i32
      %while3A_277 = arith.constant 1 : i32
      %while3A_278 = arith.divsi %while3A_275, %while3A_277 : i32
      %while3A_279 = arith.muli %while3A_278, %while3A_277 : i32
      %while3A_280 = arith.addi %while3A_273, %while3A_279 : i32
      %while3A_281 = arith.constant 1 : i32
      %while3A_282 = scf.for %while3A_286 = %while3A_273 to %while3A_280 step %while3A_281 iter_args(%while3A_287 = %while3A_274) -> (i32)  : i32 {
        %jit3A_288 = arith.constant 128 : i32
        %div3A_289 = arith.divsi %while3A_286, %jit3A_288 : i32
        %sign3A_290 = arith.constant 0 : i32
        %sign3A_291 = arith.cmpi sgt, %while3A_286, %sign3A_290 : i32
        %sign3A_292 = arith.extui %sign3A_291 : i1 to i32
        %sign3A_293 = arith.constant 0 : i32
        %sign3A_294 = arith.cmpi slt, %while3A_286, %sign3A_293 : i32
        %sign3A_295 = arith.extui %sign3A_294 : i1 to i32
        %sign3A_296 = arith.subi %sign3A_292, %sign3A_295 : i32
        %sign3A_297 = arith.constant 0 : i32
        %sign3A_298 = arith.cmpi sgt, %jit3A_288, %sign3A_297 : i32
        %sign3A_299 = arith.extui %sign3A_298 : i1 to i32
        %sign3A_300 = arith.constant 0 : i32
        %sign3A_301 = arith.cmpi slt, %jit3A_288, %sign3A_300 : i32
        %sign3A_302 = arith.extui %sign3A_301 : i1 to i32
        %sign3A_303 = arith.subi %sign3A_299, %sign3A_302 : i32
        %ne3A_304 = arith.cmpi ne, %sign3A_296, %sign3A_303 : i32
        %rem3A_305 = arith.remsi %while3A_286, %jit3A_288 : i32
        %ne3A_306 = arith.constant 0 : i32
        %ne3A_307 = arith.cmpi ne, %rem3A_305, %ne3A_306 : i32
        %and3A_308 = arith.andi %ne3A_304, %ne3A_307 : i1
        %sub3A_309 = arith.constant 1 : i32
        %sub3A_310 = arith.subi %div3A_289, %sub3A_309 : i32
        %select_n3A_311 = arith.select %and3A_308, %sub3A_310, %div3A_289 : i32
        %mul3A_312 = arith.constant 128 : i32
        %mul3A_313 = arith.muli %select_n3A_311, %mul3A_312 : i32
        %sub3A_314 = arith.subi %while3A_286, %mul3A_313 : i32
        %add3A_315 = arith.addi %select_n3A_83, %while3A_128 : i32
        %add3A_316 = arith.addi %add3A_315, %select_n3A_311 : i32
        %mul3A_317 = arith.constant 128 : i32
        %mul3A_318 = arith.muli %add3A_316, %mul3A_317 : i32
        %sub3A_319 = arith.constant 256 : i32
        %sub3A_320 = arith.subi %sub3A_319, %sub3A_314 : i32
        %get3A_321 = arith.constant 0 : index
        %get3A_322 = arith.index_cast %mul3A_318 : i32 to index
        %get3A_323 = vector.load %arg3[%get3A_321, %get3A_322] : memref<1x131328xi32, #tpu.memory_space<vmem>>, vector<1x256xi32>
        %get3A_324 = vector.shape_cast %get3A_323 : vector<1x256xi32> to vector<256xi32>
        %reshape3A_325 = vector.shape_cast %get3A_324 : vector<256xi32> to vector<1x256xi32>
        %roll3A = tpu.dynamic_rotate %reshape3A_325 by %sub3A_320 dim 1 : vector<1x256xi32>, i32 -> vector<1x256xi32>
        %slice3A = vector.extract_strided_slice %roll3A {offsets = [0, 0], sizes = [1, 128], strides = [1, 1]} : vector<1x256xi32> to vector<1x128xi32>
        %get3A_326 = arith.constant 0 : index
        %get3A_327 = arith.index_cast %mul3A_318 : i32 to index
        %get3A_328 = vector.load %arg4[%get3A_326, %get3A_327] : memref<1x131328xi32, #tpu.memory_space<vmem>>, vector<1x256xi32>
        %get3A_329 = vector.shape_cast %get3A_328 : vector<1x256xi32> to vector<256xi32>
        %reshape3A_330 = vector.shape_cast %get3A_329 : vector<256xi32> to vector<1x256xi32>
        %roll3A_331 = tpu.dynamic_rotate %reshape3A_330 by %sub3A_320 dim 1 : vector<1x256xi32>, i32 -> vector<1x256xi32>
        %slice3A_332 = vector.extract_strided_slice %roll3A_331 {offsets = [0, 0], sizes = [1, 128], strides = [1, 1]} : vector<1x256xi32> to vector<1x128xi32>
        %get3A_333 = arith.constant 0 : index
        %get3A_334 = arith.index_cast %mul3A_318 : i32 to index
        %get3A_335 = vector.load %arg5[%get3A_333, %get3A_334] : memref<1x131328xi32, #tpu.memory_space<vmem>>, vector<1x256xi32>
        %get3A_336 = vector.shape_cast %get3A_335 : vector<1x256xi32> to vector<256xi32>
        %reshape3A_337 = vector.shape_cast %get3A_336 : vector<256xi32> to vector<1x256xi32>
        %roll3A_338 = tpu.dynamic_rotate %reshape3A_337 by %sub3A_320 dim 1 : vector<1x256xi32>, i32 -> vector<1x256xi32>
        %slice3A_339 = vector.extract_strided_slice %roll3A_338 {offsets = [0, 0], sizes = [1, 128], strides = [1, 1]} : vector<1x256xi32> to vector<1x128xi32>
        %get3A_340 = arith.constant 0 : index
        %get3A_341 = arith.index_cast %mul3A_318 : i32 to index
        %get3A_342 = vector.load %arg6[%get3A_340, %get3A_341] : memref<1x131328xf32, #tpu.memory_space<vmem>>, vector<1x256xf32>
        %get3A_343 = vector.shape_cast %get3A_342 : vector<1x256xf32> to vector<256xf32>
        %reshape3A_344 = vector.shape_cast %get3A_343 : vector<256xf32> to vector<1x256xf32>
        %roll3A_345 = tpu.dynamic_rotate %reshape3A_344 by %sub3A_320 dim 1 : vector<1x256xf32>, i32 -> vector<1x256xf32>
        %slice3A_346 = vector.extract_strided_slice %roll3A_345 {offsets = [0, 0], sizes = [1, 128], strides = [1, 1]} : vector<1x256xf32> to vector<1x128xf32>
        %get3A_347 = arith.constant 0 : index
        %get3A_348 = arith.index_cast %mul3A_318 : i32 to index
        %get3A_349 = vector.load %arg7[%get3A_347, %get3A_348] : memref<1x131328xf32, #tpu.memory_space<vmem>>, vector<1x256xf32>
        %get3A_350 = vector.shape_cast %get3A_349 : vector<1x256xf32> to vector<256xf32>
        %reshape3A_351 = vector.shape_cast %get3A_350 : vector<256xf32> to vector<1x256xf32>
        %roll3A_352 = tpu.dynamic_rotate %reshape3A_351 by %sub3A_320 dim 1 : vector<1x256xf32>, i32 -> vector<1x256xf32>
        %slice3A_353 = vector.extract_strided_slice %roll3A_352 {offsets = [0, 0], sizes = [1, 128], strides = [1, 1]} : vector<1x256xf32> to vector<1x128xf32>
        %get3A_354 = arith.constant 0 : index
        %get3A_355 = arith.index_cast %mul3A_318 : i32 to index
        %get3A_356 = vector.load %arg8[%get3A_354, %get3A_355] : memref<1x131328xf32, #tpu.memory_space<vmem>>, vector<1x256xf32>
        %get3A_357 = vector.shape_cast %get3A_356 : vector<1x256xf32> to vector<256xf32>
        %reshape3A_358 = vector.shape_cast %get3A_357 : vector<256xf32> to vector<1x256xf32>
        %roll3A_359 = tpu.dynamic_rotate %reshape3A_358 by %sub3A_320 dim 1 : vector<1x256xf32>, i32 -> vector<1x256xf32>
        %slice3A_360 = vector.extract_strided_slice %roll3A_359 {offsets = [0, 0], sizes = [1, 128], strides = [1, 1]} : vector<1x256xf32> to vector<1x128xf32>
        %get3A_361 = arith.constant 0 : index
        %get3A_362 = arith.index_cast %mul3A_318 : i32 to index
        %get3A_363 = vector.load %arg9[%get3A_361, %get3A_362] : memref<1x131328xf32, #tpu.memory_space<vmem>>, vector<1x256xf32>
        %get3A_364 = vector.shape_cast %get3A_363 : vector<1x256xf32> to vector<256xf32>
        %reshape3A_365 = vector.shape_cast %get3A_364 : vector<256xf32> to vector<1x256xf32>
        %roll3A_366 = tpu.dynamic_rotate %reshape3A_365 by %sub3A_320 dim 1 : vector<1x256xf32>, i32 -> vector<1x256xf32>
        %slice3A_367 = vector.extract_strided_slice %roll3A_366 {offsets = [0, 0], sizes = [1, 128], strides = [1, 1]} : vector<1x256xf32> to vector<1x128xf32>
        %get3A_368 = arith.constant 0 : index
        %get3A_369 = arith.index_cast %mul3A_318 : i32 to index
        %get3A_370 = vector.load %arg10[%get3A_368, %get3A_369] : memref<1x131328xf32, #tpu.memory_space<vmem>>, vector<1x256xf32>
        %get3A_371 = vector.shape_cast %get3A_370 : vector<1x256xf32> to vector<256xf32>
        %reshape3A_372 = vector.shape_cast %get3A_371 : vector<256xf32> to vector<1x256xf32>
        %roll3A_373 = tpu.dynamic_rotate %reshape3A_372 by %sub3A_320 dim 1 : vector<1x256xf32>, i32 -> vector<1x256xf32>
        %slice3A_374 = vector.extract_strided_slice %roll3A_373 {offsets = [0, 0], sizes = [1, 128], strides = [1, 1]} : vector<1x256xf32> to vector<1x128xf32>
        %eq3A_375 = arith.cmpi eq, %slice3A, %reshape3A : vector<1x128xi32>
        %gt3A = arith.constant 0 : i32
        %gt3A_376 = vector.broadcast %gt3A : i32 to vector<1x128xi32>
        %gt3A_377 = arith.cmpi sgt, %reshape3A_149, %gt3A_376 : vector<1x128xi32>
        %and3A_378 = arith.andi %eq3A_375, %gt3A_377 : vector<1x128xi1>
        %gt3A_379 = arith.constant 0 : i32
        %gt3A_380 = vector.broadcast %gt3A_379 : i32 to vector<1x128xi32>
        %gt3A_381 = arith.cmpi sgt, %slice3A_339, %gt3A_380 : vector<1x128xi32>
        %and3A_382 = arith.andi %and3A_378, %gt3A_381 : vector<1x128xi1>
        %reduce_or3A = arith.constant 1.000000e+00 : f32
        %reduce_or3A_383 = arith.constant 0.000000e+00 : f32
        %reduce_or3A_384 = vector.broadcast %reduce_or3A : f32 to vector<1x128xf32>
        %reduce_or3A_385 = vector.broadcast %reduce_or3A_383 : f32 to vector<1x128xf32>
        %reduce_or3A_386 = arith.select %and3A_382, %reduce_or3A_384, %reduce_or3A_385 : vector<1x128xi1>, vector<1x128xf32>
        %reduce_or3A_387 = vector.shape_cast %reduce_or3A_386 : vector<1x128xf32> to vector<1x1x128xf32>
        %reduce_or3A_388 = arith.constant dense<0xFF800000> : vector<1xf32>
        %reduce_or3A_389 = vector.multi_reduction <maximumf>, %reduce_or3A_387, %reduce_or3A_388 [1, 2] : vector<1x1x128xf32> to vector<1xf32>
        %reduce_or3A_390 = vector.shape_cast %reduce_or3A_389 : vector<1xf32> to vector<1x1x1xf32>
        %reduce_or3A_391 = vector.extract %reduce_or3A_390[0, 0, 0] : f32 from vector<1x1x1xf32>
        %reduce_or3A_392 = arith.constant 0.000000e+00 : f32
        %reduce_or3A_393 = arith.cmpf ogt, %reduce_or3A_391, %reduce_or3A_392 : f32
        %convert_element_type3A_394 = arith.extui %reduce_or3A_393 : i1 to i32
        %cond3A = arith.constant 0 : i32
        %cond3A_395 = arith.constant 0 : i32
        %cond3A_396 = arith.cmpi ne, %convert_element_type3A_394, %cond3A_395 : i32
        %cond3A_397 = scf.if %cond3A_396 -> (i32) {
          %mul3A_399 = arith.mulf %reshape3A_154, %slice3A_346 : vector<1x128xf32>
          %mul3A_400 = arith.mulf %reshape3A_159, %slice3A_353 : vector<1x128xf32>
          %add3A_401 = arith.addf %mul3A_399, %mul3A_400 : vector<1x128xf32>
          %mul3A_402 = arith.mulf %reshape3A_164, %slice3A_360 : vector<1x128xf32>
          %add3A_403 = arith.addf %add3A_401, %mul3A_402 : vector<1x128xf32>
          %mul3A_404 = arith.constant 0.949999988 : f32
          %mul3A_405 = vector.broadcast %mul3A_404 : f32 to vector<1x128xf32>
          %mul3A_406 = arith.mulf %mul3A_405, %add3A_403 : vector<1x128xf32>
          %mul3A_407 = arith.mulf %reshape3A_169, %slice3A_367 : vector<1x128xf32>
          %add3A_408 = arith.constant 1.000000e-10 : f32
          %add3A_409 = vector.broadcast %add3A_408 : f32 to vector<1x128xf32>
          %add3A_410 = arith.addf %mul3A_407, %add3A_409 : vector<1x128xf32>
          %div3A_411 = arith.divf %mul3A_406, %add3A_410 : vector<1x128xf32>
          %jit3A_412 = arith.constant -1.000000e+00 : f32
          %jit3A_413 = arith.constant 1.000000e+00 : f32
          %max3A = vector.broadcast %jit3A_412 : f32 to vector<1x128xf32>
          %max3A_414 = arith.maximumf %max3A, %div3A_411 : vector<1x128xf32>
          %min3A_415 = vector.broadcast %jit3A_413 : f32 to vector<1x128xf32>
          %min3A_416 = arith.minimumf %min3A_415, %max3A_414 : vector<1x128xf32>
          %mul3A_417 = arith.mulf %min3A_416, %min3A_416 : vector<1x128xf32>
          %sub3A_418 = arith.constant 1.000000e+00 : f32
          %sub3A_419 = vector.broadcast %sub3A_418 : f32 to vector<1x128xf32>
          %sub3A_420 = arith.subf %sub3A_419, %mul3A_417 : vector<1x128xf32>
          %max3A_421 = arith.constant 0.000000e+00 : f32
          %max3A_422 = vector.broadcast %max3A_421 : f32 to vector<1x128xf32>
          %max3A_423 = arith.maximumf %sub3A_420, %max3A_422 : vector<1x128xf32>
          %sqrt3A = math.sqrt %max3A_423 : vector<1x128xf32>
          %broadcast_in_dim3A_424 = vector.shape_cast %min3A_416 : vector<1x128xf32> to vector<1x1x128xf32>
          %mul3A_425 = vector.broadcast %broadcast_in_dim3A_424 : vector<1x1x128xf32> to vector<4x1x128xf32>
          %mul3A_426 = vector.broadcast %select_n3A_37 : vector<4x1x1xf32> to vector<4x1x128xf32>
          %mul3A_427 = arith.mulf %mul3A_425, %mul3A_426 : vector<4x1x128xf32>
          %add3A_428 = arith.constant 1.000000e+00 : f32
          %add3A_429 = vector.broadcast %add3A_428 : f32 to vector<4x1x128xf32>
          %add3A_430 = arith.addf %add3A_429, %mul3A_427 : vector<4x1x128xf32>
          %broadcast_in_dim3A_431 = vector.shape_cast %sqrt3A : vector<1x128xf32> to vector<1x1x128xf32>
          %mul3A_432 = vector.broadcast %broadcast_in_dim3A_431 : vector<1x1x128xf32> to vector<4x1x128xf32>
          %mul3A_433 = vector.broadcast %select_n3A_57 : vector<4x1x1xf32> to vector<4x1x128xf32>
          %mul3A_434 = arith.mulf %mul3A_432, %mul3A_433 : vector<4x1x128xf32>
          %add3A_435 = arith.addf %add3A_430, %mul3A_434 : vector<4x1x128xf32>
          %mul3A_436 = arith.constant 5.000000e-01 : f32
          %mul3A_437 = vector.broadcast %mul3A_436 : f32 to vector<4x1x128xf32>
          %mul3A_438 = arith.mulf %add3A_435, %mul3A_437 : vector<4x1x128xf32>
          %max3A_439 = arith.constant 1.000000e-30 : f32
          %max3A_440 = vector.broadcast %max3A_439 : f32 to vector<4x1x128xf32>
          %max3A_441 = arith.maximumf %mul3A_438, %max3A_440 : vector<4x1x128xf32>
          %log3A = math.log %max3A_441 : vector<4x1x128xf32>
          %mul3A_442 = arith.constant 1.410000e+01 : f32
          %mul3A_443 = vector.broadcast %mul3A_442 : f32 to vector<4x1x128xf32>
          %mul3A_444 = arith.mulf %mul3A_443, %log3A : vector<4x1x128xf32>
          %exp3A_445 = math.exp %mul3A_444 : vector<4x1x128xf32>
          %add3A_446 = arith.addf %reshape3A_169, %slice3A_367 : vector<1x128xf32>
          %mul3A_447 = arith.constant 5.000000e-01 : f32
          %mul3A_448 = vector.broadcast %mul3A_447 : f32 to vector<1x128xf32>
          %mul3A_449 = arith.mulf %add3A_446, %mul3A_448 : vector<1x128xf32>
          %broadcast_in_dim3A_450 = vector.shape_cast %mul3A_449 : vector<1x128xf32> to vector<1x1x128xf32>
          %sub3A_451 = vector.broadcast %broadcast_in_dim3A_450 : vector<1x1x128xf32> to vector<1x8x128xf32>
          %sub3A_452 = vector.broadcast %add3A_65 : vector<1x8x1xf32> to vector<1x8x128xf32>
          %sub3A_453 = arith.subf %sub3A_451, %sub3A_452 : vector<1x8x128xf32>
          %integer_pow3A_454 = arith.mulf %sub3A_453, %sub3A_453 : vector<1x8x128xf32>
          %mul3A_455 = arith.constant -1.250000e+03 : f32
          %mul3A_456 = vector.broadcast %mul3A_455 : f32 to vector<1x8x128xf32>
          %mul3A_457 = arith.mulf %mul3A_456, %integer_pow3A_454 : vector<1x8x128xf32>
          %exp3A_458 = math.exp %mul3A_457 : vector<1x8x128xf32>
          %mul3A_459 = arith.constant 2.000000e+00 : f32
          %mul3A_460 = vector.broadcast %mul3A_459 : f32 to vector<4x1x128xf32>
          %mul3A_461 = arith.mulf %mul3A_460, %exp3A_445 : vector<4x1x128xf32>
          %mul3A_462 = vector.broadcast %mul3A_461 : vector<4x1x128xf32> to vector<4x8x128xf32>
          %mul3A_463 = vector.broadcast %exp3A_458 : vector<1x8x128xf32> to vector<4x8x128xf32>
          %mul3A_464 = arith.mulf %mul3A_462, %mul3A_463 : vector<4x8x128xf32>
          %mul3A_465 = arith.mulf %reshape3A_174, %slice3A_374 : vector<1x128xf32>
          %broadcast_in_dim3A_466 = vector.shape_cast %mul3A_465 : vector<1x128xf32> to vector<1x1x128xf32>
          %mul3A_467 = vector.broadcast %broadcast_in_dim3A_466 : vector<1x1x128xf32> to vector<4x8x128xf32>
          %mul3A_468 = arith.mulf %mul3A_464, %mul3A_467 : vector<4x8x128xf32>
          %reshape3A_469 = vector.shape_cast %mul3A_468 : vector<4x8x128xf32> to vector<32x128xf32>
          %jit3A_470 = arith.constant 0.000000e+00 : f32
          %broadcast_in_dim3A_471 = vector.shape_cast %and3A_382 : vector<1x128xi1> to vector<1x128xi1>
          %broadcast_in_dim3A_472 = vector.broadcast %broadcast_in_dim3A_471 : vector<1x128xi1> to vector<32x128xi1>
          %broadcast_in_dim3A_473 = vector.broadcast %jit3A_470 : f32 to vector<32x128xf32>
          %select_n3A_474 = arith.select %broadcast_in_dim3A_472, %reshape3A_469, %broadcast_in_dim3A_473 : vector<32x128xi1>, vector<32x128xf32>
          %min3A_475 = arith.minsi %reshape3A_144, %slice3A_332 : vector<1x128xi32>
          %max3A_476 = arith.maxsi %reshape3A_144, %slice3A_332 : vector<1x128xi32>
          %sub3A_477 = arith.constant 15 : i32
          %sub3A_478 = vector.broadcast %sub3A_477 : i32 to vector<1x128xi32>
          %sub3A_479 = arith.subi %sub3A_478, %min3A_475 : vector<1x128xi32>
          %mul3A_480 = arith.muli %min3A_475, %sub3A_479 : vector<1x128xi32>
          %jit3A_481 = arith.constant 2 : i32
          %div3A_482 = vector.broadcast %jit3A_481 : i32 to vector<1x128xi32>
          %div3A_483 = arith.divsi %mul3A_480, %div3A_482 : vector<1x128xi32>
          %sign3A_484 = arith.constant 0 : i32
          %sign3A_485 = vector.broadcast %sign3A_484 : i32 to vector<1x128xi32>
          %sign3A_486 = arith.cmpi sgt, %mul3A_480, %sign3A_485 : vector<1x128xi32>
          %sign3A_487 = arith.extui %sign3A_486 : vector<1x128xi1> to vector<1x128xi32>
          %sign3A_488 = arith.constant 0 : i32
          %sign3A_489 = vector.broadcast %sign3A_488 : i32 to vector<1x128xi32>
          %sign3A_490 = arith.cmpi slt, %mul3A_480, %sign3A_489 : vector<1x128xi32>
          %sign3A_491 = arith.extui %sign3A_490 : vector<1x128xi1> to vector<1x128xi32>
          %sign3A_492 = arith.subi %sign3A_487, %sign3A_491 : vector<1x128xi32>
          %sign3A_493 = arith.constant 0 : i32
          %sign3A_494 = arith.cmpi sgt, %jit3A_481, %sign3A_493 : i32
          %sign3A_495 = arith.extui %sign3A_494 : i1 to i32
          %sign3A_496 = arith.constant 0 : i32
          %sign3A_497 = arith.cmpi slt, %jit3A_481, %sign3A_496 : i32
          %sign3A_498 = arith.extui %sign3A_497 : i1 to i32
          %sign3A_499 = arith.subi %sign3A_495, %sign3A_498 : i32
          %ne3A_500 = vector.broadcast %sign3A_499 : i32 to vector<1x128xi32>
          %ne3A_501 = arith.cmpi ne, %sign3A_492, %ne3A_500 : vector<1x128xi32>
          %rem3A_502 = vector.broadcast %jit3A_481 : i32 to vector<1x128xi32>
          %rem3A_503 = arith.remsi %mul3A_480, %rem3A_502 : vector<1x128xi32>
          %ne3A_504 = arith.constant 0 : i32
          %ne3A_505 = vector.broadcast %ne3A_504 : i32 to vector<1x128xi32>
          %ne3A_506 = arith.cmpi ne, %rem3A_503, %ne3A_505 : vector<1x128xi32>
          %and3A_507 = arith.andi %ne3A_501, %ne3A_506 : vector<1x128xi1>
          %sub3A_508 = arith.constant 1 : i32
          %sub3A_509 = vector.broadcast %sub3A_508 : i32 to vector<1x128xi32>
          %sub3A_510 = arith.subi %div3A_483, %sub3A_509 : vector<1x128xi32>
          %select_n3A_511 = arith.select %and3A_507, %sub3A_510, %div3A_483 : vector<1x128xi1>, vector<1x128xi32>
          %sub3A_512 = arith.subi %max3A_476, %min3A_475 : vector<1x128xi32>
          %add3A_513 = arith.addi %select_n3A_511, %sub3A_512 : vector<1x128xi32>
          %mul3A_514 = arith.constant 28 : i32
          %mul3A_515 = vector.broadcast %mul3A_514 : i32 to vector<1x128xi32>
          %mul3A_516 = arith.muli %sub3A_176, %mul3A_515 : vector<1x128xi32>
          %add3A_517 = arith.addi %mul3A_516, %add3A_513 : vector<1x128xi32>
          %eq3A_518 = vector.broadcast %add3A_517 : vector<1x128xi32> to vector<448x128xi32>
          %eq3A_519 = arith.cmpi eq, %iota3A_116, %eq3A_518 : vector<448x128xi32>
          %and3A_520 = vector.broadcast %and3A_382 : vector<1x128xi1> to vector<448x128xi1>
          %and3A_521 = arith.andi %eq3A_519, %and3A_520 : vector<448x128xi1>
          %convert_element_type3A_522 = arith.extui %and3A_521 : vector<448x128xi1> to vector<448x128xi32>
          %convert_element_type3A_523 = arith.sitofp %convert_element_type3A_522 : vector<448x128xi32> to vector<448x128xf32>
          %get3A_524 = arith.constant 0 : index
          %get3A_525 = arith.constant 0 : index
          %get3A_526 = vector.load %arg13[%get3A_524, %get3A_525] : memref<448x32xf32, #tpu.memory_space<vmem>>, vector<448x32xf32>
          %dot_general3A_527 = arith.constant dense<0.000000e+00> : vector<448x32xf32>
          %dot_general3A_528 = tpu.matmul %convert_element_type3A_523, %select_n3A_474, %dot_general3A_527 {dimension_numbers = #tpu.dot_dimension_numbers<[1], [1], [0], [0], [0, 0, 1, 0], [], []>, transpose_lhs_hint = false} : vector<448x128xf32>, vector<32x128xf32>, vector<448x32xf32> -> vector<448x32xf32>
          %add3A_529 = arith.addf %get3A_526, %dot_general3A_528 : vector<448x32xf32>
          %swap3A_530 = arith.constant 0 : index
          %swap3A_531 = arith.constant 0 : index
          %swap3A_532 = vector.load %arg13[%swap3A_530, %swap3A_531] : memref<448x32xf32, #tpu.memory_space<vmem>>, vector<448x32xf32>
          tpu.vector_store %arg13[%swap3A_530, %swap3A_531], %add3A_529 {strides = array<i32>} : memref<448x32xf32, #tpu.memory_space<vmem>>, vector<448x32xf32>,
          %cond3A_533 = arith.constant 0 : i32
          scf.yield %cond3A_533 : i32
        } else {
          %cond3A_399 = arith.constant 0 : i32
          scf.yield %cond3A_399 : i32
        }
        %while3A_398 = arith.constant 0 : i32
        scf.yield %while3A_398 : i32
      }
      %while3A_283 = arith.constant 1 : i32
      %while3A_284 = scf.for %while3A_286 = %while3A_280 to %while3A_276 step %while3A_283 iter_args(%while3A_287 = %while3A_282) -> (i32)  : i32 {
        %jit3A_288 = arith.constant 128 : i32
        %div3A_289 = arith.divsi %while3A_286, %jit3A_288 : i32
        %sign3A_290 = arith.constant 0 : i32
        %sign3A_291 = arith.cmpi sgt, %while3A_286, %sign3A_290 : i32
        %sign3A_292 = arith.extui %sign3A_291 : i1 to i32
        %sign3A_293 = arith.constant 0 : i32
        %sign3A_294 = arith.cmpi slt, %while3A_286, %sign3A_293 : i32
        %sign3A_295 = arith.extui %sign3A_294 : i1 to i32
        %sign3A_296 = arith.subi %sign3A_292, %sign3A_295 : i32
        %sign3A_297 = arith.constant 0 : i32
        %sign3A_298 = arith.cmpi sgt, %jit3A_288, %sign3A_297 : i32
        %sign3A_299 = arith.extui %sign3A_298 : i1 to i32
        %sign3A_300 = arith.constant 0 : i32
        %sign3A_301 = arith.cmpi slt, %jit3A_288, %sign3A_300 : i32
        %sign3A_302 = arith.extui %sign3A_301 : i1 to i32
        %sign3A_303 = arith.subi %sign3A_299, %sign3A_302 : i32
        %ne3A_304 = arith.cmpi ne, %sign3A_296, %sign3A_303 : i32
        %rem3A_305 = arith.remsi %while3A_286, %jit3A_288 : i32
        %ne3A_306 = arith.constant 0 : i32
        %ne3A_307 = arith.cmpi ne, %rem3A_305, %ne3A_306 : i32
        %and3A_308 = arith.andi %ne3A_304, %ne3A_307 : i1
        %sub3A_309 = arith.constant 1 : i32
        %sub3A_310 = arith.subi %div3A_289, %sub3A_309 : i32
        %select_n3A_311 = arith.select %and3A_308, %sub3A_310, %div3A_289 : i32
        %mul3A_312 = arith.constant 128 : i32
        %mul3A_313 = arith.muli %select_n3A_311, %mul3A_312 : i32
        %sub3A_314 = arith.subi %while3A_286, %mul3A_313 : i32
        %add3A_315 = arith.addi %select_n3A_83, %while3A_128 : i32
        %add3A_316 = arith.addi %add3A_315, %select_n3A_311 : i32
        %mul3A_317 = arith.constant 128 : i32
        %mul3A_318 = arith.muli %add3A_316, %mul3A_317 : i32
        %sub3A_319 = arith.constant 256 : i32
        %sub3A_320 = arith.subi %sub3A_319, %sub3A_314 : i32
        %get3A_321 = arith.constant 0 : index
        %get3A_322 = arith.index_cast %mul3A_318 : i32 to index
        %get3A_323 = vector.load %arg3[%get3A_321, %get3A_322] : memref<1x131328xi32, #tpu.memory_space<vmem>>, vector<1x256xi32>
        %get3A_324 = vector.shape_cast %get3A_323 : vector<1x256xi32> to vector<256xi32>
        %reshape3A_325 = vector.shape_cast %get3A_324 : vector<256xi32> to vector<1x256xi32>
        %roll3A = tpu.dynamic_rotate %reshape3A_325 by %sub3A_320 dim 1 : vector<1x256xi32>, i32 -> vector<1x256xi32>
        %slice3A = vector.extract_strided_slice %roll3A {offsets = [0, 0], sizes = [1, 128], strides = [1, 1]} : vector<1x256xi32> to vector<1x128xi32>
        %get3A_326 = arith.constant 0 : index
        %get3A_327 = arith.index_cast %mul3A_318 : i32 to index
        %get3A_328 = vector.load %arg4[%get3A_326, %get3A_327] : memref<1x131328xi32, #tpu.memory_space<vmem>>, vector<1x256xi32>
        %get3A_329 = vector.shape_cast %get3A_328 : vector<1x256xi32> to vector<256xi32>
        %reshape3A_330 = vector.shape_cast %get3A_329 : vector<256xi32> to vector<1x256xi32>
        %roll3A_331 = tpu.dynamic_rotate %reshape3A_330 by %sub3A_320 dim 1 : vector<1x256xi32>, i32 -> vector<1x256xi32>
        %slice3A_332 = vector.extract_strided_slice %roll3A_331 {offsets = [0, 0], sizes = [1, 128], strides = [1, 1]} : vector<1x256xi32> to vector<1x128xi32>
        %get3A_333 = arith.constant 0 : index
        %get3A_334 = arith.index_cast %mul3A_318 : i32 to index
        %get3A_335 = vector.load %arg5[%get3A_333, %get3A_334] : memref<1x131328xi32, #tpu.memory_space<vmem>>, vector<1x256xi32>
        %get3A_336 = vector.shape_cast %get3A_335 : vector<1x256xi32> to vector<256xi32>
        %reshape3A_337 = vector.shape_cast %get3A_336 : vector<256xi32> to vector<1x256xi32>
        %roll3A_338 = tpu.dynamic_rotate %reshape3A_337 by %sub3A_320 dim 1 : vector<1x256xi32>, i32 -> vector<1x256xi32>
        %slice3A_339 = vector.extract_strided_slice %roll3A_338 {offsets = [0, 0], sizes = [1, 128], strides = [1, 1]} : vector<1x256xi32> to vector<1x128xi32>
        %get3A_340 = arith.constant 0 : index
        %get3A_341 = arith.index_cast %mul3A_318 : i32 to index
        %get3A_342 = vector.load %arg6[%get3A_340, %get3A_341] : memref<1x131328xf32, #tpu.memory_space<vmem>>, vector<1x256xf32>
        %get3A_343 = vector.shape_cast %get3A_342 : vector<1x256xf32> to vector<256xf32>
        %reshape3A_344 = vector.shape_cast %get3A_343 : vector<256xf32> to vector<1x256xf32>
        %roll3A_345 = tpu.dynamic_rotate %reshape3A_344 by %sub3A_320 dim 1 : vector<1x256xf32>, i32 -> vector<1x256xf32>
        %slice3A_346 = vector.extract_strided_slice %roll3A_345 {offsets = [0, 0], sizes = [1, 128], strides = [1, 1]} : vector<1x256xf32> to vector<1x128xf32>
        %get3A_347 = arith.constant 0 : index
        %get3A_348 = arith.index_cast %mul3A_318 : i32 to index
        %get3A_349 = vector.load %arg7[%get3A_347, %get3A_348] : memref<1x131328xf32, #tpu.memory_space<vmem>>, vector<1x256xf32>
        %get3A_350 = vector.shape_cast %get3A_349 : vector<1x256xf32> to vector<256xf32>
        %reshape3A_351 = vector.shape_cast %get3A_350 : vector<256xf32> to vector<1x256xf32>
        %roll3A_352 = tpu.dynamic_rotate %reshape3A_351 by %sub3A_320 dim 1 : vector<1x256xf32>, i32 -> vector<1x256xf32>
        %slice3A_353 = vector.extract_strided_slice %roll3A_352 {offsets = [0, 0], sizes = [1, 128], strides = [1, 1]} : vector<1x256xf32> to vector<1x128xf32>
        %get3A_354 = arith.constant 0 : index
        %get3A_355 = arith.index_cast %mul3A_318 : i32 to index
        %get3A_356 = vector.load %arg8[%get3A_354, %get3A_355] : memref<1x131328xf32, #tpu.memory_space<vmem>>, vector<1x256xf32>
        %get3A_357 = vector.shape_cast %get3A_356 : vector<1x256xf32> to vector<256xf32>
        %reshape3A_358 = vector.shape_cast %get3A_357 : vector<256xf32> to vector<1x256xf32>
        %roll3A_359 = tpu.dynamic_rotate %reshape3A_358 by %sub3A_320 dim 1 : vector<1x256xf32>, i32 -> vector<1x256xf32>
        %slice3A_360 = vector.extract_strided_slice %roll3A_359 {offsets = [0, 0], sizes = [1, 128], strides = [1, 1]} : vector<1x256xf32> to vector<1x128xf32>
        %get3A_361 = arith.constant 0 : index
        %get3A_362 = arith.index_cast %mul3A_318 : i32 to index
        %get3A_363 = vector.load %arg9[%get3A_361, %get3A_362] : memref<1x131328xf32, #tpu.memory_space<vmem>>, vector<1x256xf32>
        %get3A_364 = vector.shape_cast %get3A_363 : vector<1x256xf32> to vector<256xf32>
        %reshape3A_365 = vector.shape_cast %get3A_364 : vector<256xf32> to vector<1x256xf32>
        %roll3A_366 = tpu.dynamic_rotate %reshape3A_365 by %sub3A_320 dim 1 : vector<1x256xf32>, i32 -> vector<1x256xf32>
        %slice3A_367 = vector.extract_strided_slice %roll3A_366 {offsets = [0, 0], sizes = [1, 128], strides = [1, 1]} : vector<1x256xf32> to vector<1x128xf32>
        %get3A_368 = arith.constant 0 : index
        %get3A_369 = arith.index_cast %mul3A_318 : i32 to index
        %get3A_370 = vector.load %arg10[%get3A_368, %get3A_369] : memref<1x131328xf32, #tpu.memory_space<vmem>>, vector<1x256xf32>
        %get3A_371 = vector.shape_cast %get3A_370 : vector<1x256xf32> to vector<256xf32>
        %reshape3A_372 = vector.shape_cast %get3A_371 : vector<256xf32> to vector<1x256xf32>
        %roll3A_373 = tpu.dynamic_rotate %reshape3A_372 by %sub3A_320 dim 1 : vector<1x256xf32>, i32 -> vector<1x256xf32>
        %slice3A_374 = vector.extract_strided_slice %roll3A_373 {offsets = [0, 0], sizes = [1, 128], strides = [1, 1]} : vector<1x256xf32> to vector<1x128xf32>
        %eq3A_375 = arith.cmpi eq, %slice3A, %reshape3A : vector<1x128xi32>
        %gt3A = arith.constant 0 : i32
        %gt3A_376 = vector.broadcast %gt3A : i32 to vector<1x128xi32>
        %gt3A_377 = arith.cmpi sgt, %reshape3A_149, %gt3A_376 : vector<1x128xi32>
        %and3A_378 = arith.andi %eq3A_375, %gt3A_377 : vector<1x128xi1>
        %gt3A_379 = arith.constant 0 : i32
        %gt3A_380 = vector.broadcast %gt3A_379 : i32 to vector<1x128xi32>
        %gt3A_381 = arith.cmpi sgt, %slice3A_339, %gt3A_380 : vector<1x128xi32>
        %and3A_382 = arith.andi %and3A_378, %gt3A_381 : vector<1x128xi1>
        %reduce_or3A = arith.constant 1.000000e+00 : f32
        %reduce_or3A_383 = arith.constant 0.000000e+00 : f32
        %reduce_or3A_384 = vector.broadcast %reduce_or3A : f32 to vector<1x128xf32>
        %reduce_or3A_385 = vector.broadcast %reduce_or3A_383 : f32 to vector<1x128xf32>
        %reduce_or3A_386 = arith.select %and3A_382, %reduce_or3A_384, %reduce_or3A_385 : vector<1x128xi1>, vector<1x128xf32>
        %reduce_or3A_387 = vector.shape_cast %reduce_or3A_386 : vector<1x128xf32> to vector<1x1x128xf32>
        %reduce_or3A_388 = arith.constant dense<0xFF800000> : vector<1xf32>
        %reduce_or3A_389 = vector.multi_reduction <maximumf>, %reduce_or3A_387, %reduce_or3A_388 [1, 2] : vector<1x1x128xf32> to vector<1xf32>
        %reduce_or3A_390 = vector.shape_cast %reduce_or3A_389 : vector<1xf32> to vector<1x1x1xf32>
        %reduce_or3A_391 = vector.extract %reduce_or3A_390[0, 0, 0] : f32 from vector<1x1x1xf32>
        %reduce_or3A_392 = arith.constant 0.000000e+00 : f32
        %reduce_or3A_393 = arith.cmpf ogt, %reduce_or3A_391, %reduce_or3A_392 : f32
        %convert_element_type3A_394 = arith.extui %reduce_or3A_393 : i1 to i32
        %cond3A = arith.constant 0 : i32
        %cond3A_395 = arith.constant 0 : i32
        %cond3A_396 = arith.cmpi ne, %convert_element_type3A_394, %cond3A_395 : i32
        %cond3A_397 = scf.if %cond3A_396 -> (i32) {
          %mul3A_399 = arith.mulf %reshape3A_154, %slice3A_346 : vector<1x128xf32>
          %mul3A_400 = arith.mulf %reshape3A_159, %slice3A_353 : vector<1x128xf32>
          %add3A_401 = arith.addf %mul3A_399, %mul3A_400 : vector<1x128xf32>
          %mul3A_402 = arith.mulf %reshape3A_164, %slice3A_360 : vector<1x128xf32>
          %add3A_403 = arith.addf %add3A_401, %mul3A_402 : vector<1x128xf32>
          %mul3A_404 = arith.constant 0.949999988 : f32
          %mul3A_405 = vector.broadcast %mul3A_404 : f32 to vector<1x128xf32>
          %mul3A_406 = arith.mulf %mul3A_405, %add3A_403 : vector<1x128xf32>
          %mul3A_407 = arith.mulf %reshape3A_169, %slice3A_367 : vector<1x128xf32>
          %add3A_408 = arith.constant 1.000000e-10 : f32
          %add3A_409 = vector.broadcast %add3A_408 : f32 to vector<1x128xf32>
          %add3A_410 = arith.addf %mul3A_407, %add3A_409 : vector<1x128xf32>
          %div3A_411 = arith.divf %mul3A_406, %add3A_410 : vector<1x128xf32>
          %jit3A_412 = arith.constant -1.000000e+00 : f32
          %jit3A_413 = arith.constant 1.000000e+00 : f32
          %max3A = vector.broadcast %jit3A_412 : f32 to vector<1x128xf32>
          %max3A_414 = arith.maximumf %max3A, %div3A_411 : vector<1x128xf32>
          %min3A_415 = vector.broadcast %jit3A_413 : f32 to vector<1x128xf32>
          %min3A_416 = arith.minimumf %min3A_415, %max3A_414 : vector<1x128xf32>
          %mul3A_417 = arith.mulf %min3A_416, %min3A_416 : vector<1x128xf32>
          %sub3A_418 = arith.constant 1.000000e+00 : f32
          %sub3A_419 = vector.broadcast %sub3A_418 : f32 to vector<1x128xf32>
          %sub3A_420 = arith.subf %sub3A_419, %mul3A_417 : vector<1x128xf32>
          %max3A_421 = arith.constant 0.000000e+00 : f32
          %max3A_422 = vector.broadcast %max3A_421 : f32 to vector<1x128xf32>
          %max3A_423 = arith.maximumf %sub3A_420, %max3A_422 : vector<1x128xf32>
          %sqrt3A = math.sqrt %max3A_423 : vector<1x128xf32>
          %broadcast_in_dim3A_424 = vector.shape_cast %min3A_416 : vector<1x128xf32> to vector<1x1x128xf32>
          %mul3A_425 = vector.broadcast %broadcast_in_dim3A_424 : vector<1x1x128xf32> to vector<4x1x128xf32>
          %mul3A_426 = vector.broadcast %select_n3A_37 : vector<4x1x1xf32> to vector<4x1x128xf32>
          %mul3A_427 = arith.mulf %mul3A_425, %mul3A_426 : vector<4x1x128xf32>
          %add3A_428 = arith.constant 1.000000e+00 : f32
          %add3A_429 = vector.broadcast %add3A_428 : f32 to vector<4x1x128xf32>
          %add3A_430 = arith.addf %add3A_429, %mul3A_427 : vector<4x1x128xf32>
          %broadcast_in_dim3A_431 = vector.shape_cast %sqrt3A : vector<1x128xf32> to vector<1x1x128xf32>
          %mul3A_432 = vector.broadcast %broadcast_in_dim3A_431 : vector<1x1x128xf32> to vector<4x1x128xf32>
          %mul3A_433 = vector.broadcast %select_n3A_57 : vector<4x1x1xf32> to vector<4x1x128xf32>
          %mul3A_434 = arith.mulf %mul3A_432, %mul3A_433 : vector<4x1x128xf32>
          %add3A_435 = arith.addf %add3A_430, %mul3A_434 : vector<4x1x128xf32>
          %mul3A_436 = arith.constant 5.000000e-01 : f32
          %mul3A_437 = vector.broadcast %mul3A_436 : f32 to vector<4x1x128xf32>
          %mul3A_438 = arith.mulf %add3A_435, %mul3A_437 : vector<4x1x128xf32>
          %max3A_439 = arith.constant 1.000000e-30 : f32
          %max3A_440 = vector.broadcast %max3A_439 : f32 to vector<4x1x128xf32>
          %max3A_441 = arith.maximumf %mul3A_438, %max3A_440 : vector<4x1x128xf32>
          %log3A = math.log %max3A_441 : vector<4x1x128xf32>
          %mul3A_442 = arith.constant 1.410000e+01 : f32
          %mul3A_443 = vector.broadcast %mul3A_442 : f32 to vector<4x1x128xf32>
          %mul3A_444 = arith.mulf %mul3A_443, %log3A : vector<4x1x128xf32>
          %exp3A_445 = math.exp %mul3A_444 : vector<4x1x128xf32>
          %add3A_446 = arith.addf %reshape3A_169, %slice3A_367 : vector<1x128xf32>
          %mul3A_447 = arith.constant 5.000000e-01 : f32
          %mul3A_448 = vector.broadcast %mul3A_447 : f32 to vector<1x128xf32>
          %mul3A_449 = arith.mulf %add3A_446, %mul3A_448 : vector<1x128xf32>
          %broadcast_in_dim3A_450 = vector.shape_cast %mul3A_449 : vector<1x128xf32> to vector<1x1x128xf32>
          %sub3A_451 = vector.broadcast %broadcast_in_dim3A_450 : vector<1x1x128xf32> to vector<1x8x128xf32>
          %sub3A_452 = vector.broadcast %add3A_65 : vector<1x8x1xf32> to vector<1x8x128xf32>
          %sub3A_453 = arith.subf %sub3A_451, %sub3A_452 : vector<1x8x128xf32>
          %integer_pow3A_454 = arith.mulf %sub3A_453, %sub3A_453 : vector<1x8x128xf32>
          %mul3A_455 = arith.constant -1.250000e+03 : f32
          %mul3A_456 = vector.broadcast %mul3A_455 : f32 to vector<1x8x128xf32>
          %mul3A_457 = arith.mulf %mul3A_456, %integer_pow3A_454 : vector<1x8x128xf32>
          %exp3A_458 = math.exp %mul3A_457 : vector<1x8x128xf32>
          %mul3A_459 = arith.constant 2.000000e+00 : f32
          %mul3A_460 = vector.broadcast %mul3A_459 : f32 to vector<4x1x128xf32>
          %mul3A_461 = arith.mulf %mul3A_460, %exp3A_445 : vector<4x1x128xf32>
          %mul3A_462 = vector.broadcast %mul3A_461 : vector<4x1x128xf32> to vector<4x8x128xf32>
          %mul3A_463 = vector.broadcast %exp3A_458 : vector<1x8x128xf32> to vector<4x8x128xf32>
          %mul3A_464 = arith.mulf %mul3A_462, %mul3A_463 : vector<4x8x128xf32>
          %mul3A_465 = arith.mulf %reshape3A_174, %slice3A_374 : vector<1x128xf32>
          %broadcast_in_dim3A_466 = vector.shape_cast %mul3A_465 : vector<1x128xf32> to vector<1x1x128xf32>
          %mul3A_467 = vector.broadcast %broadcast_in_dim3A_466 : vector<1x1x128xf32> to vector<4x8x128xf32>
          %mul3A_468 = arith.mulf %mul3A_464, %mul3A_467 : vector<4x8x128xf32>
          %reshape3A_469 = vector.shape_cast %mul3A_468 : vector<4x8x128xf32> to vector<32x128xf32>
          %jit3A_470 = arith.constant 0.000000e+00 : f32
          %broadcast_in_dim3A_471 = vector.shape_cast %and3A_382 : vector<1x128xi1> to vector<1x128xi1>
          %broadcast_in_dim3A_472 = vector.broadcast %broadcast_in_dim3A_471 : vector<1x128xi1> to vector<32x128xi1>
          %broadcast_in_dim3A_473 = vector.broadcast %jit3A_470 : f32 to vector<32x128xf32>
          %select_n3A_474 = arith.select %broadcast_in_dim3A_472, %reshape3A_469, %broadcast_in_dim3A_473 : vector<32x128xi1>, vector<32x128xf32>
          %min3A_475 = arith.minsi %reshape3A_144, %slice3A_332 : vector<1x128xi32>
          %max3A_476 = arith.maxsi %reshape3A_144, %slice3A_332 : vector<1x128xi32>
          %sub3A_477 = arith.constant 15 : i32
          %sub3A_478 = vector.broadcast %sub3A_477 : i32 to vector<1x128xi32>
          %sub3A_479 = arith.subi %sub3A_478, %min3A_475 : vector<1x128xi32>
          %mul3A_480 = arith.muli %min3A_475, %sub3A_479 : vector<1x128xi32>
          %jit3A_481 = arith.constant 2 : i32
          %div3A_482 = vector.broadcast %jit3A_481 : i32 to vector<1x128xi32>
          %div3A_483 = arith.divsi %mul3A_480, %div3A_482 : vector<1x128xi32>
          %sign3A_484 = arith.constant 0 : i32
          %sign3A_485 = vector.broadcast %sign3A_484 : i32 to vector<1x128xi32>
          %sign3A_486 = arith.cmpi sgt, %mul3A_480, %sign3A_485 : vector<1x128xi32>
          %sign3A_487 = arith.extui %sign3A_486 : vector<1x128xi1> to vector<1x128xi32>
          %sign3A_488 = arith.constant 0 : i32
          %sign3A_489 = vector.broadcast %sign3A_488 : i32 to vector<1x128xi32>
          %sign3A_490 = arith.cmpi slt, %mul3A_480, %sign3A_489 : vector<1x128xi32>
          %sign3A_491 = arith.extui %sign3A_490 : vector<1x128xi1> to vector<1x128xi32>
          %sign3A_492 = arith.subi %sign3A_487, %sign3A_491 : vector<1x128xi32>
          %sign3A_493 = arith.constant 0 : i32
          %sign3A_494 = arith.cmpi sgt, %jit3A_481, %sign3A_493 : i32
          %sign3A_495 = arith.extui %sign3A_494 : i1 to i32
          %sign3A_496 = arith.constant 0 : i32
          %sign3A_497 = arith.cmpi slt, %jit3A_481, %sign3A_496 : i32
          %sign3A_498 = arith.extui %sign3A_497 : i1 to i32
          %sign3A_499 = arith.subi %sign3A_495, %sign3A_498 : i32
          %ne3A_500 = vector.broadcast %sign3A_499 : i32 to vector<1x128xi32>
          %ne3A_501 = arith.cmpi ne, %sign3A_492, %ne3A_500 : vector<1x128xi32>
          %rem3A_502 = vector.broadcast %jit3A_481 : i32 to vector<1x128xi32>
          %rem3A_503 = arith.remsi %mul3A_480, %rem3A_502 : vector<1x128xi32>
          %ne3A_504 = arith.constant 0 : i32
          %ne3A_505 = vector.broadcast %ne3A_504 : i32 to vector<1x128xi32>
          %ne3A_506 = arith.cmpi ne, %rem3A_503, %ne3A_505 : vector<1x128xi32>
          %and3A_507 = arith.andi %ne3A_501, %ne3A_506 : vector<1x128xi1>
          %sub3A_508 = arith.constant 1 : i32
          %sub3A_509 = vector.broadcast %sub3A_508 : i32 to vector<1x128xi32>
          %sub3A_510 = arith.subi %div3A_483, %sub3A_509 : vector<1x128xi32>
          %select_n3A_511 = arith.select %and3A_507, %sub3A_510, %div3A_483 : vector<1x128xi1>, vector<1x128xi32>
          %sub3A_512 = arith.subi %max3A_476, %min3A_475 : vector<1x128xi32>
          %add3A_513 = arith.addi %select_n3A_511, %sub3A_512 : vector<1x128xi32>
          %mul3A_514 = arith.constant 28 : i32
          %mul3A_515 = vector.broadcast %mul3A_514 : i32 to vector<1x128xi32>
          %mul3A_516 = arith.muli %sub3A_176, %mul3A_515 : vector<1x128xi32>
          %add3A_517 = arith.addi %mul3A_516, %add3A_513 : vector<1x128xi32>
          %eq3A_518 = vector.broadcast %add3A_517 : vector<1x128xi32> to vector<448x128xi32>
          %eq3A_519 = arith.cmpi eq, %iota3A_116, %eq3A_518 : vector<448x128xi32>
          %and3A_520 = vector.broadcast %and3A_382 : vector<1x128xi1> to vector<448x128xi1>
          %and3A_521 = arith.andi %eq3A_519, %and3A_520 : vector<448x128xi1>
          %convert_element_type3A_522 = arith.extui %and3A_521 : vector<448x128xi1> to vector<448x128xi32>
          %convert_element_type3A_523 = arith.sitofp %convert_element_type3A_522 : vector<448x128xi32> to vector<448x128xf32>
          %get3A_524 = arith.constant 0 : index
          %get3A_525 = arith.constant 0 : index
          %get3A_526 = vector.load %arg13[%get3A_524, %get3A_525] : memref<448x32xf32, #tpu.memory_space<vmem>>, vector<448x32xf32>
          %dot_general3A_527 = arith.constant dense<0.000000e+00> : vector<448x32xf32>
          %dot_general3A_528 = tpu.matmul %convert_element_type3A_523, %select_n3A_474, %dot_general3A_527 {dimension_numbers = #tpu.dot_dimension_numbers<[1], [1], [0], [0], [0, 0, 1, 0], [], []>, transpose_lhs_hint = false} : vector<448x128xf32>, vector<32x128xf32>, vector<448x32xf32> -> vector<448x32xf32>
          %add3A_529 = arith.addf %get3A_526, %dot_general3A_528 : vector<448x32xf32>
          %swap3A_530 = arith.constant 0 : index
          %swap3A_531 = arith.constant 0 : index
          %swap3A_532 = vector.load %arg13[%swap3A_530, %swap3A_531] : memref<448x32xf32, #tpu.memory_space<vmem>>, vector<448x32xf32>
          tpu.vector_store %arg13[%swap3A_530, %swap3A_531], %add3A_529 {strides = array<i32>} : memref<448x32xf32, #tpu.memory_space<vmem>>, vector<448x32xf32>,
          %cond3A_533 = arith.constant 0 : i32
          scf.yield %cond3A_533 : i32
        } else {
          %cond3A_399 = arith.constant 0 : i32
          scf.yield %cond3A_399 : i32
        }
        %while3A_398 = arith.constant 0 : i32
        scf.yield %while3A_398 : i32
      }
      %while3A_285 = arith.constant 0 : i32
      scf.yield %while3A_285 : i32
    }
    %while3A_126 = arith.constant 1 : i32
    %while3A_127 = scf.for %while3A_128 = %while3A_123 to %while3A_119 step %while3A_126 iter_args(%while3A_129 = %while3A_125) -> (i32)  : i32 {
      %mul3A_130 = arith.constant 128 : i32
      %mul3A_131 = arith.muli %while3A_128, %mul3A_130 : i32
      %add3A_132 = arith.addi %mul3A_85, %mul3A_131 : i32
      %add3A_133 = arith.addi %select_n3A_83, %while3A_128 : i32
      %mul3A_134 = arith.constant 128 : i32
      %mul3A_135 = arith.muli %add3A_133, %mul3A_134 : i32
      %get3A_136 = arith.constant 0 : index
      %get3A_137 = arith.index_cast %mul3A_135 : i32 to index
      %get3A_138 = vector.load %arg3[%get3A_136, %get3A_137] : memref<1x131328xi32, #tpu.memory_space<vmem>>, vector<1x128xi32>
      %get3A_139 = vector.shape_cast %get3A_138 : vector<1x128xi32> to vector<128xi32>
      %reshape3A = vector.shape_cast %get3A_139 : vector<128xi32> to vector<1x128xi32>
      %get3A_140 = arith.constant 0 : index
      %get3A_141 = arith.index_cast %mul3A_135 : i32 to index
      %get3A_142 = vector.load %arg4[%get3A_140, %get3A_141] : memref<1x131328xi32, #tpu.memory_space<vmem>>, vector<1x128xi32>
      %get3A_143 = vector.shape_cast %get3A_142 : vector<1x128xi32> to vector<128xi32>
      %reshape3A_144 = vector.shape_cast %get3A_143 : vector<128xi32> to vector<1x128xi32>
      %get3A_145 = arith.constant 0 : index
      %get3A_146 = arith.index_cast %mul3A_135 : i32 to index
      %get3A_147 = vector.load %arg5[%get3A_145, %get3A_146] : memref<1x131328xi32, #tpu.memory_space<vmem>>, vector<1x128xi32>
      %get3A_148 = vector.shape_cast %get3A_147 : vector<1x128xi32> to vector<128xi32>
      %reshape3A_149 = vector.shape_cast %get3A_148 : vector<128xi32> to vector<1x128xi32>
      %get3A_150 = arith.constant 0 : index
      %get3A_151 = arith.index_cast %mul3A_135 : i32 to index
      %get3A_152 = vector.load %arg6[%get3A_150, %get3A_151] : memref<1x131328xf32, #tpu.memory_space<vmem>>, vector<1x128xf32>
      %get3A_153 = vector.shape_cast %get3A_152 : vector<1x128xf32> to vector<128xf32>
      %reshape3A_154 = vector.shape_cast %get3A_153 : vector<128xf32> to vector<1x128xf32>
      %get3A_155 = arith.constant 0 : index
      %get3A_156 = arith.index_cast %mul3A_135 : i32 to index
      %get3A_157 = vector.load %arg7[%get3A_155, %get3A_156] : memref<1x131328xf32, #tpu.memory_space<vmem>>, vector<1x128xf32>
      %get3A_158 = vector.shape_cast %get3A_157 : vector<1x128xf32> to vector<128xf32>
      %reshape3A_159 = vector.shape_cast %get3A_158 : vector<128xf32> to vector<1x128xf32>
      %get3A_160 = arith.constant 0 : index
      %get3A_161 = arith.index_cast %mul3A_135 : i32 to index
      %get3A_162 = vector.load %arg8[%get3A_160, %get3A_161] : memref<1x131328xf32, #tpu.memory_space<vmem>>, vector<1x128xf32>
      %get3A_163 = vector.shape_cast %get3A_162 : vector<1x128xf32> to vector<128xf32>
      %reshape3A_164 = vector.shape_cast %get3A_163 : vector<128xf32> to vector<1x128xf32>
      %get3A_165 = arith.constant 0 : index
      %get3A_166 = arith.index_cast %mul3A_135 : i32 to index
      %get3A_167 = vector.load %arg9[%get3A_165, %get3A_166] : memref<1x131328xf32, #tpu.memory_space<vmem>>, vector<1x128xf32>
      %get3A_168 = vector.shape_cast %get3A_167 : vector<1x128xf32> to vector<128xf32>
      %reshape3A_169 = vector.shape_cast %get3A_168 : vector<128xf32> to vector<1x128xf32>
      %get3A_170 = arith.constant 0 : index
      %get3A_171 = arith.index_cast %mul3A_135 : i32 to index
      %get3A_172 = vector.load %arg10[%get3A_170, %get3A_171] : memref<1x131328xf32, #tpu.memory_space<vmem>>, vector<1x128xf32>
      %get3A_173 = vector.shape_cast %get3A_172 : vector<1x128xf32> to vector<128xf32>
      %reshape3A_174 = vector.shape_cast %get3A_173 : vector<128xf32> to vector<1x128xf32>
      %sub3A_175 = vector.broadcast %mul3A_0 : i32 to vector<1x128xi32>
      %sub3A_176 = arith.subi %reshape3A, %sub3A_175 : vector<1x128xi32>
      %get3A_177 = arith.constant 0 : index
      %get3A_178 = arith.index_cast %mul3A_135 : i32 to index
      %get3A_179 = vector.load %arg11[%get3A_177, %get3A_178] : memref<1x131328xf32, #tpu.memory_space<vmem>>, vector<1x128xf32>
      %get3A_180 = vector.shape_cast %get3A_179 : vector<1x128xf32> to vector<128xf32>
      %reshape3A_181 = vector.shape_cast %get3A_180 : vector<128xf32> to vector<1x128xf32>
      %sub3A_182 = vector.broadcast %reshape3A_169 : vector<1x128xf32> to vector<16x128xf32>
      %sub3A_183 = vector.broadcast %add3A_18 : vector<16x1xf32> to vector<16x128xf32>
      %sub3A_184 = arith.subf %sub3A_182, %sub3A_183 : vector<16x128xf32>
      %integer_pow3A = arith.mulf %sub3A_184, %sub3A_184 : vector<16x128xf32>
      %mul3A_185 = arith.constant -1.970000e+03 : f32
      %mul3A_186 = vector.broadcast %mul3A_185 : f32 to vector<16x128xf32>
      %mul3A_187 = arith.mulf %mul3A_186, %integer_pow3A : vector<16x128xf32>
      %exp3A = math.exp %mul3A_187 : vector<16x128xf32>
      %mul3A_188 = arith.constant 2.500000e-01 : f32
      %mul3A_189 = vector.broadcast %mul3A_188 : f32 to vector<16x128xf32>
      %mul3A_190 = arith.mulf %mul3A_189, %exp3A : vector<16x128xf32>
      %mul3A_191 = vector.broadcast %reshape3A_181 : vector<1x128xf32> to vector<16x128xf32>
      %mul3A_192 = arith.mulf %mul3A_190, %mul3A_191 : vector<16x128xf32>
      %mul3A_193 = arith.constant 7 : i32
      %mul3A_194 = vector.broadcast %mul3A_193 : i32 to vector<1x128xi32>
      %mul3A_195 = arith.muli %sub3A_176, %mul3A_194 : vector<1x128xi32>
      %add3A_196 = arith.addi %mul3A_195, %reshape3A_144 : vector<1x128xi32>
      %eq3A = vector.broadcast %add3A_196 : vector<1x128xi32> to vector<112x128xi32>
      %eq3A_197 = arith.cmpi eq, %iota3A_115, %eq3A : vector<112x128xi32>
      %convert_element_type3A_198 = arith.extui %eq3A_197 : vector<112x128xi1> to vector<112x128xi32>
      %convert_element_type3A_199 = arith.sitofp %convert_element_type3A_198 : vector<112x128xi32> to vector<112x128xf32>
      %get3A_200 = arith.constant 0 : index
      %get3A_201 = arith.constant 0 : index
      %get3A_202 = vector.load %arg12[%get3A_200, %get3A_201] : memref<112x16xf32, #tpu.memory_space<vmem>>, vector<112x16xf32>
      %dot_general3A = arith.constant dense<0.000000e+00> : vector<112x16xf32>
      %dot_general3A_203 = tpu.matmul %convert_element_type3A_199, %mul3A_192, %dot_general3A {dimension_numbers = #tpu.dot_dimension_numbers<[1], [1], [0], [0], [0, 0, 1, 0], [], []>, transpose_lhs_hint = false} : vector<112x128xf32>, vector<16x128xf32>, vector<112x16xf32> -> vector<112x16xf32>
      %add3A_204 = arith.addf %get3A_202, %dot_general3A_203 : vector<112x16xf32>
      %swap3A_205 = arith.constant 0 : index
      %swap3A_206 = arith.constant 0 : index
      %swap3A_207 = vector.load %arg12[%swap3A_205, %swap3A_206] : memref<112x16xf32, #tpu.memory_space<vmem>>, vector<112x16xf32>
      tpu.vector_store %arg12[%swap3A_205, %swap3A_206], %add3A_204 {strides = array<i32>} : memref<112x16xf32, #tpu.memory_space<vmem>>, vector<112x16xf32>,
      %get3A_208 = arith.index_cast %arg0 : i32 to index
      %get3A_209 = memref.load %arg2[%get3A_208] : memref<1024xi32, #tpu.memory_space<smem>>
      %sub3A_210 = arith.constant 131072 : i32
      %sub3A_211 = arith.subi %sub3A_210, %add3A_132 : i32
      %min3A = arith.minsi %get3A_209, %sub3A_211 : i32
      %add3A_212 = arith.addi %select_n3A_83, %while3A_128 : i32
      %mul3A_213 = arith.constant 128 : i32
      %mul3A_214 = arith.muli %add3A_212, %mul3A_213 : i32
      %get3A_215 = arith.constant 0 : index
      %get3A_216 = arith.index_cast %mul3A_214 : i32 to index
      %get3A_217 = vector.load %arg3[%get3A_215, %get3A_216] : memref<1x131328xi32, #tpu.memory_space<vmem>>, vector<1x256xi32>
      %get3A_218 = vector.shape_cast %get3A_217 : vector<1x256xi32> to vector<256xi32>
      %reshape3A_219 = vector.shape_cast %get3A_218 : vector<256xi32> to vector<1x256xi32>
      %get3A_220 = arith.constant 0 : index
      %get3A_221 = arith.index_cast %mul3A_214 : i32 to index
      %get3A_222 = vector.load %arg4[%get3A_220, %get3A_221] : memref<1x131328xi32, #tpu.memory_space<vmem>>, vector<1x256xi32>
      %get3A_223 = vector.shape_cast %get3A_222 : vector<1x256xi32> to vector<256xi32>
      %reshape3A_224 = vector.shape_cast %get3A_223 : vector<256xi32> to vector<1x256xi32>
      %get3A_225 = arith.constant 0 : index
      %get3A_226 = arith.index_cast %mul3A_214 : i32 to index
      %get3A_227 = vector.load %arg5[%get3A_225, %get3A_226] : memref<1x131328xi32, #tpu.memory_space<vmem>>, vector<1x256xi32>
      %get3A_228 = vector.shape_cast %get3A_227 : vector<1x256xi32> to vector<256xi32>
      %reshape3A_229 = vector.shape_cast %get3A_228 : vector<256xi32> to vector<1x256xi32>
      %get3A_230 = arith.constant 0 : index
      %get3A_231 = arith.index_cast %mul3A_214 : i32 to index
      %get3A_232 = vector.load %arg6[%get3A_230, %get3A_231] : memref<1x131328xf32, #tpu.memory_space<vmem>>, vector<1x256xf32>
      %get3A_233 = vector.shape_cast %get3A_232 : vector<1x256xf32> to vector<256xf32>
      %reshape3A_234 = vector.shape_cast %get3A_233 : vector<256xf32> to vector<1x256xf32>
      %get3A_235 = arith.constant 0 : index
      %get3A_236 = arith.index_cast %mul3A_214 : i32 to index
      %get3A_237 = vector.load %arg7[%get3A_235, %get3A_236] : memref<1x131328xf32, #tpu.memory_space<vmem>>, vector<1x256xf32>
      %get3A_238 = vector.shape_cast %get3A_237 : vector<1x256xf32> to vector<256xf32>
      %reshape3A_239 = vector.shape_cast %get3A_238 : vector<256xf32> to vector<1x256xf32>
      %get3A_240 = arith.constant 0 : index
      %get3A_241 = arith.index_cast %mul3A_214 : i32 to index
      %get3A_242 = vector.load %arg8[%get3A_240, %get3A_241] : memref<1x131328xf32, #tpu.memory_space<vmem>>, vector<1x256xf32>
      %get3A_243 = vector.shape_cast %get3A_242 : vector<1x256xf32> to vector<256xf32>
      %reshape3A_244 = vector.shape_cast %get3A_243 : vector<256xf32> to vector<1x256xf32>
      %get3A_245 = arith.constant 0 : index
      %get3A_246 = arith.index_cast %mul3A_214 : i32 to index
      %get3A_247 = vector.load %arg9[%get3A_245, %get3A_246] : memref<1x131328xf32, #tpu.memory_space<vmem>>, vector<1x256xf32>
      %get3A_248 = vector.shape_cast %get3A_247 : vector<1x256xf32> to vector<256xf32>
      %reshape3A_249 = vector.shape_cast %get3A_248 : vector<256xf32> to vector<1x256xf32>
      %get3A_250 = arith.constant 0 : index
      %get3A_251 = arith.index_cast %mul3A_214 : i32 to index
      %get3A_252 = vector.load %arg10[%get3A_250, %get3A_251] : memref<1x131328xf32, #tpu.memory_space<vmem>>, vector<1x256xf32>
      %get3A_253 = vector.shape_cast %get3A_252 : vector<1x256xf32> to vector<256xf32>
      %reshape3A_254 = vector.shape_cast %get3A_253 : vector<256xf32> to vector<1x256xf32>
      %min3A_255 = arith.constant 128 : i32
      %min3A_256 = arith.minsi %min3A, %min3A_255 : i32
      %add3A_257 = arith.constant 1 : i32
      %add3A_258 = arith.addi %min3A_256, %add3A_257 : i32
      %while3A_259 = arith.constant 1 : i32
      %while3A_260 = arith.constant 0 : i32
      %while3A_261 = arith.subi %add3A_258, %while3A_259 : i32
      %while3A_262 = arith.addi %while3A_259, %while3A_261 : i32
      %while3A_263 = arith.constant 1 : i32
      %while3A_264 = arith.divsi %while3A_261, %while3A_263 : i32
      %while3A_265 = arith.muli %while3A_264, %while3A_263 : i32
      %while3A_266 = arith.addi %while3A_259, %while3A_265 : i32
      %while3A_267 = arith.constant 1 : i32
      %while3A_268 = scf.for %while3A_286 = %while3A_259 to %while3A_266 step %while3A_267 iter_args(%while3A_287 = %while3A_260) -> (i32)  : i32 {
        %sub3A_288 = arith.constant 256 : i32
        %sub3A_289 = arith.subi %sub3A_288, %while3A_286 : i32
        %roll3A = tpu.dynamic_rotate %reshape3A_219 by %sub3A_289 dim 1 : vector<1x256xi32>, i32 -> vector<1x256xi32>
        %slice3A = vector.extract_strided_slice %roll3A {offsets = [0, 0], sizes = [1, 128], strides = [1, 1]} : vector<1x256xi32> to vector<1x128xi32>
        %roll3A_290 = tpu.dynamic_rotate %reshape3A_224 by %sub3A_289 dim 1 : vector<1x256xi32>, i32 -> vector<1x256xi32>
        %slice3A_291 = vector.extract_strided_slice %roll3A_290 {offsets = [0, 0], sizes = [1, 128], strides = [1, 1]} : vector<1x256xi32> to vector<1x128xi32>
        %roll3A_292 = tpu.dynamic_rotate %reshape3A_229 by %sub3A_289 dim 1 : vector<1x256xi32>, i32 -> vector<1x256xi32>
        %slice3A_293 = vector.extract_strided_slice %roll3A_292 {offsets = [0, 0], sizes = [1, 128], strides = [1, 1]} : vector<1x256xi32> to vector<1x128xi32>
        %roll3A_294 = tpu.dynamic_rotate %reshape3A_234 by %sub3A_289 dim 1 : vector<1x256xf32>, i32 -> vector<1x256xf32>
        %slice3A_295 = vector.extract_strided_slice %roll3A_294 {offsets = [0, 0], sizes = [1, 128], strides = [1, 1]} : vector<1x256xf32> to vector<1x128xf32>
        %roll3A_296 = tpu.dynamic_rotate %reshape3A_239 by %sub3A_289 dim 1 : vector<1x256xf32>, i32 -> vector<1x256xf32>
        %slice3A_297 = vector.extract_strided_slice %roll3A_296 {offsets = [0, 0], sizes = [1, 128], strides = [1, 1]} : vector<1x256xf32> to vector<1x128xf32>
        %roll3A_298 = tpu.dynamic_rotate %reshape3A_244 by %sub3A_289 dim 1 : vector<1x256xf32>, i32 -> vector<1x256xf32>
        %slice3A_299 = vector.extract_strided_slice %roll3A_298 {offsets = [0, 0], sizes = [1, 128], strides = [1, 1]} : vector<1x256xf32> to vector<1x128xf32>
        %roll3A_300 = tpu.dynamic_rotate %reshape3A_249 by %sub3A_289 dim 1 : vector<1x256xf32>, i32 -> vector<1x256xf32>
        %slice3A_301 = vector.extract_strided_slice %roll3A_300 {offsets = [0, 0], sizes = [1, 128], strides = [1, 1]} : vector<1x256xf32> to vector<1x128xf32>
        %roll3A_302 = tpu.dynamic_rotate %reshape3A_254 by %sub3A_289 dim 1 : vector<1x256xf32>, i32 -> vector<1x256xf32>
        %slice3A_303 = vector.extract_strided_slice %roll3A_302 {offsets = [0, 0], sizes = [1, 128], strides = [1, 1]} : vector<1x256xf32> to vector<1x128xf32>
        %eq3A_304 = arith.cmpi eq, %slice3A, %reshape3A : vector<1x128xi32>
        %gt3A = arith.constant 0 : i32
        %gt3A_305 = vector.broadcast %gt3A : i32 to vector<1x128xi32>
        %gt3A_306 = arith.cmpi sgt, %reshape3A_149, %gt3A_305 : vector<1x128xi32>
        %and3A_307 = arith.andi %eq3A_304, %gt3A_306 : vector<1x128xi1>
        %gt3A_308 = arith.constant 0 : i32
        %gt3A_309 = vector.broadcast %gt3A_308 : i32 to vector<1x128xi32>
        %gt3A_310 = arith.cmpi sgt, %slice3A_293, %gt3A_309 : vector<1x128xi32>
        %and3A_311 = arith.andi %and3A_307, %gt3A_310 : vector<1x128xi1>
        %reduce_or3A = arith.constant 1.000000e+00 : f32
        %reduce_or3A_312 = arith.constant 0.000000e+00 : f32
        %reduce_or3A_313 = vector.broadcast %reduce_or3A : f32 to vector<1x128xf32>
        %reduce_or3A_314 = vector.broadcast %reduce_or3A_312 : f32 to vector<1x128xf32>
        %reduce_or3A_315 = arith.select %and3A_311, %reduce_or3A_313, %reduce_or3A_314 : vector<1x128xi1>, vector<1x128xf32>
        %reduce_or3A_316 = vector.shape_cast %reduce_or3A_315 : vector<1x128xf32> to vector<1x1x128xf32>
        %reduce_or3A_317 = arith.constant dense<0xFF800000> : vector<1xf32>
        %reduce_or3A_318 = vector.multi_reduction <maximumf>, %reduce_or3A_316, %reduce_or3A_317 [1, 2] : vector<1x1x128xf32> to vector<1xf32>
        %reduce_or3A_319 = vector.shape_cast %reduce_or3A_318 : vector<1xf32> to vector<1x1x1xf32>
        %reduce_or3A_320 = vector.extract %reduce_or3A_319[0, 0, 0] : f32 from vector<1x1x1xf32>
        %reduce_or3A_321 = arith.constant 0.000000e+00 : f32
        %reduce_or3A_322 = arith.cmpf ogt, %reduce_or3A_320, %reduce_or3A_321 : f32
        %convert_element_type3A_323 = arith.extui %reduce_or3A_322 : i1 to i32
        %cond3A = arith.constant 0 : i32
        %cond3A_324 = arith.constant 0 : i32
        %cond3A_325 = arith.cmpi ne, %convert_element_type3A_323, %cond3A_324 : i32
        %cond3A_326 = scf.if %cond3A_325 -> (i32) {
          %mul3A_328 = arith.mulf %reshape3A_154, %slice3A_295 : vector<1x128xf32>
          %mul3A_329 = arith.mulf %reshape3A_159, %slice3A_297 : vector<1x128xf32>
          %add3A_330 = arith.addf %mul3A_328, %mul3A_329 : vector<1x128xf32>
          %mul3A_331 = arith.mulf %reshape3A_164, %slice3A_299 : vector<1x128xf32>
          %add3A_332 = arith.addf %add3A_330, %mul3A_331 : vector<1x128xf32>
          %mul3A_333 = arith.constant 0.949999988 : f32
          %mul3A_334 = vector.broadcast %mul3A_333 : f32 to vector<1x128xf32>
          %mul3A_335 = arith.mulf %mul3A_334, %add3A_332 : vector<1x128xf32>
          %mul3A_336 = arith.mulf %reshape3A_169, %slice3A_301 : vector<1x128xf32>
          %add3A_337 = arith.constant 1.000000e-10 : f32
          %add3A_338 = vector.broadcast %add3A_337 : f32 to vector<1x128xf32>
          %add3A_339 = arith.addf %mul3A_336, %add3A_338 : vector<1x128xf32>
          %div3A_340 = arith.divf %mul3A_335, %add3A_339 : vector<1x128xf32>
          %jit3A_341 = arith.constant -1.000000e+00 : f32
          %jit3A_342 = arith.constant 1.000000e+00 : f32
          %max3A = vector.broadcast %jit3A_341 : f32 to vector<1x128xf32>
          %max3A_343 = arith.maximumf %max3A, %div3A_340 : vector<1x128xf32>
          %min3A_344 = vector.broadcast %jit3A_342 : f32 to vector<1x128xf32>
          %min3A_345 = arith.minimumf %min3A_344, %max3A_343 : vector<1x128xf32>
          %mul3A_346 = arith.mulf %min3A_345, %min3A_345 : vector<1x128xf32>
          %sub3A_347 = arith.constant 1.000000e+00 : f32
          %sub3A_348 = vector.broadcast %sub3A_347 : f32 to vector<1x128xf32>
          %sub3A_349 = arith.subf %sub3A_348, %mul3A_346 : vector<1x128xf32>
          %max3A_350 = arith.constant 0.000000e+00 : f32
          %max3A_351 = vector.broadcast %max3A_350 : f32 to vector<1x128xf32>
          %max3A_352 = arith.maximumf %sub3A_349, %max3A_351 : vector<1x128xf32>
          %sqrt3A = math.sqrt %max3A_352 : vector<1x128xf32>
          %broadcast_in_dim3A_353 = vector.shape_cast %min3A_345 : vector<1x128xf32> to vector<1x1x128xf32>
          %mul3A_354 = vector.broadcast %broadcast_in_dim3A_353 : vector<1x1x128xf32> to vector<4x1x128xf32>
          %mul3A_355 = vector.broadcast %select_n3A_37 : vector<4x1x1xf32> to vector<4x1x128xf32>
          %mul3A_356 = arith.mulf %mul3A_354, %mul3A_355 : vector<4x1x128xf32>
          %add3A_357 = arith.constant 1.000000e+00 : f32
          %add3A_358 = vector.broadcast %add3A_357 : f32 to vector<4x1x128xf32>
          %add3A_359 = arith.addf %add3A_358, %mul3A_356 : vector<4x1x128xf32>
          %broadcast_in_dim3A_360 = vector.shape_cast %sqrt3A : vector<1x128xf32> to vector<1x1x128xf32>
          %mul3A_361 = vector.broadcast %broadcast_in_dim3A_360 : vector<1x1x128xf32> to vector<4x1x128xf32>
          %mul3A_362 = vector.broadcast %select_n3A_57 : vector<4x1x1xf32> to vector<4x1x128xf32>
          %mul3A_363 = arith.mulf %mul3A_361, %mul3A_362 : vector<4x1x128xf32>
          %add3A_364 = arith.addf %add3A_359, %mul3A_363 : vector<4x1x128xf32>
          %mul3A_365 = arith.constant 5.000000e-01 : f32
          %mul3A_366 = vector.broadcast %mul3A_365 : f32 to vector<4x1x128xf32>
          %mul3A_367 = arith.mulf %add3A_364, %mul3A_366 : vector<4x1x128xf32>
          %max3A_368 = arith.constant 1.000000e-30 : f32
          %max3A_369 = vector.broadcast %max3A_368 : f32 to vector<4x1x128xf32>
          %max3A_370 = arith.maximumf %mul3A_367, %max3A_369 : vector<4x1x128xf32>
          %log3A = math.log %max3A_370 : vector<4x1x128xf32>
          %mul3A_371 = arith.constant 1.410000e+01 : f32
          %mul3A_372 = vector.broadcast %mul3A_371 : f32 to vector<4x1x128xf32>
          %mul3A_373 = arith.mulf %mul3A_372, %log3A : vector<4x1x128xf32>
          %exp3A_374 = math.exp %mul3A_373 : vector<4x1x128xf32>
          %add3A_375 = arith.addf %reshape3A_169, %slice3A_301 : vector<1x128xf32>
          %mul3A_376 = arith.constant 5.000000e-01 : f32
          %mul3A_377 = vector.broadcast %mul3A_376 : f32 to vector<1x128xf32>
          %mul3A_378 = arith.mulf %add3A_375, %mul3A_377 : vector<1x128xf32>
          %broadcast_in_dim3A_379 = vector.shape_cast %mul3A_378 : vector<1x128xf32> to vector<1x1x128xf32>
          %sub3A_380 = vector.broadcast %broadcast_in_dim3A_379 : vector<1x1x128xf32> to vector<1x8x128xf32>
          %sub3A_381 = vector.broadcast %add3A_65 : vector<1x8x1xf32> to vector<1x8x128xf32>
          %sub3A_382 = arith.subf %sub3A_380, %sub3A_381 : vector<1x8x128xf32>
          %integer_pow3A_383 = arith.mulf %sub3A_382, %sub3A_382 : vector<1x8x128xf32>
          %mul3A_384 = arith.constant -1.250000e+03 : f32
          %mul3A_385 = vector.broadcast %mul3A_384 : f32 to vector<1x8x128xf32>
          %mul3A_386 = arith.mulf %mul3A_385, %integer_pow3A_383 : vector<1x8x128xf32>
          %exp3A_387 = math.exp %mul3A_386 : vector<1x8x128xf32>
          %mul3A_388 = arith.constant 2.000000e+00 : f32
          %mul3A_389 = vector.broadcast %mul3A_388 : f32 to vector<4x1x128xf32>
          %mul3A_390 = arith.mulf %mul3A_389, %exp3A_374 : vector<4x1x128xf32>
          %mul3A_391 = vector.broadcast %mul3A_390 : vector<4x1x128xf32> to vector<4x8x128xf32>
          %mul3A_392 = vector.broadcast %exp3A_387 : vector<1x8x128xf32> to vector<4x8x128xf32>
          %mul3A_393 = arith.mulf %mul3A_391, %mul3A_392 : vector<4x8x128xf32>
          %mul3A_394 = arith.mulf %reshape3A_174, %slice3A_303 : vector<1x128xf32>
          %broadcast_in_dim3A_395 = vector.shape_cast %mul3A_394 : vector<1x128xf32> to vector<1x1x128xf32>
          %mul3A_396 = vector.broadcast %broadcast_in_dim3A_395 : vector<1x1x128xf32> to vector<4x8x128xf32>
          %mul3A_397 = arith.mulf %mul3A_393, %mul3A_396 : vector<4x8x128xf32>
          %reshape3A_398 = vector.shape_cast %mul3A_397 : vector<4x8x128xf32> to vector<32x128xf32>
          %jit3A_399 = arith.constant 0.000000e+00 : f32
          %broadcast_in_dim3A_400 = vector.shape_cast %and3A_311 : vector<1x128xi1> to vector<1x128xi1>
          %broadcast_in_dim3A_401 = vector.broadcast %broadcast_in_dim3A_400 : vector<1x128xi1> to vector<32x128xi1>
          %broadcast_in_dim3A_402 = vector.broadcast %jit3A_399 : f32 to vector<32x128xf32>
          %select_n3A_403 = arith.select %broadcast_in_dim3A_401, %reshape3A_398, %broadcast_in_dim3A_402 : vector<32x128xi1>, vector<32x128xf32>
          %min3A_404 = arith.minsi %reshape3A_144, %slice3A_291 : vector<1x128xi32>
          %max3A_405 = arith.maxsi %reshape3A_144, %slice3A_291 : vector<1x128xi32>
          %sub3A_406 = arith.constant 15 : i32
          %sub3A_407 = vector.broadcast %sub3A_406 : i32 to vector<1x128xi32>
          %sub3A_408 = arith.subi %sub3A_407, %min3A_404 : vector<1x128xi32>
          %mul3A_409 = arith.muli %min3A_404, %sub3A_408 : vector<1x128xi32>
          %jit3A_410 = arith.constant 2 : i32
          %div3A_411 = vector.broadcast %jit3A_410 : i32 to vector<1x128xi32>
          %div3A_412 = arith.divsi %mul3A_409, %div3A_411 : vector<1x128xi32>
          %sign3A_413 = arith.constant 0 : i32
          %sign3A_414 = vector.broadcast %sign3A_413 : i32 to vector<1x128xi32>
          %sign3A_415 = arith.cmpi sgt, %mul3A_409, %sign3A_414 : vector<1x128xi32>
          %sign3A_416 = arith.extui %sign3A_415 : vector<1x128xi1> to vector<1x128xi32>
          %sign3A_417 = arith.constant 0 : i32
          %sign3A_418 = vector.broadcast %sign3A_417 : i32 to vector<1x128xi32>
          %sign3A_419 = arith.cmpi slt, %mul3A_409, %sign3A_418 : vector<1x128xi32>
          %sign3A_420 = arith.extui %sign3A_419 : vector<1x128xi1> to vector<1x128xi32>
          %sign3A_421 = arith.subi %sign3A_416, %sign3A_420 : vector<1x128xi32>
          %sign3A_422 = arith.constant 0 : i32
          %sign3A_423 = arith.cmpi sgt, %jit3A_410, %sign3A_422 : i32
          %sign3A_424 = arith.extui %sign3A_423 : i1 to i32
          %sign3A_425 = arith.constant 0 : i32
          %sign3A_426 = arith.cmpi slt, %jit3A_410, %sign3A_425 : i32
          %sign3A_427 = arith.extui %sign3A_426 : i1 to i32
          %sign3A_428 = arith.subi %sign3A_424, %sign3A_427 : i32
          %ne3A_429 = vector.broadcast %sign3A_428 : i32 to vector<1x128xi32>
          %ne3A_430 = arith.cmpi ne, %sign3A_421, %ne3A_429 : vector<1x128xi32>
          %rem3A_431 = vector.broadcast %jit3A_410 : i32 to vector<1x128xi32>
          %rem3A_432 = arith.remsi %mul3A_409, %rem3A_431 : vector<1x128xi32>
          %ne3A_433 = arith.constant 0 : i32
          %ne3A_434 = vector.broadcast %ne3A_433 : i32 to vector<1x128xi32>
          %ne3A_435 = arith.cmpi ne, %rem3A_432, %ne3A_434 : vector<1x128xi32>
          %and3A_436 = arith.andi %ne3A_430, %ne3A_435 : vector<1x128xi1>
          %sub3A_437 = arith.constant 1 : i32
          %sub3A_438 = vector.broadcast %sub3A_437 : i32 to vector<1x128xi32>
          %sub3A_439 = arith.subi %div3A_412, %sub3A_438 : vector<1x128xi32>
          %select_n3A_440 = arith.select %and3A_436, %sub3A_439, %div3A_412 : vector<1x128xi1>, vector<1x128xi32>
          %sub3A_441 = arith.subi %max3A_405, %min3A_404 : vector<1x128xi32>
          %add3A_442 = arith.addi %select_n3A_440, %sub3A_441 : vector<1x128xi32>
          %mul3A_443 = arith.constant 28 : i32
          %mul3A_444 = vector.broadcast %mul3A_443 : i32 to vector<1x128xi32>
          %mul3A_445 = arith.muli %sub3A_176, %mul3A_444 : vector<1x128xi32>
          %add3A_446 = arith.addi %mul3A_445, %add3A_442 : vector<1x128xi32>
          %eq3A_447 = vector.broadcast %add3A_446 : vector<1x128xi32> to vector<448x128xi32>
          %eq3A_448 = arith.cmpi eq, %iota3A_116, %eq3A_447 : vector<448x128xi32>
          %and3A_449 = vector.broadcast %and3A_311 : vector<1x128xi1> to vector<448x128xi1>
          %and3A_450 = arith.andi %eq3A_448, %and3A_449 : vector<448x128xi1>
          %convert_element_type3A_451 = arith.extui %and3A_450 : vector<448x128xi1> to vector<448x128xi32>
          %convert_element_type3A_452 = arith.sitofp %convert_element_type3A_451 : vector<448x128xi32> to vector<448x128xf32>
          %get3A_453 = arith.constant 0 : index
          %get3A_454 = arith.constant 0 : index
          %get3A_455 = vector.load %arg13[%get3A_453, %get3A_454] : memref<448x32xf32, #tpu.memory_space<vmem>>, vector<448x32xf32>
          %dot_general3A_456 = arith.constant dense<0.000000e+00> : vector<448x32xf32>
          %dot_general3A_457 = tpu.matmul %convert_element_type3A_452, %select_n3A_403, %dot_general3A_456 {dimension_numbers = #tpu.dot_dimension_numbers<[1], [1], [0], [0], [0, 0, 1, 0], [], []>, transpose_lhs_hint = false} : vector<448x128xf32>, vector<32x128xf32>, vector<448x32xf32> -> vector<448x32xf32>
          %add3A_458 = arith.addf %get3A_455, %dot_general3A_457 : vector<448x32xf32>
          %swap3A_459 = arith.constant 0 : index
          %swap3A_460 = arith.constant 0 : index
          %swap3A_461 = vector.load %arg13[%swap3A_459, %swap3A_460] : memref<448x32xf32, #tpu.memory_space<vmem>>, vector<448x32xf32>
          tpu.vector_store %arg13[%swap3A_459, %swap3A_460], %add3A_458 {strides = array<i32>} : memref<448x32xf32, #tpu.memory_space<vmem>>, vector<448x32xf32>,
          %cond3A_462 = arith.constant 0 : i32
          scf.yield %cond3A_462 : i32
        } else {
          %cond3A_328 = arith.constant 0 : i32
          scf.yield %cond3A_328 : i32
        }
        %while3A_327 = arith.constant 0 : i32
        scf.yield %while3A_327 : i32
      }
      %while3A_269 = arith.constant 1 : i32
      %while3A_270 = scf.for %while3A_286 = %while3A_266 to %while3A_262 step %while3A_269 iter_args(%while3A_287 = %while3A_268) -> (i32)  : i32 {
        %sub3A_288 = arith.constant 256 : i32
        %sub3A_289 = arith.subi %sub3A_288, %while3A_286 : i32
        %roll3A = tpu.dynamic_rotate %reshape3A_219 by %sub3A_289 dim 1 : vector<1x256xi32>, i32 -> vector<1x256xi32>
        %slice3A = vector.extract_strided_slice %roll3A {offsets = [0, 0], sizes = [1, 128], strides = [1, 1]} : vector<1x256xi32> to vector<1x128xi32>
        %roll3A_290 = tpu.dynamic_rotate %reshape3A_224 by %sub3A_289 dim 1 : vector<1x256xi32>, i32 -> vector<1x256xi32>
        %slice3A_291 = vector.extract_strided_slice %roll3A_290 {offsets = [0, 0], sizes = [1, 128], strides = [1, 1]} : vector<1x256xi32> to vector<1x128xi32>
        %roll3A_292 = tpu.dynamic_rotate %reshape3A_229 by %sub3A_289 dim 1 : vector<1x256xi32>, i32 -> vector<1x256xi32>
        %slice3A_293 = vector.extract_strided_slice %roll3A_292 {offsets = [0, 0], sizes = [1, 128], strides = [1, 1]} : vector<1x256xi32> to vector<1x128xi32>
        %roll3A_294 = tpu.dynamic_rotate %reshape3A_234 by %sub3A_289 dim 1 : vector<1x256xf32>, i32 -> vector<1x256xf32>
        %slice3A_295 = vector.extract_strided_slice %roll3A_294 {offsets = [0, 0], sizes = [1, 128], strides = [1, 1]} : vector<1x256xf32> to vector<1x128xf32>
        %roll3A_296 = tpu.dynamic_rotate %reshape3A_239 by %sub3A_289 dim 1 : vector<1x256xf32>, i32 -> vector<1x256xf32>
        %slice3A_297 = vector.extract_strided_slice %roll3A_296 {offsets = [0, 0], sizes = [1, 128], strides = [1, 1]} : vector<1x256xf32> to vector<1x128xf32>
        %roll3A_298 = tpu.dynamic_rotate %reshape3A_244 by %sub3A_289 dim 1 : vector<1x256xf32>, i32 -> vector<1x256xf32>
        %slice3A_299 = vector.extract_strided_slice %roll3A_298 {offsets = [0, 0], sizes = [1, 128], strides = [1, 1]} : vector<1x256xf32> to vector<1x128xf32>
        %roll3A_300 = tpu.dynamic_rotate %reshape3A_249 by %sub3A_289 dim 1 : vector<1x256xf32>, i32 -> vector<1x256xf32>
        %slice3A_301 = vector.extract_strided_slice %roll3A_300 {offsets = [0, 0], sizes = [1, 128], strides = [1, 1]} : vector<1x256xf32> to vector<1x128xf32>
        %roll3A_302 = tpu.dynamic_rotate %reshape3A_254 by %sub3A_289 dim 1 : vector<1x256xf32>, i32 -> vector<1x256xf32>
        %slice3A_303 = vector.extract_strided_slice %roll3A_302 {offsets = [0, 0], sizes = [1, 128], strides = [1, 1]} : vector<1x256xf32> to vector<1x128xf32>
        %eq3A_304 = arith.cmpi eq, %slice3A, %reshape3A : vector<1x128xi32>
        %gt3A = arith.constant 0 : i32
        %gt3A_305 = vector.broadcast %gt3A : i32 to vector<1x128xi32>
        %gt3A_306 = arith.cmpi sgt, %reshape3A_149, %gt3A_305 : vector<1x128xi32>
        %and3A_307 = arith.andi %eq3A_304, %gt3A_306 : vector<1x128xi1>
        %gt3A_308 = arith.constant 0 : i32
        %gt3A_309 = vector.broadcast %gt3A_308 : i32 to vector<1x128xi32>
        %gt3A_310 = arith.cmpi sgt, %slice3A_293, %gt3A_309 : vector<1x128xi32>
        %and3A_311 = arith.andi %and3A_307, %gt3A_310 : vector<1x128xi1>
        %reduce_or3A = arith.constant 1.000000e+00 : f32
        %reduce_or3A_312 = arith.constant 0.000000e+00 : f32
        %reduce_or3A_313 = vector.broadcast %reduce_or3A : f32 to vector<1x128xf32>
        %reduce_or3A_314 = vector.broadcast %reduce_or3A_312 : f32 to vector<1x128xf32>
        %reduce_or3A_315 = arith.select %and3A_311, %reduce_or3A_313, %reduce_or3A_314 : vector<1x128xi1>, vector<1x128xf32>
        %reduce_or3A_316 = vector.shape_cast %reduce_or3A_315 : vector<1x128xf32> to vector<1x1x128xf32>
        %reduce_or3A_317 = arith.constant dense<0xFF800000> : vector<1xf32>
        %reduce_or3A_318 = vector.multi_reduction <maximumf>, %reduce_or3A_316, %reduce_or3A_317 [1, 2] : vector<1x1x128xf32> to vector<1xf32>
        %reduce_or3A_319 = vector.shape_cast %reduce_or3A_318 : vector<1xf32> to vector<1x1x1xf32>
        %reduce_or3A_320 = vector.extract %reduce_or3A_319[0, 0, 0] : f32 from vector<1x1x1xf32>
        %reduce_or3A_321 = arith.constant 0.000000e+00 : f32
        %reduce_or3A_322 = arith.cmpf ogt, %reduce_or3A_320, %reduce_or3A_321 : f32
        %convert_element_type3A_323 = arith.extui %reduce_or3A_322 : i1 to i32
        %cond3A = arith.constant 0 : i32
        %cond3A_324 = arith.constant 0 : i32
        %cond3A_325 = arith.cmpi ne, %convert_element_type3A_323, %cond3A_324 : i32
        %cond3A_326 = scf.if %cond3A_325 -> (i32) {
          %mul3A_328 = arith.mulf %reshape3A_154, %slice3A_295 : vector<1x128xf32>
          %mul3A_329 = arith.mulf %reshape3A_159, %slice3A_297 : vector<1x128xf32>
          %add3A_330 = arith.addf %mul3A_328, %mul3A_329 : vector<1x128xf32>
          %mul3A_331 = arith.mulf %reshape3A_164, %slice3A_299 : vector<1x128xf32>
          %add3A_332 = arith.addf %add3A_330, %mul3A_331 : vector<1x128xf32>
          %mul3A_333 = arith.constant 0.949999988 : f32
          %mul3A_334 = vector.broadcast %mul3A_333 : f32 to vector<1x128xf32>
          %mul3A_335 = arith.mulf %mul3A_334, %add3A_332 : vector<1x128xf32>
          %mul3A_336 = arith.mulf %reshape3A_169, %slice3A_301 : vector<1x128xf32>
          %add3A_337 = arith.constant 1.000000e-10 : f32
          %add3A_338 = vector.broadcast %add3A_337 : f32 to vector<1x128xf32>
          %add3A_339 = arith.addf %mul3A_336, %add3A_338 : vector<1x128xf32>
          %div3A_340 = arith.divf %mul3A_335, %add3A_339 : vector<1x128xf32>
          %jit3A_341 = arith.constant -1.000000e+00 : f32
          %jit3A_342 = arith.constant 1.000000e+00 : f32
          %max3A = vector.broadcast %jit3A_341 : f32 to vector<1x128xf32>
          %max3A_343 = arith.maximumf %max3A, %div3A_340 : vector<1x128xf32>
          %min3A_344 = vector.broadcast %jit3A_342 : f32 to vector<1x128xf32>
          %min3A_345 = arith.minimumf %min3A_344, %max3A_343 : vector<1x128xf32>
          %mul3A_346 = arith.mulf %min3A_345, %min3A_345 : vector<1x128xf32>
          %sub3A_347 = arith.constant 1.000000e+00 : f32
          %sub3A_348 = vector.broadcast %sub3A_347 : f32 to vector<1x128xf32>
          %sub3A_349 = arith.subf %sub3A_348, %mul3A_346 : vector<1x128xf32>
          %max3A_350 = arith.constant 0.000000e+00 : f32
          %max3A_351 = vector.broadcast %max3A_350 : f32 to vector<1x128xf32>
          %max3A_352 = arith.maximumf %sub3A_349, %max3A_351 : vector<1x128xf32>
          %sqrt3A = math.sqrt %max3A_352 : vector<1x128xf32>
          %broadcast_in_dim3A_353 = vector.shape_cast %min3A_345 : vector<1x128xf32> to vector<1x1x128xf32>
          %mul3A_354 = vector.broadcast %broadcast_in_dim3A_353 : vector<1x1x128xf32> to vector<4x1x128xf32>
          %mul3A_355 = vector.broadcast %select_n3A_37 : vector<4x1x1xf32> to vector<4x1x128xf32>
          %mul3A_356 = arith.mulf %mul3A_354, %mul3A_355 : vector<4x1x128xf32>
          %add3A_357 = arith.constant 1.000000e+00 : f32
          %add3A_358 = vector.broadcast %add3A_357 : f32 to vector<4x1x128xf32>
          %add3A_359 = arith.addf %add3A_358, %mul3A_356 : vector<4x1x128xf32>
          %broadcast_in_dim3A_360 = vector.shape_cast %sqrt3A : vector<1x128xf32> to vector<1x1x128xf32>
          %mul3A_361 = vector.broadcast %broadcast_in_dim3A_360 : vector<1x1x128xf32> to vector<4x1x128xf32>
          %mul3A_362 = vector.broadcast %select_n3A_57 : vector<4x1x1xf32> to vector<4x1x128xf32>
          %mul3A_363 = arith.mulf %mul3A_361, %mul3A_362 : vector<4x1x128xf32>
          %add3A_364 = arith.addf %add3A_359, %mul3A_363 : vector<4x1x128xf32>
          %mul3A_365 = arith.constant 5.000000e-01 : f32
          %mul3A_366 = vector.broadcast %mul3A_365 : f32 to vector<4x1x128xf32>
          %mul3A_367 = arith.mulf %add3A_364, %mul3A_366 : vector<4x1x128xf32>
          %max3A_368 = arith.constant 1.000000e-30 : f32
          %max3A_369 = vector.broadcast %max3A_368 : f32 to vector<4x1x128xf32>
          %max3A_370 = arith.maximumf %mul3A_367, %max3A_369 : vector<4x1x128xf32>
          %log3A = math.log %max3A_370 : vector<4x1x128xf32>
          %mul3A_371 = arith.constant 1.410000e+01 : f32
          %mul3A_372 = vector.broadcast %mul3A_371 : f32 to vector<4x1x128xf32>
          %mul3A_373 = arith.mulf %mul3A_372, %log3A : vector<4x1x128xf32>
          %exp3A_374 = math.exp %mul3A_373 : vector<4x1x128xf32>
          %add3A_375 = arith.addf %reshape3A_169, %slice3A_301 : vector<1x128xf32>
          %mul3A_376 = arith.constant 5.000000e-01 : f32
          %mul3A_377 = vector.broadcast %mul3A_376 : f32 to vector<1x128xf32>
          %mul3A_378 = arith.mulf %add3A_375, %mul3A_377 : vector<1x128xf32>
          %broadcast_in_dim3A_379 = vector.shape_cast %mul3A_378 : vector<1x128xf32> to vector<1x1x128xf32>
          %sub3A_380 = vector.broadcast %broadcast_in_dim3A_379 : vector<1x1x128xf32> to vector<1x8x128xf32>
          %sub3A_381 = vector.broadcast %add3A_65 : vector<1x8x1xf32> to vector<1x8x128xf32>
          %sub3A_382 = arith.subf %sub3A_380, %sub3A_381 : vector<1x8x128xf32>
          %integer_pow3A_383 = arith.mulf %sub3A_382, %sub3A_382 : vector<1x8x128xf32>
          %mul3A_384 = arith.constant -1.250000e+03 : f32
          %mul3A_385 = vector.broadcast %mul3A_384 : f32 to vector<1x8x128xf32>
          %mul3A_386 = arith.mulf %mul3A_385, %integer_pow3A_383 : vector<1x8x128xf32>
          %exp3A_387 = math.exp %mul3A_386 : vector<1x8x128xf32>
          %mul3A_388 = arith.constant 2.000000e+00 : f32
          %mul3A_389 = vector.broadcast %mul3A_388 : f32 to vector<4x1x128xf32>
          %mul3A_390 = arith.mulf %mul3A_389, %exp3A_374 : vector<4x1x128xf32>
          %mul3A_391 = vector.broadcast %mul3A_390 : vector<4x1x128xf32> to vector<4x8x128xf32>
          %mul3A_392 = vector.broadcast %exp3A_387 : vector<1x8x128xf32> to vector<4x8x128xf32>
          %mul3A_393 = arith.mulf %mul3A_391, %mul3A_392 : vector<4x8x128xf32>
          %mul3A_394 = arith.mulf %reshape3A_174, %slice3A_303 : vector<1x128xf32>
          %broadcast_in_dim3A_395 = vector.shape_cast %mul3A_394 : vector<1x128xf32> to vector<1x1x128xf32>
          %mul3A_396 = vector.broadcast %broadcast_in_dim3A_395 : vector<1x1x128xf32> to vector<4x8x128xf32>
          %mul3A_397 = arith.mulf %mul3A_393, %mul3A_396 : vector<4x8x128xf32>
          %reshape3A_398 = vector.shape_cast %mul3A_397 : vector<4x8x128xf32> to vector<32x128xf32>
          %jit3A_399 = arith.constant 0.000000e+00 : f32
          %broadcast_in_dim3A_400 = vector.shape_cast %and3A_311 : vector<1x128xi1> to vector<1x128xi1>
          %broadcast_in_dim3A_401 = vector.broadcast %broadcast_in_dim3A_400 : vector<1x128xi1> to vector<32x128xi1>
          %broadcast_in_dim3A_402 = vector.broadcast %jit3A_399 : f32 to vector<32x128xf32>
          %select_n3A_403 = arith.select %broadcast_in_dim3A_401, %reshape3A_398, %broadcast_in_dim3A_402 : vector<32x128xi1>, vector<32x128xf32>
          %min3A_404 = arith.minsi %reshape3A_144, %slice3A_291 : vector<1x128xi32>
          %max3A_405 = arith.maxsi %reshape3A_144, %slice3A_291 : vector<1x128xi32>
          %sub3A_406 = arith.constant 15 : i32
          %sub3A_407 = vector.broadcast %sub3A_406 : i32 to vector<1x128xi32>
          %sub3A_408 = arith.subi %sub3A_407, %min3A_404 : vector<1x128xi32>
          %mul3A_409 = arith.muli %min3A_404, %sub3A_408 : vector<1x128xi32>
          %jit3A_410 = arith.constant 2 : i32
          %div3A_411 = vector.broadcast %jit3A_410 : i32 to vector<1x128xi32>
          %div3A_412 = arith.divsi %mul3A_409, %div3A_411 : vector<1x128xi32>
          %sign3A_413 = arith.constant 0 : i32
          %sign3A_414 = vector.broadcast %sign3A_413 : i32 to vector<1x128xi32>
          %sign3A_415 = arith.cmpi sgt, %mul3A_409, %sign3A_414 : vector<1x128xi32>
          %sign3A_416 = arith.extui %sign3A_415 : vector<1x128xi1> to vector<1x128xi32>
          %sign3A_417 = arith.constant 0 : i32
          %sign3A_418 = vector.broadcast %sign3A_417 : i32 to vector<1x128xi32>
          %sign3A_419 = arith.cmpi slt, %mul3A_409, %sign3A_418 : vector<1x128xi32>
          %sign3A_420 = arith.extui %sign3A_419 : vector<1x128xi1> to vector<1x128xi32>
          %sign3A_421 = arith.subi %sign3A_416, %sign3A_420 : vector<1x128xi32>
          %sign3A_422 = arith.constant 0 : i32
          %sign3A_423 = arith.cmpi sgt, %jit3A_410, %sign3A_422 : i32
          %sign3A_424 = arith.extui %sign3A_423 : i1 to i32
          %sign3A_425 = arith.constant 0 : i32
          %sign3A_426 = arith.cmpi slt, %jit3A_410, %sign3A_425 : i32
          %sign3A_427 = arith.extui %sign3A_426 : i1 to i32
          %sign3A_428 = arith.subi %sign3A_424, %sign3A_427 : i32
          %ne3A_429 = vector.broadcast %sign3A_428 : i32 to vector<1x128xi32>
          %ne3A_430 = arith.cmpi ne, %sign3A_421, %ne3A_429 : vector<1x128xi32>
          %rem3A_431 = vector.broadcast %jit3A_410 : i32 to vector<1x128xi32>
          %rem3A_432 = arith.remsi %mul3A_409, %rem3A_431 : vector<1x128xi32>
          %ne3A_433 = arith.constant 0 : i32
          %ne3A_434 = vector.broadcast %ne3A_433 : i32 to vector<1x128xi32>
          %ne3A_435 = arith.cmpi ne, %rem3A_432, %ne3A_434 : vector<1x128xi32>
          %and3A_436 = arith.andi %ne3A_430, %ne3A_435 : vector<1x128xi1>
          %sub3A_437 = arith.constant 1 : i32
          %sub3A_438 = vector.broadcast %sub3A_437 : i32 to vector<1x128xi32>
          %sub3A_439 = arith.subi %div3A_412, %sub3A_438 : vector<1x128xi32>
          %select_n3A_440 = arith.select %and3A_436, %sub3A_439, %div3A_412 : vector<1x128xi1>, vector<1x128xi32>
          %sub3A_441 = arith.subi %max3A_405, %min3A_404 : vector<1x128xi32>
          %add3A_442 = arith.addi %select_n3A_440, %sub3A_441 : vector<1x128xi32>
          %mul3A_443 = arith.constant 28 : i32
          %mul3A_444 = vector.broadcast %mul3A_443 : i32 to vector<1x128xi32>
          %mul3A_445 = arith.muli %sub3A_176, %mul3A_444 : vector<1x128xi32>
          %add3A_446 = arith.addi %mul3A_445, %add3A_442 : vector<1x128xi32>
          %eq3A_447 = vector.broadcast %add3A_446 : vector<1x128xi32> to vector<448x128xi32>
          %eq3A_448 = arith.cmpi eq, %iota3A_116, %eq3A_447 : vector<448x128xi32>
          %and3A_449 = vector.broadcast %and3A_311 : vector<1x128xi1> to vector<448x128xi1>
          %and3A_450 = arith.andi %eq3A_448, %and3A_449 : vector<448x128xi1>
          %convert_element_type3A_451 = arith.extui %and3A_450 : vector<448x128xi1> to vector<448x128xi32>
          %convert_element_type3A_452 = arith.sitofp %convert_element_type3A_451 : vector<448x128xi32> to vector<448x128xf32>
          %get3A_453 = arith.constant 0 : index
          %get3A_454 = arith.constant 0 : index
          %get3A_455 = vector.load %arg13[%get3A_453, %get3A_454] : memref<448x32xf32, #tpu.memory_space<vmem>>, vector<448x32xf32>
          %dot_general3A_456 = arith.constant dense<0.000000e+00> : vector<448x32xf32>
          %dot_general3A_457 = tpu.matmul %convert_element_type3A_452, %select_n3A_403, %dot_general3A_456 {dimension_numbers = #tpu.dot_dimension_numbers<[1], [1], [0], [0], [0, 0, 1, 0], [], []>, transpose_lhs_hint = false} : vector<448x128xf32>, vector<32x128xf32>, vector<448x32xf32> -> vector<448x32xf32>
          %add3A_458 = arith.addf %get3A_455, %dot_general3A_457 : vector<448x32xf32>
          %swap3A_459 = arith.constant 0 : index
          %swap3A_460 = arith.constant 0 : index
          %swap3A_461 = vector.load %arg13[%swap3A_459, %swap3A_460] : memref<448x32xf32, #tpu.memory_space<vmem>>, vector<448x32xf32>
          tpu.vector_store %arg13[%swap3A_459, %swap3A_460], %add3A_458 {strides = array<i32>} : memref<448x32xf32, #tpu.memory_space<vmem>>, vector<448x32xf32>,
          %cond3A_462 = arith.constant 0 : i32
          scf.yield %cond3A_462 : i32
        } else {
          %cond3A_328 = arith.constant 0 : i32
          scf.yield %cond3A_328 : i32
        }
        %while3A_327 = arith.constant 0 : i32
        scf.yield %while3A_327 : i32
      }
      %add3A_271 = arith.constant 1 : i32
      %add3A_272 = arith.addi %min3A, %add3A_271 : i32
      %while3A_273 = arith.constant 129 : i32
      %while3A_274 = arith.constant 0 : i32
      %while3A_275 = arith.subi %add3A_272, %while3A_273 : i32
      %while3A_276 = arith.addi %while3A_273, %while3A_275 : i32
      %while3A_277 = arith.constant 1 : i32
      %while3A_278 = arith.divsi %while3A_275, %while3A_277 : i32
      %while3A_279 = arith.muli %while3A_278, %while3A_277 : i32
      %while3A_280 = arith.addi %while3A_273, %while3A_279 : i32
      %while3A_281 = arith.constant 1 : i32
      %while3A_282 = scf.for %while3A_286 = %while3A_273 to %while3A_280 step %while3A_281 iter_args(%while3A_287 = %while3A_274) -> (i32)  : i32 {
        %jit3A_288 = arith.constant 128 : i32
        %div3A_289 = arith.divsi %while3A_286, %jit3A_288 : i32
        %sign3A_290 = arith.constant 0 : i32
        %sign3A_291 = arith.cmpi sgt, %while3A_286, %sign3A_290 : i32
        %sign3A_292 = arith.extui %sign3A_291 : i1 to i32
        %sign3A_293 = arith.constant 0 : i32
        %sign3A_294 = arith.cmpi slt, %while3A_286, %sign3A_293 : i32
        %sign3A_295 = arith.extui %sign3A_294 : i1 to i32
        %sign3A_296 = arith.subi %sign3A_292, %sign3A_295 : i32
        %sign3A_297 = arith.constant 0 : i32
        %sign3A_298 = arith.cmpi sgt, %jit3A_288, %sign3A_297 : i32
        %sign3A_299 = arith.extui %sign3A_298 : i1 to i32
        %sign3A_300 = arith.constant 0 : i32
        %sign3A_301 = arith.cmpi slt, %jit3A_288, %sign3A_300 : i32
        %sign3A_302 = arith.extui %sign3A_301 : i1 to i32
        %sign3A_303 = arith.subi %sign3A_299, %sign3A_302 : i32
        %ne3A_304 = arith.cmpi ne, %sign3A_296, %sign3A_303 : i32
        %rem3A_305 = arith.remsi %while3A_286, %jit3A_288 : i32
        %ne3A_306 = arith.constant 0 : i32
        %ne3A_307 = arith.cmpi ne, %rem3A_305, %ne3A_306 : i32
        %and3A_308 = arith.andi %ne3A_304, %ne3A_307 : i1
        %sub3A_309 = arith.constant 1 : i32
        %sub3A_310 = arith.subi %div3A_289, %sub3A_309 : i32
        %select_n3A_311 = arith.select %and3A_308, %sub3A_310, %div3A_289 : i32
        %mul3A_312 = arith.constant 128 : i32
        %mul3A_313 = arith.muli %select_n3A_311, %mul3A_312 : i32
        %sub3A_314 = arith.subi %while3A_286, %mul3A_313 : i32
        %add3A_315 = arith.addi %select_n3A_83, %while3A_128 : i32
        %add3A_316 = arith.addi %add3A_315, %select_n3A_311 : i32
        %mul3A_317 = arith.constant 128 : i32
        %mul3A_318 = arith.muli %add3A_316, %mul3A_317 : i32
        %sub3A_319 = arith.constant 256 : i32
        %sub3A_320 = arith.subi %sub3A_319, %sub3A_314 : i32
        %get3A_321 = arith.constant 0 : index
        %get3A_322 = arith.index_cast %mul3A_318 : i32 to index
        %get3A_323 = vector.load %arg3[%get3A_321, %get3A_322] : memref<1x131328xi32, #tpu.memory_space<vmem>>, vector<1x256xi32>
        %get3A_324 = vector.shape_cast %get3A_323 : vector<1x256xi32> to vector<256xi32>
        %reshape3A_325 = vector.shape_cast %get3A_324 : vector<256xi32> to vector<1x256xi32>
        %roll3A = tpu.dynamic_rotate %reshape3A_325 by %sub3A_320 dim 1 : vector<1x256xi32>, i32 -> vector<1x256xi32>
        %slice3A = vector.extract_strided_slice %roll3A {offsets = [0, 0], sizes = [1, 128], strides = [1, 1]} : vector<1x256xi32> to vector<1x128xi32>
        %get3A_326 = arith.constant 0 : index
        %get3A_327 = arith.index_cast %mul3A_318 : i32 to index
        %get3A_328 = vector.load %arg4[%get3A_326, %get3A_327] : memref<1x131328xi32, #tpu.memory_space<vmem>>, vector<1x256xi32>
        %get3A_329 = vector.shape_cast %get3A_328 : vector<1x256xi32> to vector<256xi32>
        %reshape3A_330 = vector.shape_cast %get3A_329 : vector<256xi32> to vector<1x256xi32>
        %roll3A_331 = tpu.dynamic_rotate %reshape3A_330 by %sub3A_320 dim 1 : vector<1x256xi32>, i32 -> vector<1x256xi32>
        %slice3A_332 = vector.extract_strided_slice %roll3A_331 {offsets = [0, 0], sizes = [1, 128], strides = [1, 1]} : vector<1x256xi32> to vector<1x128xi32>
        %get3A_333 = arith.constant 0 : index
        %get3A_334 = arith.index_cast %mul3A_318 : i32 to index
        %get3A_335 = vector.load %arg5[%get3A_333, %get3A_334] : memref<1x131328xi32, #tpu.memory_space<vmem>>, vector<1x256xi32>
        %get3A_336 = vector.shape_cast %get3A_335 : vector<1x256xi32> to vector<256xi32>
        %reshape3A_337 = vector.shape_cast %get3A_336 : vector<256xi32> to vector<1x256xi32>
        %roll3A_338 = tpu.dynamic_rotate %reshape3A_337 by %sub3A_320 dim 1 : vector<1x256xi32>, i32 -> vector<1x256xi32>
        %slice3A_339 = vector.extract_strided_slice %roll3A_338 {offsets = [0, 0], sizes = [1, 128], strides = [1, 1]} : vector<1x256xi32> to vector<1x128xi32>
        %get3A_340 = arith.constant 0 : index
        %get3A_341 = arith.index_cast %mul3A_318 : i32 to index
        %get3A_342 = vector.load %arg6[%get3A_340, %get3A_341] : memref<1x131328xf32, #tpu.memory_space<vmem>>, vector<1x256xf32>
        %get3A_343 = vector.shape_cast %get3A_342 : vector<1x256xf32> to vector<256xf32>
        %reshape3A_344 = vector.shape_cast %get3A_343 : vector<256xf32> to vector<1x256xf32>
        %roll3A_345 = tpu.dynamic_rotate %reshape3A_344 by %sub3A_320 dim 1 : vector<1x256xf32>, i32 -> vector<1x256xf32>
        %slice3A_346 = vector.extract_strided_slice %roll3A_345 {offsets = [0, 0], sizes = [1, 128], strides = [1, 1]} : vector<1x256xf32> to vector<1x128xf32>
        %get3A_347 = arith.constant 0 : index
        %get3A_348 = arith.index_cast %mul3A_318 : i32 to index
        %get3A_349 = vector.load %arg7[%get3A_347, %get3A_348] : memref<1x131328xf32, #tpu.memory_space<vmem>>, vector<1x256xf32>
        %get3A_350 = vector.shape_cast %get3A_349 : vector<1x256xf32> to vector<256xf32>
        %reshape3A_351 = vector.shape_cast %get3A_350 : vector<256xf32> to vector<1x256xf32>
        %roll3A_352 = tpu.dynamic_rotate %reshape3A_351 by %sub3A_320 dim 1 : vector<1x256xf32>, i32 -> vector<1x256xf32>
        %slice3A_353 = vector.extract_strided_slice %roll3A_352 {offsets = [0, 0], sizes = [1, 128], strides = [1, 1]} : vector<1x256xf32> to vector<1x128xf32>
        %get3A_354 = arith.constant 0 : index
        %get3A_355 = arith.index_cast %mul3A_318 : i32 to index
        %get3A_356 = vector.load %arg8[%get3A_354, %get3A_355] : memref<1x131328xf32, #tpu.memory_space<vmem>>, vector<1x256xf32>
        %get3A_357 = vector.shape_cast %get3A_356 : vector<1x256xf32> to vector<256xf32>
        %reshape3A_358 = vector.shape_cast %get3A_357 : vector<256xf32> to vector<1x256xf32>
        %roll3A_359 = tpu.dynamic_rotate %reshape3A_358 by %sub3A_320 dim 1 : vector<1x256xf32>, i32 -> vector<1x256xf32>
        %slice3A_360 = vector.extract_strided_slice %roll3A_359 {offsets = [0, 0], sizes = [1, 128], strides = [1, 1]} : vector<1x256xf32> to vector<1x128xf32>
        %get3A_361 = arith.constant 0 : index
        %get3A_362 = arith.index_cast %mul3A_318 : i32 to index
        %get3A_363 = vector.load %arg9[%get3A_361, %get3A_362] : memref<1x131328xf32, #tpu.memory_space<vmem>>, vector<1x256xf32>
        %get3A_364 = vector.shape_cast %get3A_363 : vector<1x256xf32> to vector<256xf32>
        %reshape3A_365 = vector.shape_cast %get3A_364 : vector<256xf32> to vector<1x256xf32>
        %roll3A_366 = tpu.dynamic_rotate %reshape3A_365 by %sub3A_320 dim 1 : vector<1x256xf32>, i32 -> vector<1x256xf32>
        %slice3A_367 = vector.extract_strided_slice %roll3A_366 {offsets = [0, 0], sizes = [1, 128], strides = [1, 1]} : vector<1x256xf32> to vector<1x128xf32>
        %get3A_368 = arith.constant 0 : index
        %get3A_369 = arith.index_cast %mul3A_318 : i32 to index
        %get3A_370 = vector.load %arg10[%get3A_368, %get3A_369] : memref<1x131328xf32, #tpu.memory_space<vmem>>, vector<1x256xf32>
        %get3A_371 = vector.shape_cast %get3A_370 : vector<1x256xf32> to vector<256xf32>
        %reshape3A_372 = vector.shape_cast %get3A_371 : vector<256xf32> to vector<1x256xf32>
        %roll3A_373 = tpu.dynamic_rotate %reshape3A_372 by %sub3A_320 dim 1 : vector<1x256xf32>, i32 -> vector<1x256xf32>
        %slice3A_374 = vector.extract_strided_slice %roll3A_373 {offsets = [0, 0], sizes = [1, 128], strides = [1, 1]} : vector<1x256xf32> to vector<1x128xf32>
        %eq3A_375 = arith.cmpi eq, %slice3A, %reshape3A : vector<1x128xi32>
        %gt3A = arith.constant 0 : i32
        %gt3A_376 = vector.broadcast %gt3A : i32 to vector<1x128xi32>
        %gt3A_377 = arith.cmpi sgt, %reshape3A_149, %gt3A_376 : vector<1x128xi32>
        %and3A_378 = arith.andi %eq3A_375, %gt3A_377 : vector<1x128xi1>
        %gt3A_379 = arith.constant 0 : i32
        %gt3A_380 = vector.broadcast %gt3A_379 : i32 to vector<1x128xi32>
        %gt3A_381 = arith.cmpi sgt, %slice3A_339, %gt3A_380 : vector<1x128xi32>
        %and3A_382 = arith.andi %and3A_378, %gt3A_381 : vector<1x128xi1>
        %reduce_or3A = arith.constant 1.000000e+00 : f32
        %reduce_or3A_383 = arith.constant 0.000000e+00 : f32
        %reduce_or3A_384 = vector.broadcast %reduce_or3A : f32 to vector<1x128xf32>
        %reduce_or3A_385 = vector.broadcast %reduce_or3A_383 : f32 to vector<1x128xf32>
        %reduce_or3A_386 = arith.select %and3A_382, %reduce_or3A_384, %reduce_or3A_385 : vector<1x128xi1>, vector<1x128xf32>
        %reduce_or3A_387 = vector.shape_cast %reduce_or3A_386 : vector<1x128xf32> to vector<1x1x128xf32>
        %reduce_or3A_388 = arith.constant dense<0xFF800000> : vector<1xf32>
        %reduce_or3A_389 = vector.multi_reduction <maximumf>, %reduce_or3A_387, %reduce_or3A_388 [1, 2] : vector<1x1x128xf32> to vector<1xf32>
        %reduce_or3A_390 = vector.shape_cast %reduce_or3A_389 : vector<1xf32> to vector<1x1x1xf32>
        %reduce_or3A_391 = vector.extract %reduce_or3A_390[0, 0, 0] : f32 from vector<1x1x1xf32>
        %reduce_or3A_392 = arith.constant 0.000000e+00 : f32
        %reduce_or3A_393 = arith.cmpf ogt, %reduce_or3A_391, %reduce_or3A_392 : f32
        %convert_element_type3A_394 = arith.extui %reduce_or3A_393 : i1 to i32
        %cond3A = arith.constant 0 : i32
        %cond3A_395 = arith.constant 0 : i32
        %cond3A_396 = arith.cmpi ne, %convert_element_type3A_394, %cond3A_395 : i32
        %cond3A_397 = scf.if %cond3A_396 -> (i32) {
          %mul3A_399 = arith.mulf %reshape3A_154, %slice3A_346 : vector<1x128xf32>
          %mul3A_400 = arith.mulf %reshape3A_159, %slice3A_353 : vector<1x128xf32>
          %add3A_401 = arith.addf %mul3A_399, %mul3A_400 : vector<1x128xf32>
          %mul3A_402 = arith.mulf %reshape3A_164, %slice3A_360 : vector<1x128xf32>
          %add3A_403 = arith.addf %add3A_401, %mul3A_402 : vector<1x128xf32>
          %mul3A_404 = arith.constant 0.949999988 : f32
          %mul3A_405 = vector.broadcast %mul3A_404 : f32 to vector<1x128xf32>
          %mul3A_406 = arith.mulf %mul3A_405, %add3A_403 : vector<1x128xf32>
          %mul3A_407 = arith.mulf %reshape3A_169, %slice3A_367 : vector<1x128xf32>
          %add3A_408 = arith.constant 1.000000e-10 : f32
          %add3A_409 = vector.broadcast %add3A_408 : f32 to vector<1x128xf32>
          %add3A_410 = arith.addf %mul3A_407, %add3A_409 : vector<1x128xf32>
          %div3A_411 = arith.divf %mul3A_406, %add3A_410 : vector<1x128xf32>
          %jit3A_412 = arith.constant -1.000000e+00 : f32
          %jit3A_413 = arith.constant 1.000000e+00 : f32
          %max3A = vector.broadcast %jit3A_412 : f32 to vector<1x128xf32>
          %max3A_414 = arith.maximumf %max3A, %div3A_411 : vector<1x128xf32>
          %min3A_415 = vector.broadcast %jit3A_413 : f32 to vector<1x128xf32>
          %min3A_416 = arith.minimumf %min3A_415, %max3A_414 : vector<1x128xf32>
          %mul3A_417 = arith.mulf %min3A_416, %min3A_416 : vector<1x128xf32>
          %sub3A_418 = arith.constant 1.000000e+00 : f32
          %sub3A_419 = vector.broadcast %sub3A_418 : f32 to vector<1x128xf32>
          %sub3A_420 = arith.subf %sub3A_419, %mul3A_417 : vector<1x128xf32>
          %max3A_421 = arith.constant 0.000000e+00 : f32
          %max3A_422 = vector.broadcast %max3A_421 : f32 to vector<1x128xf32>
          %max3A_423 = arith.maximumf %sub3A_420, %max3A_422 : vector<1x128xf32>
          %sqrt3A = math.sqrt %max3A_423 : vector<1x128xf32>
          %broadcast_in_dim3A_424 = vector.shape_cast %min3A_416 : vector<1x128xf32> to vector<1x1x128xf32>
          %mul3A_425 = vector.broadcast %broadcast_in_dim3A_424 : vector<1x1x128xf32> to vector<4x1x128xf32>
          %mul3A_426 = vector.broadcast %select_n3A_37 : vector<4x1x1xf32> to vector<4x1x128xf32>
          %mul3A_427 = arith.mulf %mul3A_425, %mul3A_426 : vector<4x1x128xf32>
          %add3A_428 = arith.constant 1.000000e+00 : f32
          %add3A_429 = vector.broadcast %add3A_428 : f32 to vector<4x1x128xf32>
          %add3A_430 = arith.addf %add3A_429, %mul3A_427 : vector<4x1x128xf32>
          %broadcast_in_dim3A_431 = vector.shape_cast %sqrt3A : vector<1x128xf32> to vector<1x1x128xf32>
          %mul3A_432 = vector.broadcast %broadcast_in_dim3A_431 : vector<1x1x128xf32> to vector<4x1x128xf32>
          %mul3A_433 = vector.broadcast %select_n3A_57 : vector<4x1x1xf32> to vector<4x1x128xf32>
          %mul3A_434 = arith.mulf %mul3A_432, %mul3A_433 : vector<4x1x128xf32>
          %add3A_435 = arith.addf %add3A_430, %mul3A_434 : vector<4x1x128xf32>
          %mul3A_436 = arith.constant 5.000000e-01 : f32
          %mul3A_437 = vector.broadcast %mul3A_436 : f32 to vector<4x1x128xf32>
          %mul3A_438 = arith.mulf %add3A_435, %mul3A_437 : vector<4x1x128xf32>
          %max3A_439 = arith.constant 1.000000e-30 : f32
          %max3A_440 = vector.broadcast %max3A_439 : f32 to vector<4x1x128xf32>
          %max3A_441 = arith.maximumf %mul3A_438, %max3A_440 : vector<4x1x128xf32>
          %log3A = math.log %max3A_441 : vector<4x1x128xf32>
          %mul3A_442 = arith.constant 1.410000e+01 : f32
          %mul3A_443 = vector.broadcast %mul3A_442 : f32 to vector<4x1x128xf32>
          %mul3A_444 = arith.mulf %mul3A_443, %log3A : vector<4x1x128xf32>
          %exp3A_445 = math.exp %mul3A_444 : vector<4x1x128xf32>
          %add3A_446 = arith.addf %reshape3A_169, %slice3A_367 : vector<1x128xf32>
          %mul3A_447 = arith.constant 5.000000e-01 : f32
          %mul3A_448 = vector.broadcast %mul3A_447 : f32 to vector<1x128xf32>
          %mul3A_449 = arith.mulf %add3A_446, %mul3A_448 : vector<1x128xf32>
          %broadcast_in_dim3A_450 = vector.shape_cast %mul3A_449 : vector<1x128xf32> to vector<1x1x128xf32>
          %sub3A_451 = vector.broadcast %broadcast_in_dim3A_450 : vector<1x1x128xf32> to vector<1x8x128xf32>
          %sub3A_452 = vector.broadcast %add3A_65 : vector<1x8x1xf32> to vector<1x8x128xf32>
          %sub3A_453 = arith.subf %sub3A_451, %sub3A_452 : vector<1x8x128xf32>
          %integer_pow3A_454 = arith.mulf %sub3A_453, %sub3A_453 : vector<1x8x128xf32>
          %mul3A_455 = arith.constant -1.250000e+03 : f32
          %mul3A_456 = vector.broadcast %mul3A_455 : f32 to vector<1x8x128xf32>
          %mul3A_457 = arith.mulf %mul3A_456, %integer_pow3A_454 : vector<1x8x128xf32>
          %exp3A_458 = math.exp %mul3A_457 : vector<1x8x128xf32>
          %mul3A_459 = arith.constant 2.000000e+00 : f32
          %mul3A_460 = vector.broadcast %mul3A_459 : f32 to vector<4x1x128xf32>
          %mul3A_461 = arith.mulf %mul3A_460, %exp3A_445 : vector<4x1x128xf32>
          %mul3A_462 = vector.broadcast %mul3A_461 : vector<4x1x128xf32> to vector<4x8x128xf32>
          %mul3A_463 = vector.broadcast %exp3A_458 : vector<1x8x128xf32> to vector<4x8x128xf32>
          %mul3A_464 = arith.mulf %mul3A_462, %mul3A_463 : vector<4x8x128xf32>
          %mul3A_465 = arith.mulf %reshape3A_174, %slice3A_374 : vector<1x128xf32>
          %broadcast_in_dim3A_466 = vector.shape_cast %mul3A_465 : vector<1x128xf32> to vector<1x1x128xf32>
          %mul3A_467 = vector.broadcast %broadcast_in_dim3A_466 : vector<1x1x128xf32> to vector<4x8x128xf32>
          %mul3A_468 = arith.mulf %mul3A_464, %mul3A_467 : vector<4x8x128xf32>
          %reshape3A_469 = vector.shape_cast %mul3A_468 : vector<4x8x128xf32> to vector<32x128xf32>
          %jit3A_470 = arith.constant 0.000000e+00 : f32
          %broadcast_in_dim3A_471 = vector.shape_cast %and3A_382 : vector<1x128xi1> to vector<1x128xi1>
          %broadcast_in_dim3A_472 = vector.broadcast %broadcast_in_dim3A_471 : vector<1x128xi1> to vector<32x128xi1>
          %broadcast_in_dim3A_473 = vector.broadcast %jit3A_470 : f32 to vector<32x128xf32>
          %select_n3A_474 = arith.select %broadcast_in_dim3A_472, %reshape3A_469, %broadcast_in_dim3A_473 : vector<32x128xi1>, vector<32x128xf32>
          %min3A_475 = arith.minsi %reshape3A_144, %slice3A_332 : vector<1x128xi32>
          %max3A_476 = arith.maxsi %reshape3A_144, %slice3A_332 : vector<1x128xi32>
          %sub3A_477 = arith.constant 15 : i32
          %sub3A_478 = vector.broadcast %sub3A_477 : i32 to vector<1x128xi32>
          %sub3A_479 = arith.subi %sub3A_478, %min3A_475 : vector<1x128xi32>
          %mul3A_480 = arith.muli %min3A_475, %sub3A_479 : vector<1x128xi32>
          %jit3A_481 = arith.constant 2 : i32
          %div3A_482 = vector.broadcast %jit3A_481 : i32 to vector<1x128xi32>
          %div3A_483 = arith.divsi %mul3A_480, %div3A_482 : vector<1x128xi32>
          %sign3A_484 = arith.constant 0 : i32
          %sign3A_485 = vector.broadcast %sign3A_484 : i32 to vector<1x128xi32>
          %sign3A_486 = arith.cmpi sgt, %mul3A_480, %sign3A_485 : vector<1x128xi32>
          %sign3A_487 = arith.extui %sign3A_486 : vector<1x128xi1> to vector<1x128xi32>
          %sign3A_488 = arith.constant 0 : i32
          %sign3A_489 = vector.broadcast %sign3A_488 : i32 to vector<1x128xi32>
          %sign3A_490 = arith.cmpi slt, %mul3A_480, %sign3A_489 : vector<1x128xi32>
          %sign3A_491 = arith.extui %sign3A_490 : vector<1x128xi1> to vector<1x128xi32>
          %sign3A_492 = arith.subi %sign3A_487, %sign3A_491 : vector<1x128xi32>
          %sign3A_493 = arith.constant 0 : i32
          %sign3A_494 = arith.cmpi sgt, %jit3A_481, %sign3A_493 : i32
          %sign3A_495 = arith.extui %sign3A_494 : i1 to i32
          %sign3A_496 = arith.constant 0 : i32
          %sign3A_497 = arith.cmpi slt, %jit3A_481, %sign3A_496 : i32
          %sign3A_498 = arith.extui %sign3A_497 : i1 to i32
          %sign3A_499 = arith.subi %sign3A_495, %sign3A_498 : i32
          %ne3A_500 = vector.broadcast %sign3A_499 : i32 to vector<1x128xi32>
          %ne3A_501 = arith.cmpi ne, %sign3A_492, %ne3A_500 : vector<1x128xi32>
          %rem3A_502 = vector.broadcast %jit3A_481 : i32 to vector<1x128xi32>
          %rem3A_503 = arith.remsi %mul3A_480, %rem3A_502 : vector<1x128xi32>
          %ne3A_504 = arith.constant 0 : i32
          %ne3A_505 = vector.broadcast %ne3A_504 : i32 to vector<1x128xi32>
          %ne3A_506 = arith.cmpi ne, %rem3A_503, %ne3A_505 : vector<1x128xi32>
          %and3A_507 = arith.andi %ne3A_501, %ne3A_506 : vector<1x128xi1>
          %sub3A_508 = arith.constant 1 : i32
          %sub3A_509 = vector.broadcast %sub3A_508 : i32 to vector<1x128xi32>
          %sub3A_510 = arith.subi %div3A_483, %sub3A_509 : vector<1x128xi32>
          %select_n3A_511 = arith.select %and3A_507, %sub3A_510, %div3A_483 : vector<1x128xi1>, vector<1x128xi32>
          %sub3A_512 = arith.subi %max3A_476, %min3A_475 : vector<1x128xi32>
          %add3A_513 = arith.addi %select_n3A_511, %sub3A_512 : vector<1x128xi32>
          %mul3A_514 = arith.constant 28 : i32
          %mul3A_515 = vector.broadcast %mul3A_514 : i32 to vector<1x128xi32>
          %mul3A_516 = arith.muli %sub3A_176, %mul3A_515 : vector<1x128xi32>
          %add3A_517 = arith.addi %mul3A_516, %add3A_513 : vector<1x128xi32>
          %eq3A_518 = vector.broadcast %add3A_517 : vector<1x128xi32> to vector<448x128xi32>
          %eq3A_519 = arith.cmpi eq, %iota3A_116, %eq3A_518 : vector<448x128xi32>
          %and3A_520 = vector.broadcast %and3A_382 : vector<1x128xi1> to vector<448x128xi1>
          %and3A_521 = arith.andi %eq3A_519, %and3A_520 : vector<448x128xi1>
          %convert_element_type3A_522 = arith.extui %and3A_521 : vector<448x128xi1> to vector<448x128xi32>
          %convert_element_type3A_523 = arith.sitofp %convert_element_type3A_522 : vector<448x128xi32> to vector<448x128xf32>
          %get3A_524 = arith.constant 0 : index
          %get3A_525 = arith.constant 0 : index
          %get3A_526 = vector.load %arg13[%get3A_524, %get3A_525] : memref<448x32xf32, #tpu.memory_space<vmem>>, vector<448x32xf32>
          %dot_general3A_527 = arith.constant dense<0.000000e+00> : vector<448x32xf32>
          %dot_general3A_528 = tpu.matmul %convert_element_type3A_523, %select_n3A_474, %dot_general3A_527 {dimension_numbers = #tpu.dot_dimension_numbers<[1], [1], [0], [0], [0, 0, 1, 0], [], []>, transpose_lhs_hint = false} : vector<448x128xf32>, vector<32x128xf32>, vector<448x32xf32> -> vector<448x32xf32>
          %add3A_529 = arith.addf %get3A_526, %dot_general3A_528 : vector<448x32xf32>
          %swap3A_530 = arith.constant 0 : index
          %swap3A_531 = arith.constant 0 : index
          %swap3A_532 = vector.load %arg13[%swap3A_530, %swap3A_531] : memref<448x32xf32, #tpu.memory_space<vmem>>, vector<448x32xf32>
          tpu.vector_store %arg13[%swap3A_530, %swap3A_531], %add3A_529 {strides = array<i32>} : memref<448x32xf32, #tpu.memory_space<vmem>>, vector<448x32xf32>,
          %cond3A_533 = arith.constant 0 : i32
          scf.yield %cond3A_533 : i32
        } else {
          %cond3A_399 = arith.constant 0 : i32
          scf.yield %cond3A_399 : i32
        }
        %while3A_398 = arith.constant 0 : i32
        scf.yield %while3A_398 : i32
      }
      %while3A_283 = arith.constant 1 : i32
      %while3A_284 = scf.for %while3A_286 = %while3A_280 to %while3A_276 step %while3A_283 iter_args(%while3A_287 = %while3A_282) -> (i32)  : i32 {
        %jit3A_288 = arith.constant 128 : i32
        %div3A_289 = arith.divsi %while3A_286, %jit3A_288 : i32
        %sign3A_290 = arith.constant 0 : i32
        %sign3A_291 = arith.cmpi sgt, %while3A_286, %sign3A_290 : i32
        %sign3A_292 = arith.extui %sign3A_291 : i1 to i32
        %sign3A_293 = arith.constant 0 : i32
        %sign3A_294 = arith.cmpi slt, %while3A_286, %sign3A_293 : i32
        %sign3A_295 = arith.extui %sign3A_294 : i1 to i32
        %sign3A_296 = arith.subi %sign3A_292, %sign3A_295 : i32
        %sign3A_297 = arith.constant 0 : i32
        %sign3A_298 = arith.cmpi sgt, %jit3A_288, %sign3A_297 : i32
        %sign3A_299 = arith.extui %sign3A_298 : i1 to i32
        %sign3A_300 = arith.constant 0 : i32
        %sign3A_301 = arith.cmpi slt, %jit3A_288, %sign3A_300 : i32
        %sign3A_302 = arith.extui %sign3A_301 : i1 to i32
        %sign3A_303 = arith.subi %sign3A_299, %sign3A_302 : i32
        %ne3A_304 = arith.cmpi ne, %sign3A_296, %sign3A_303 : i32
        %rem3A_305 = arith.remsi %while3A_286, %jit3A_288 : i32
        %ne3A_306 = arith.constant 0 : i32
        %ne3A_307 = arith.cmpi ne, %rem3A_305, %ne3A_306 : i32
        %and3A_308 = arith.andi %ne3A_304, %ne3A_307 : i1
        %sub3A_309 = arith.constant 1 : i32
        %sub3A_310 = arith.subi %div3A_289, %sub3A_309 : i32
        %select_n3A_311 = arith.select %and3A_308, %sub3A_310, %div3A_289 : i32
        %mul3A_312 = arith.constant 128 : i32
        %mul3A_313 = arith.muli %select_n3A_311, %mul3A_312 : i32
        %sub3A_314 = arith.subi %while3A_286, %mul3A_313 : i32
        %add3A_315 = arith.addi %select_n3A_83, %while3A_128 : i32
        %add3A_316 = arith.addi %add3A_315, %select_n3A_311 : i32
        %mul3A_317 = arith.constant 128 : i32
        %mul3A_318 = arith.muli %add3A_316, %mul3A_317 : i32
        %sub3A_319 = arith.constant 256 : i32
        %sub3A_320 = arith.subi %sub3A_319, %sub3A_314 : i32
        %get3A_321 = arith.constant 0 : index
        %get3A_322 = arith.index_cast %mul3A_318 : i32 to index
        %get3A_323 = vector.load %arg3[%get3A_321, %get3A_322] : memref<1x131328xi32, #tpu.memory_space<vmem>>, vector<1x256xi32>
        %get3A_324 = vector.shape_cast %get3A_323 : vector<1x256xi32> to vector<256xi32>
        %reshape3A_325 = vector.shape_cast %get3A_324 : vector<256xi32> to vector<1x256xi32>
        %roll3A = tpu.dynamic_rotate %reshape3A_325 by %sub3A_320 dim 1 : vector<1x256xi32>, i32 -> vector<1x256xi32>
        %slice3A = vector.extract_strided_slice %roll3A {offsets = [0, 0], sizes = [1, 128], strides = [1, 1]} : vector<1x256xi32> to vector<1x128xi32>
        %get3A_326 = arith.constant 0 : index
        %get3A_327 = arith.index_cast %mul3A_318 : i32 to index
        %get3A_328 = vector.load %arg4[%get3A_326, %get3A_327] : memref<1x131328xi32, #tpu.memory_space<vmem>>, vector<1x256xi32>
        %get3A_329 = vector.shape_cast %get3A_328 : vector<1x256xi32> to vector<256xi32>
        %reshape3A_330 = vector.shape_cast %get3A_329 : vector<256xi32> to vector<1x256xi32>
        %roll3A_331 = tpu.dynamic_rotate %reshape3A_330 by %sub3A_320 dim 1 : vector<1x256xi32>, i32 -> vector<1x256xi32>
        %slice3A_332 = vector.extract_strided_slice %roll3A_331 {offsets = [0, 0], sizes = [1, 128], strides = [1, 1]} : vector<1x256xi32> to vector<1x128xi32>
        %get3A_333 = arith.constant 0 : index
        %get3A_334 = arith.index_cast %mul3A_318 : i32 to index
        %get3A_335 = vector.load %arg5[%get3A_333, %get3A_334] : memref<1x131328xi32, #tpu.memory_space<vmem>>, vector<1x256xi32>
        %get3A_336 = vector.shape_cast %get3A_335 : vector<1x256xi32> to vector<256xi32>
        %reshape3A_337 = vector.shape_cast %get3A_336 : vector<256xi32> to vector<1x256xi32>
        %roll3A_338 = tpu.dynamic_rotate %reshape3A_337 by %sub3A_320 dim 1 : vector<1x256xi32>, i32 -> vector<1x256xi32>
        %slice3A_339 = vector.extract_strided_slice %roll3A_338 {offsets = [0, 0], sizes = [1, 128], strides = [1, 1]} : vector<1x256xi32> to vector<1x128xi32>
        %get3A_340 = arith.constant 0 : index
        %get3A_341 = arith.index_cast %mul3A_318 : i32 to index
        %get3A_342 = vector.load %arg6[%get3A_340, %get3A_341] : memref<1x131328xf32, #tpu.memory_space<vmem>>, vector<1x256xf32>
        %get3A_343 = vector.shape_cast %get3A_342 : vector<1x256xf32> to vector<256xf32>
        %reshape3A_344 = vector.shape_cast %get3A_343 : vector<256xf32> to vector<1x256xf32>
        %roll3A_345 = tpu.dynamic_rotate %reshape3A_344 by %sub3A_320 dim 1 : vector<1x256xf32>, i32 -> vector<1x256xf32>
        %slice3A_346 = vector.extract_strided_slice %roll3A_345 {offsets = [0, 0], sizes = [1, 128], strides = [1, 1]} : vector<1x256xf32> to vector<1x128xf32>
        %get3A_347 = arith.constant 0 : index
        %get3A_348 = arith.index_cast %mul3A_318 : i32 to index
        %get3A_349 = vector.load %arg7[%get3A_347, %get3A_348] : memref<1x131328xf32, #tpu.memory_space<vmem>>, vector<1x256xf32>
        %get3A_350 = vector.shape_cast %get3A_349 : vector<1x256xf32> to vector<256xf32>
        %reshape3A_351 = vector.shape_cast %get3A_350 : vector<256xf32> to vector<1x256xf32>
        %roll3A_352 = tpu.dynamic_rotate %reshape3A_351 by %sub3A_320 dim 1 : vector<1x256xf32>, i32 -> vector<1x256xf32>
        %slice3A_353 = vector.extract_strided_slice %roll3A_352 {offsets = [0, 0], sizes = [1, 128], strides = [1, 1]} : vector<1x256xf32> to vector<1x128xf32>
        %get3A_354 = arith.constant 0 : index
        %get3A_355 = arith.index_cast %mul3A_318 : i32 to index
        %get3A_356 = vector.load %arg8[%get3A_354, %get3A_355] : memref<1x131328xf32, #tpu.memory_space<vmem>>, vector<1x256xf32>
        %get3A_357 = vector.shape_cast %get3A_356 : vector<1x256xf32> to vector<256xf32>
        %reshape3A_358 = vector.shape_cast %get3A_357 : vector<256xf32> to vector<1x256xf32>
        %roll3A_359 = tpu.dynamic_rotate %reshape3A_358 by %sub3A_320 dim 1 : vector<1x256xf32>, i32 -> vector<1x256xf32>
        %slice3A_360 = vector.extract_strided_slice %roll3A_359 {offsets = [0, 0], sizes = [1, 128], strides = [1, 1]} : vector<1x256xf32> to vector<1x128xf32>
        %get3A_361 = arith.constant 0 : index
        %get3A_362 = arith.index_cast %mul3A_318 : i32 to index
        %get3A_363 = vector.load %arg9[%get3A_361, %get3A_362] : memref<1x131328xf32, #tpu.memory_space<vmem>>, vector<1x256xf32>
        %get3A_364 = vector.shape_cast %get3A_363 : vector<1x256xf32> to vector<256xf32>
        %reshape3A_365 = vector.shape_cast %get3A_364 : vector<256xf32> to vector<1x256xf32>
        %roll3A_366 = tpu.dynamic_rotate %reshape3A_365 by %sub3A_320 dim 1 : vector<1x256xf32>, i32 -> vector<1x256xf32>
        %slice3A_367 = vector.extract_strided_slice %roll3A_366 {offsets = [0, 0], sizes = [1, 128], strides = [1, 1]} : vector<1x256xf32> to vector<1x128xf32>
        %get3A_368 = arith.constant 0 : index
        %get3A_369 = arith.index_cast %mul3A_318 : i32 to index
        %get3A_370 = vector.load %arg10[%get3A_368, %get3A_369] : memref<1x131328xf32, #tpu.memory_space<vmem>>, vector<1x256xf32>
        %get3A_371 = vector.shape_cast %get3A_370 : vector<1x256xf32> to vector<256xf32>
        %reshape3A_372 = vector.shape_cast %get3A_371 : vector<256xf32> to vector<1x256xf32>
        %roll3A_373 = tpu.dynamic_rotate %reshape3A_372 by %sub3A_320 dim 1 : vector<1x256xf32>, i32 -> vector<1x256xf32>
        %slice3A_374 = vector.extract_strided_slice %roll3A_373 {offsets = [0, 0], sizes = [1, 128], strides = [1, 1]} : vector<1x256xf32> to vector<1x128xf32>
        %eq3A_375 = arith.cmpi eq, %slice3A, %reshape3A : vector<1x128xi32>
        %gt3A = arith.constant 0 : i32
        %gt3A_376 = vector.broadcast %gt3A : i32 to vector<1x128xi32>
        %gt3A_377 = arith.cmpi sgt, %reshape3A_149, %gt3A_376 : vector<1x128xi32>
        %and3A_378 = arith.andi %eq3A_375, %gt3A_377 : vector<1x128xi1>
        %gt3A_379 = arith.constant 0 : i32
        %gt3A_380 = vector.broadcast %gt3A_379 : i32 to vector<1x128xi32>
        %gt3A_381 = arith.cmpi sgt, %slice3A_339, %gt3A_380 : vector<1x128xi32>
        %and3A_382 = arith.andi %and3A_378, %gt3A_381 : vector<1x128xi1>
        %reduce_or3A = arith.constant 1.000000e+00 : f32
        %reduce_or3A_383 = arith.constant 0.000000e+00 : f32
        %reduce_or3A_384 = vector.broadcast %reduce_or3A : f32 to vector<1x128xf32>
        %reduce_or3A_385 = vector.broadcast %reduce_or3A_383 : f32 to vector<1x128xf32>
        %reduce_or3A_386 = arith.select %and3A_382, %reduce_or3A_384, %reduce_or3A_385 : vector<1x128xi1>, vector<1x128xf32>
        %reduce_or3A_387 = vector.shape_cast %reduce_or3A_386 : vector<1x128xf32> to vector<1x1x128xf32>
        %reduce_or3A_388 = arith.constant dense<0xFF800000> : vector<1xf32>
        %reduce_or3A_389 = vector.multi_reduction <maximumf>, %reduce_or3A_387, %reduce_or3A_388 [1, 2] : vector<1x1x128xf32> to vector<1xf32>
        %reduce_or3A_390 = vector.shape_cast %reduce_or3A_389 : vector<1xf32> to vector<1x1x1xf32>
        %reduce_or3A_391 = vector.extract %reduce_or3A_390[0, 0, 0] : f32 from vector<1x1x1xf32>
        %reduce_or3A_392 = arith.constant 0.000000e+00 : f32
        %reduce_or3A_393 = arith.cmpf ogt, %reduce_or3A_391, %reduce_or3A_392 : f32
        %convert_element_type3A_394 = arith.extui %reduce_or3A_393 : i1 to i32
        %cond3A = arith.constant 0 : i32
        %cond3A_395 = arith.constant 0 : i32
        %cond3A_396 = arith.cmpi ne, %convert_element_type3A_394, %cond3A_395 : i32
        %cond3A_397 = scf.if %cond3A_396 -> (i32) {
          %mul3A_399 = arith.mulf %reshape3A_154, %slice3A_346 : vector<1x128xf32>
          %mul3A_400 = arith.mulf %reshape3A_159, %slice3A_353 : vector<1x128xf32>
          %add3A_401 = arith.addf %mul3A_399, %mul3A_400 : vector<1x128xf32>
          %mul3A_402 = arith.mulf %reshape3A_164, %slice3A_360 : vector<1x128xf32>
          %add3A_403 = arith.addf %add3A_401, %mul3A_402 : vector<1x128xf32>
          %mul3A_404 = arith.constant 0.949999988 : f32
          %mul3A_405 = vector.broadcast %mul3A_404 : f32 to vector<1x128xf32>
          %mul3A_406 = arith.mulf %mul3A_405, %add3A_403 : vector<1x128xf32>
          %mul3A_407 = arith.mulf %reshape3A_169, %slice3A_367 : vector<1x128xf32>
          %add3A_408 = arith.constant 1.000000e-10 : f32
          %add3A_409 = vector.broadcast %add3A_408 : f32 to vector<1x128xf32>
          %add3A_410 = arith.addf %mul3A_407, %add3A_409 : vector<1x128xf32>
          %div3A_411 = arith.divf %mul3A_406, %add3A_410 : vector<1x128xf32>
          %jit3A_412 = arith.constant -1.000000e+00 : f32
          %jit3A_413 = arith.constant 1.000000e+00 : f32
          %max3A = vector.broadcast %jit3A_412 : f32 to vector<1x128xf32>
          %max3A_414 = arith.maximumf %max3A, %div3A_411 : vector<1x128xf32>
          %min3A_415 = vector.broadcast %jit3A_413 : f32 to vector<1x128xf32>
          %min3A_416 = arith.minimumf %min3A_415, %max3A_414 : vector<1x128xf32>
          %mul3A_417 = arith.mulf %min3A_416, %min3A_416 : vector<1x128xf32>
          %sub3A_418 = arith.constant 1.000000e+00 : f32
          %sub3A_419 = vector.broadcast %sub3A_418 : f32 to vector<1x128xf32>
          %sub3A_420 = arith.subf %sub3A_419, %mul3A_417 : vector<1x128xf32>
          %max3A_421 = arith.constant 0.000000e+00 : f32
          %max3A_422 = vector.broadcast %max3A_421 : f32 to vector<1x128xf32>
          %max3A_423 = arith.maximumf %sub3A_420, %max3A_422 : vector<1x128xf32>
          %sqrt3A = math.sqrt %max3A_423 : vector<1x128xf32>
          %broadcast_in_dim3A_424 = vector.shape_cast %min3A_416 : vector<1x128xf32> to vector<1x1x128xf32>
          %mul3A_425 = vector.broadcast %broadcast_in_dim3A_424 : vector<1x1x128xf32> to vector<4x1x128xf32>
          %mul3A_426 = vector.broadcast %select_n3A_37 : vector<4x1x1xf32> to vector<4x1x128xf32>
          %mul3A_427 = arith.mulf %mul3A_425, %mul3A_426 : vector<4x1x128xf32>
          %add3A_428 = arith.constant 1.000000e+00 : f32
          %add3A_429 = vector.broadcast %add3A_428 : f32 to vector<4x1x128xf32>
          %add3A_430 = arith.addf %add3A_429, %mul3A_427 : vector<4x1x128xf32>
          %broadcast_in_dim3A_431 = vector.shape_cast %sqrt3A : vector<1x128xf32> to vector<1x1x128xf32>
          %mul3A_432 = vector.broadcast %broadcast_in_dim3A_431 : vector<1x1x128xf32> to vector<4x1x128xf32>
          %mul3A_433 = vector.broadcast %select_n3A_57 : vector<4x1x1xf32> to vector<4x1x128xf32>
          %mul3A_434 = arith.mulf %mul3A_432, %mul3A_433 : vector<4x1x128xf32>
          %add3A_435 = arith.addf %add3A_430, %mul3A_434 : vector<4x1x128xf32>
          %mul3A_436 = arith.constant 5.000000e-01 : f32
          %mul3A_437 = vector.broadcast %mul3A_436 : f32 to vector<4x1x128xf32>
          %mul3A_438 = arith.mulf %add3A_435, %mul3A_437 : vector<4x1x128xf32>
          %max3A_439 = arith.constant 1.000000e-30 : f32
          %max3A_440 = vector.broadcast %max3A_439 : f32 to vector<4x1x128xf32>
          %max3A_441 = arith.maximumf %mul3A_438, %max3A_440 : vector<4x1x128xf32>
          %log3A = math.log %max3A_441 : vector<4x1x128xf32>
          %mul3A_442 = arith.constant 1.410000e+01 : f32
          %mul3A_443 = vector.broadcast %mul3A_442 : f32 to vector<4x1x128xf32>
          %mul3A_444 = arith.mulf %mul3A_443, %log3A : vector<4x1x128xf32>
          %exp3A_445 = math.exp %mul3A_444 : vector<4x1x128xf32>
          %add3A_446 = arith.addf %reshape3A_169, %slice3A_367 : vector<1x128xf32>
          %mul3A_447 = arith.constant 5.000000e-01 : f32
          %mul3A_448 = vector.broadcast %mul3A_447 : f32 to vector<1x128xf32>
          %mul3A_449 = arith.mulf %add3A_446, %mul3A_448 : vector<1x128xf32>
          %broadcast_in_dim3A_450 = vector.shape_cast %mul3A_449 : vector<1x128xf32> to vector<1x1x128xf32>
          %sub3A_451 = vector.broadcast %broadcast_in_dim3A_450 : vector<1x1x128xf32> to vector<1x8x128xf32>
          %sub3A_452 = vector.broadcast %add3A_65 : vector<1x8x1xf32> to vector<1x8x128xf32>
          %sub3A_453 = arith.subf %sub3A_451, %sub3A_452 : vector<1x8x128xf32>
          %integer_pow3A_454 = arith.mulf %sub3A_453, %sub3A_453 : vector<1x8x128xf32>
          %mul3A_455 = arith.constant -1.250000e+03 : f32
          %mul3A_456 = vector.broadcast %mul3A_455 : f32 to vector<1x8x128xf32>
          %mul3A_457 = arith.mulf %mul3A_456, %integer_pow3A_454 : vector<1x8x128xf32>
          %exp3A_458 = math.exp %mul3A_457 : vector<1x8x128xf32>
          %mul3A_459 = arith.constant 2.000000e+00 : f32
          %mul3A_460 = vector.broadcast %mul3A_459 : f32 to vector<4x1x128xf32>
          %mul3A_461 = arith.mulf %mul3A_460, %exp3A_445 : vector<4x1x128xf32>
          %mul3A_462 = vector.broadcast %mul3A_461 : vector<4x1x128xf32> to vector<4x8x128xf32>
          %mul3A_463 = vector.broadcast %exp3A_458 : vector<1x8x128xf32> to vector<4x8x128xf32>
          %mul3A_464 = arith.mulf %mul3A_462, %mul3A_463 : vector<4x8x128xf32>
          %mul3A_465 = arith.mulf %reshape3A_174, %slice3A_374 : vector<1x128xf32>
          %broadcast_in_dim3A_466 = vector.shape_cast %mul3A_465 : vector<1x128xf32> to vector<1x1x128xf32>
          %mul3A_467 = vector.broadcast %broadcast_in_dim3A_466 : vector<1x1x128xf32> to vector<4x8x128xf32>
          %mul3A_468 = arith.mulf %mul3A_464, %mul3A_467 : vector<4x8x128xf32>
          %reshape3A_469 = vector.shape_cast %mul3A_468 : vector<4x8x128xf32> to vector<32x128xf32>
          %jit3A_470 = arith.constant 0.000000e+00 : f32
          %broadcast_in_dim3A_471 = vector.shape_cast %and3A_382 : vector<1x128xi1> to vector<1x128xi1>
          %broadcast_in_dim3A_472 = vector.broadcast %broadcast_in_dim3A_471 : vector<1x128xi1> to vector<32x128xi1>
          %broadcast_in_dim3A_473 = vector.broadcast %jit3A_470 : f32 to vector<32x128xf32>
          %select_n3A_474 = arith.select %broadcast_in_dim3A_472, %reshape3A_469, %broadcast_in_dim3A_473 : vector<32x128xi1>, vector<32x128xf32>
          %min3A_475 = arith.minsi %reshape3A_144, %slice3A_332 : vector<1x128xi32>
          %max3A_476 = arith.maxsi %reshape3A_144, %slice3A_332 : vector<1x128xi32>
          %sub3A_477 = arith.constant 15 : i32
          %sub3A_478 = vector.broadcast %sub3A_477 : i32 to vector<1x128xi32>
          %sub3A_479 = arith.subi %sub3A_478, %min3A_475 : vector<1x128xi32>
          %mul3A_480 = arith.muli %min3A_475, %sub3A_479 : vector<1x128xi32>
          %jit3A_481 = arith.constant 2 : i32
          %div3A_482 = vector.broadcast %jit3A_481 : i32 to vector<1x128xi32>
          %div3A_483 = arith.divsi %mul3A_480, %div3A_482 : vector<1x128xi32>
          %sign3A_484 = arith.constant 0 : i32
          %sign3A_485 = vector.broadcast %sign3A_484 : i32 to vector<1x128xi32>
          %sign3A_486 = arith.cmpi sgt, %mul3A_480, %sign3A_485 : vector<1x128xi32>
          %sign3A_487 = arith.extui %sign3A_486 : vector<1x128xi1> to vector<1x128xi32>
          %sign3A_488 = arith.constant 0 : i32
          %sign3A_489 = vector.broadcast %sign3A_488 : i32 to vector<1x128xi32>
          %sign3A_490 = arith.cmpi slt, %mul3A_480, %sign3A_489 : vector<1x128xi32>
          %sign3A_491 = arith.extui %sign3A_490 : vector<1x128xi1> to vector<1x128xi32>
          %sign3A_492 = arith.subi %sign3A_487, %sign3A_491 : vector<1x128xi32>
          %sign3A_493 = arith.constant 0 : i32
          %sign3A_494 = arith.cmpi sgt, %jit3A_481, %sign3A_493 : i32
          %sign3A_495 = arith.extui %sign3A_494 : i1 to i32
          %sign3A_496 = arith.constant 0 : i32
          %sign3A_497 = arith.cmpi slt, %jit3A_481, %sign3A_496 : i32
          %sign3A_498 = arith.extui %sign3A_497 : i1 to i32
          %sign3A_499 = arith.subi %sign3A_495, %sign3A_498 : i32
          %ne3A_500 = vector.broadcast %sign3A_499 : i32 to vector<1x128xi32>
          %ne3A_501 = arith.cmpi ne, %sign3A_492, %ne3A_500 : vector<1x128xi32>
          %rem3A_502 = vector.broadcast %jit3A_481 : i32 to vector<1x128xi32>
          %rem3A_503 = arith.remsi %mul3A_480, %rem3A_502 : vector<1x128xi32>
          %ne3A_504 = arith.constant 0 : i32
          %ne3A_505 = vector.broadcast %ne3A_504 : i32 to vector<1x128xi32>
          %ne3A_506 = arith.cmpi ne, %rem3A_503, %ne3A_505 : vector<1x128xi32>
          %and3A_507 = arith.andi %ne3A_501, %ne3A_506 : vector<1x128xi1>
          %sub3A_508 = arith.constant 1 : i32
          %sub3A_509 = vector.broadcast %sub3A_508 : i32 to vector<1x128xi32>
          %sub3A_510 = arith.subi %div3A_483, %sub3A_509 : vector<1x128xi32>
          %select_n3A_511 = arith.select %and3A_507, %sub3A_510, %div3A_483 : vector<1x128xi1>, vector<1x128xi32>
          %sub3A_512 = arith.subi %max3A_476, %min3A_475 : vector<1x128xi32>
          %add3A_513 = arith.addi %select_n3A_511, %sub3A_512 : vector<1x128xi32>
          %mul3A_514 = arith.constant 28 : i32
          %mul3A_515 = vector.broadcast %mul3A_514 : i32 to vector<1x128xi32>
          %mul3A_516 = arith.muli %sub3A_176, %mul3A_515 : vector<1x128xi32>
          %add3A_517 = arith.addi %mul3A_516, %add3A_513 : vector<1x128xi32>
          %eq3A_518 = vector.broadcast %add3A_517 : vector<1x128xi32> to vector<448x128xi32>
          %eq3A_519 = arith.cmpi eq, %iota3A_116, %eq3A_518 : vector<448x128xi32>
          %and3A_520 = vector.broadcast %and3A_382 : vector<1x128xi1> to vector<448x128xi1>
          %and3A_521 = arith.andi %eq3A_519, %and3A_520 : vector<448x128xi1>
          %convert_element_type3A_522 = arith.extui %and3A_521 : vector<448x128xi1> to vector<448x128xi32>
          %convert_element_type3A_523 = arith.sitofp %convert_element_type3A_522 : vector<448x128xi32> to vector<448x128xf32>
          %get3A_524 = arith.constant 0 : index
          %get3A_525 = arith.constant 0 : index
          %get3A_526 = vector.load %arg13[%get3A_524, %get3A_525] : memref<448x32xf32, #tpu.memory_space<vmem>>, vector<448x32xf32>
          %dot_general3A_527 = arith.constant dense<0.000000e+00> : vector<448x32xf32>
          %dot_general3A_528 = tpu.matmul %convert_element_type3A_523, %select_n3A_474, %dot_general3A_527 {dimension_numbers = #tpu.dot_dimension_numbers<[1], [1], [0], [0], [0, 0, 1, 0], [], []>, transpose_lhs_hint = false} : vector<448x128xf32>, vector<32x128xf32>, vector<448x32xf32> -> vector<448x32xf32>
          %add3A_529 = arith.addf %get3A_526, %dot_general3A_528 : vector<448x32xf32>
          %swap3A_530 = arith.constant 0 : index
          %swap3A_531 = arith.constant 0 : index
          %swap3A_532 = vector.load %arg13[%swap3A_530, %swap3A_531] : memref<448x32xf32, #tpu.memory_space<vmem>>, vector<448x32xf32>
          tpu.vector_store %arg13[%swap3A_530, %swap3A_531], %add3A_529 {strides = array<i32>} : memref<448x32xf32, #tpu.memory_space<vmem>>, vector<448x32xf32>,
          %cond3A_533 = arith.constant 0 : i32
          scf.yield %cond3A_533 : i32
        } else {
          %cond3A_399 = arith.constant 0 : i32
          scf.yield %cond3A_399 : i32
        }
        %while3A_398 = arith.constant 0 : i32
        scf.yield %while3A_398 : i32
      }
      %while3A_285 = arith.constant 0 : i32
      scf.yield %while3A_285 : i32
    }
    return
  }
  func.func @transform_0(%arg0: i32, %arg1: memref<16385xi32, #tpu.memory_space<smem>>, %arg2: memref<1024xi32, #tpu.memory_space<smem>>) -> (i32, i32) {
    %c0_i32 = arith.constant 0 : i32
    %c0_i32_0 = arith.constant 0 : i32
    %c0_i32_1 = arith.constant 0 : i32
    return %c0_i32, %c0_i32_0 : i32, i32
  }
  func.func @transform_1(%arg0: i32, %arg1: memref<16385xi32, #tpu.memory_space<smem>>, %arg2: memref<1024xi32, #tpu.memory_space<smem>>) -> (i32, i32) {
    %c0_i32 = arith.constant 0 : i32
    %c0_i32_0 = arith.constant 0 : i32
    %c0_i32_1 = arith.constant 0 : i32
    return %c0_i32, %c0_i32_0 : i32, i32
  }
  func.func @transform_2(%arg0: i32, %arg1: memref<16385xi32, #tpu.memory_space<smem>>, %arg2: memref<1024xi32, #tpu.memory_space<smem>>) -> (i32, i32) {
    %c0_i32 = arith.constant 0 : i32
    %c0_i32_0 = arith.constant 0 : i32
    %c0_i32_1 = arith.constant 0 : i32
    return %c0_i32, %c0_i32_0 : i32, i32
  }
  func.func @transform_3(%arg0: i32, %arg1: memref<16385xi32, #tpu.memory_space<smem>>, %arg2: memref<1024xi32, #tpu.memory_space<smem>>) -> (i32, i32) {
    %c0_i32 = arith.constant 0 : i32
    %c0_i32_0 = arith.constant 0 : i32
    %c0_i32_1 = arith.constant 0 : i32
    return %c0_i32, %c0_i32_0 : i32, i32
  }
  func.func @transform_4(%arg0: i32, %arg1: memref<16385xi32, #tpu.memory_space<smem>>, %arg2: memref<1024xi32, #tpu.memory_space<smem>>) -> (i32, i32) {
    %c0_i32 = arith.constant 0 : i32
    %c0_i32_0 = arith.constant 0 : i32
    %c0_i32_1 = arith.constant 0 : i32
    return %c0_i32, %c0_i32_0 : i32, i32
  }
  func.func @transform_5(%arg0: i32, %arg1: memref<16385xi32, #tpu.memory_space<smem>>, %arg2: memref<1024xi32, #tpu.memory_space<smem>>) -> (i32, i32) {
    %c0_i32 = arith.constant 0 : i32
    %c0_i32_0 = arith.constant 0 : i32
    %c0_i32_1 = arith.constant 0 : i32
    return %c0_i32, %c0_i32_0 : i32, i32
  }
  func.func @transform_6(%arg0: i32, %arg1: memref<16385xi32, #tpu.memory_space<smem>>, %arg2: memref<1024xi32, #tpu.memory_space<smem>>) -> (i32, i32) {
    %c0_i32 = arith.constant 0 : i32
    %c0_i32_0 = arith.constant 0 : i32
    %c0_i32_1 = arith.constant 0 : i32
    return %c0_i32, %c0_i32_0 : i32, i32
  }
  func.func @transform_7(%arg0: i32, %arg1: memref<16385xi32, #tpu.memory_space<smem>>, %arg2: memref<1024xi32, #tpu.memory_space<smem>>) -> (i32, i32) {
    %c0_i32 = arith.constant 0 : i32
    %c0_i32_0 = arith.constant 0 : i32
    %c0_i32_1 = arith.constant 0 : i32
    return %c0_i32, %c0_i32_0 : i32, i32
  }
  func.func @transform_8(%arg0: i32, %arg1: memref<16385xi32, #tpu.memory_space<smem>>, %arg2: memref<1024xi32, #tpu.memory_space<smem>>) -> (i32, i32) {
    %c0_i32 = arith.constant 0 : i32
    %c0_i32_0 = arith.constant 0 : i32
    %c0_i32_1 = arith.constant 0 : i32
    return %c0_i32, %c0_i32_0 : i32, i32
  }
  func.func @transform_9(%arg0: i32, %arg1: memref<16385xi32, #tpu.memory_space<smem>>, %arg2: memref<1024xi32, #tpu.memory_space<smem>>) -> (i32, i32) {
    %c0_i32 = arith.constant 0 : i32
    %c0_i32_0 = arith.constant 0 : i32
    return %arg0, %c0_i32 : i32, i32
  }
  func.func @transform_10(%arg0: i32, %arg1: memref<16385xi32, #tpu.memory_space<smem>>, %arg2: memref<1024xi32, #tpu.memory_space<smem>>) -> (i32, i32) {
    %c0_i32 = arith.constant 0 : i32
    %c0_i32_0 = arith.constant 0 : i32
    return %arg0, %c0_i32 : i32, i32
  }
}

</mosaic_0001>

<sc_bundles>
// kernel: gather_offload_async_start
scs
__scs_entry_jumppad:
0x0: {  	(pc) =	sbr.rel $0x88, $3  }
0x1: {  	(tag) =	ssettag $0x0;
	lr =	simm.s32 $0x1  }
0x2: {  	[smem:$0x3F9D] =	sst lr;
	_ =	strace $0xD0000000  }
0x3: {  	_ = 	snop  }
0x4: {  	_ = 	snop  }
0x5: {  	_ = 	snop  }
0x6: {  	_ = 	snop  }
0x7: {  	_ = 	snop  }
__scs_overlays_trampoline_lowered:
0x8: {  	[smem:$0x3FAC] =	sst s0  }
0x9: {  	[smem:$0x3FAD] =	sst s1  }
0xa: {  	[smem:$0x3FAE] =	sst s2  }
0xb: {  	[smem:$0x3FAF] =	sst s3  }
0xc: {  	[smem:$0x3FB0] =	sst s4  }
0xd: {  	[smem:$0x3FB1] =	sst s5  }
0xe: {  	[smem:$0x3FB2] =	sst s6  }
0xf: {  	[smem:$0x3FB3] =	sst s7  }
0x10: {  	[smem:$0x3FB4] =	sst s8  }
0x11: {  	[smem:$0x3FB5] =	sst s9;
	s0 =	simm.s32 @!p0 $0x0  }
0x12: {  	s1 =	sld [smem:$0x3F9B];
	s0 =	simm.s32 @p0 $0x1  }
0x13: {  	[smem:$0x3FB6] =	sst s0;
	s0 =	simm.s32 @!p1 $0x0  }
0x14: {  	s2 =	sld [smem:$0x3F9A];
	s0 =	simm.s32 @p1 $0x1  }
0x15: {  	[smem:$0x3FB7] =	sst s0;
	s0 =	simm.s32 @!p2 $0x0  }
0x16: {  	s3 =	sld [smem:$0x3FDB];
	s0 =	simm.s32 @p2 $0x1  }
0x17: {  	s4 =	simm.s32 $0x1BF5;
	[smem:$0x3FB9] =	sst s0  }
0x18: {  	s0 =	sld [smem:$0x3F9C];
	_ =	swait.ge [sflag:s4], $0x0  }
0x19: {  	s7 =	sld [smem:$0x3F9D]  }
0x1a: {  	s8 =	sadd.s32 $0xFFFFE003, lr  }
0x1b: {  	s9 =	sadd.s32 $0xFFFFFEF7, lr;
	s5 =	simm.s32 $0xFFFFFFFF;
	p2 =	slt.u32 s8, $0xFFFFF086  }
0x1c: {  	p1 =	slt.u32 s9, $0xF7A;
	s5 =	simm.s32 @!p2 $0x0  }
0x1d: {  	s5 =	simm.s32 @p1 $0x1;
	p0 =	seq.s32 s7, s2  }
0x1e: {  	s7 =	smul.u32 @!p0 $0xF7A, s2;
	p2 =	seq.s32 @!p0 s5, $0x0  }
0x1f: {  	s9 =	smul.u32 $0xF7A, s1;
	s8 =	simm.s32 @!p0 $0x1BF5;
	p2 =	por !p2, p0  }
0x20: {  	[sflag:s8] =	ssyncset.s32 @!p0 $0xFFFFF086;
	s6 =	sadd.s32 @!p0 s3, s7;
	s7 =	simm.s32 @!p0 $0x108  }
0x21: {  	s3 =	sadd.s32 s3, s9;
	s6 =	sadd.s32 @!p0 $0x88, s6;
	s7 =	simm.s32 @p2 $0x1082  }
0x22: {  	[simem:s7], [sflag:s8] =	dma.local @!p0 [hbm:s6], $0xF7A  }
0x23: {  	s9 =	sor.u32 $0xD0000000, s2;
	s6 =	simm.s32 $0x108;
	_ =	swait.ge @!p0 [sflag:s8], $0x0  }
0x24: {  	s3 =	sadd.s32 $0x88, s3;
	s6 =	simm.s32 @!p1 $0x1082;
	[sflag:s4] =	ssyncset.s32 $0xFFFFF086  }
0x25: {  	[simem:s6], [sflag:s4] =	dma.local [hbm:s3], $0xF7A  }
0x26: {  	[smem:$0x3F9D] =	sst s1;
	(tag) =	ssettag s2;
	_ =	strace s9  }
0x27: {  	s1 =	sld [smem:$0x3FAD]  }
0x28: {  	s2 =	sld [smem:$0x3FAE]  }
0x29: {  	s4 =	sld [smem:$0x3FB0]  }
0x2a: {  	p0 =	seq.s32 s5, $0x0;
	s5 =	sld [smem:$0x3FB1]  }
0x2b: {  	s6 =	sld [smem:$0x3FB2]  }
0x2c: {  	s7 =	sld [smem:$0x3FB3]  }
0x2d: {  	s3 =	simm.s32 $0x108;
	s8 =	sld [smem:$0x3FB4]  }
0x2e: {  	s3 =	simm.s32 @!p0 $0x1082;
	s9 =	sld [smem:$0x3FB5]  }
0x2f: {  	lr =	sadd.s32 s0, s3;
	s0 =	sld [smem:$0x3FAC]  }
0x30: {  	s3 =	sld [smem:$0x3FAF]  }
0x31: {  	[smem:$0x3FB8] =	sst s10  }
0x32: {  	s10 =	sld [smem:$0x3FB6];
	_ =	sdelay $0x3  }
0x33: {  	p0 =	seq.s32 s10, $0x1;
	s10 =	sld [smem:$0x3FB8];
	_ =	sdelay $0x3  }
0x34: {  	[smem:$0x3FB8] =	sst s10  }
0x35: {  	s10 =	sld [smem:$0x3FB7];
	_ =	sdelay $0x3  }
0x36: {  	p1 =	seq.s32 s10, $0x1;
	s10 =	sld [smem:$0x3FB8];
	_ =	sdelay $0x3  }
0x37: {  	[smem:$0x3FB8] =	sst s10  }
0x38: {  	s10 =	sld [smem:$0x3FB9]  }
0x39: {  	_ = 	snop;
	(pc) =	sbr.ind lr, $3  }
0x3a: {  	_ = 	snop  }
0x3b: {  	_ = 	snop  }
0x3c: {  	p2 =	seq.s32 s10, $0x1;
	s10 =	sld [smem:$0x3FB8]  }
0x3d: {  	_ =	shalt  }
0x3e: {  	_ =	shalt  }
0x3f: {  	_ =	shalt  }
0x40: {  	_ =	shalt  }
0x41: {  	_ =	shalt  }
0x42: {  	_ =	shalt  }
0x43: {  	_ =	shalt  }
0x44: {  	_ =	shalt  }
0x45: {  	_ =	shalt  }
0x46: {  	_ =	shalt  }
0x47: {  	_ =	shalt  }
0x48: {  	_ =	shalt  }
0x49: {  	_ =	shalt  }
0x4a: {  	_ =	shalt  }
0x4b: {  	_ =	shalt  }
0x4c: {  	_ =	shalt  }
0x4d: {  	_ =	shalt  }
0x4e: {  	_ =	shalt  }
0x4f: {  	_ =	shalt  }
0x50: {  	_ =	shalt  }
0x51: {  	_ =	shalt  }
0x52: {  	_ =	shalt  }
0x53: {  	_ =	shalt  }
0x54: {  	_ =	shalt  }
0x55: {  	_ =	shalt  }
0x56: {  	_ =	shalt  }
0x57: {  	_ =	shalt  }
0x58: {  	_ =	shalt  }
0x59: {  	_ =	shalt  }
0x5a: {  	_ =	shalt  }
0x5b: {  	_ =	shalt  }
0x5c: {  	_ =	shalt  }
0x5d: {  	_ =	shalt  }
0x5e: {  	_ =	shalt  }
0x5f: {  	_ =	shalt  }
0x60: {  	_ =	shalt  }
0x61: {  	_ =	shalt  }
0x62: {  	_ =	shalt  }
0x63: {  	_ =	shalt  }
0x64: {  	_ =	shalt  }
0x65: {  	_ =	shalt  }
0x66: {  	_ =	shalt  }
0x67: {  	_ =	shalt  }
0x68: {  	_ =	shalt  }
0x69: {  	_ =	shalt  }
0x6a: {  	_ =	shalt  }
0x6b: {  	_ =	shalt  }
0x6c: {  	_ =	shalt  }
0x6d: {  	_ =	shalt  }
0x6e: {  	_ =	shalt  }
0x6f: {  	_ =	shalt  }
0x70: {  	_ =	shalt  }
0x71: {  	_ =	shalt  }
0x72: {  	_ =	shalt  }
0x73: {  	_ =	shalt  }
0x74: {  	_ =	shalt  }
0x75: {  	_ =	shalt  }
0x76: {  	_ =	shalt  }
0x77: {  	_ =	shalt  }
0x78: {  	_ =	shalt  }
0x79: {  	_ =	shalt  }
0x7a: {  	_ =	shalt  }
0x7b: {  	_ =	shalt  }
0x7c: {  	_ =	shalt  }
0x7d: {  	_ =	shalt  }
0x7e: {  	_ =	shalt  }
0x7f: {  	_ =	shalt  }
0x80: {  	_ =	shalt  }
0x81: {  	_ =	shalt  }
0x82: {  	_ =	shalt  }
0x83: {  	_ =	shalt  }
0x84: {  	_ =	shalt  }
0x85: {  	_ =	shalt  }
0x86: {  	_ =	shalt  }
0x87: {  	_ =	shalt  }
.Lfunc_end0:
.L_simem_size_0:
called_computation.2_lowered:
.L_overlay_start_0:
0x88: {  	s2 =	sld [smem:$0x3FD9]  }
0x89: {  	s3 =	sld [smem:$0x3FFE];
	_ =	sdelay $0x1  }
0x8a: {  	s1 =	srdreg.scid  }
0x8b: {  	s0 =	sand.u32 $0x1, s1  }
0x8c: {  	s16 =	sshll.u32 s0, $0xA;
	s2 =	sadd.s32 s3, s2  }
0x8d: {  	s2 =	sadd.s32 s2, s16  }
0x8e: {  	[smem:$0x3FC4] =	sst s2  }
0x8f: {  	_ = 	snop  }
0x90: {  	(tm) =	ssettm $0x1  }
0x91: {  	s17 =	sld [smem:$0x3FFB];
	_ =	sdelay $0x3  }
0x92: {  	_ =	strace s17  }
0x93: {  	s2 =	sld [smem:$0x3FFC];
	_ =	sdelay $0x3  }
0x94: {  	_ =	strace s2  }
0x95: {  	s2 =	sld [smem:$0x3FFD];
	_ =	sdelay $0x3  }
0x96: {  	_ =	strace s2  }
0x97: {  	_ =	strace $0x8FFFFFFF  }
0x98: {  	s18 =	sld [smem:$0x3FDB];
	_ =	sdelay $0x1  }
0x99: {  	s19 =	simm.s32 $_scs_section_size  }
0x9a: {  	s4 =	simm.s32 $_size__tile_overlayer_lowered;
	s5 =	simm.s32 $_tile_overlayer_lowered  }
0x9b: {  	s22 =	simm.s32 $0x1BFF;
	s21 =	sshll.u32 s5, $0x1;
	s2 =	sadd.s32 s19, s18  }
0x9c: {  	s6 =	simm.s32 $0x0;
	s20 =	sshll.u32 s4, $0x1;
	s4 =	sadd.s32 s21, s2  }
0x9d: {  	[timem:s6], [sflag:s22] =	dma.local [hbm:s4], s20  }
0x9e: {  	_ =	swait.ge [sflag:s22], s20  }
0x9f: {  	s3 =	ssub.s32 $0x0, s20;
	[sflag:s22] =	ssyncset.done $0x0  }
0xa0: {  	[sflag:s22] =	ssyncadd.s32 s3;
	_ =	sdelay $0x1  }
0xa1: {  	s23 =	simm.s32 $0x1B8B  }
0xa2: {  	_ =	swait.ge [sflag:s23], $0x1  }
0xa3: {  	[sflag:s23] =	ssyncset.done $0x0  }
0xa4: {  	s25 =	simm.s32 $0x1B8E;
	s24 =	sld [smem:$0x3FFE];
	[sflag:s23] =	ssyncadd.s32 $0xFFFFFFFF  }
0xa5: {  	s26 =	simm.s32 $execute0_lowered;
	[smem:$0x3FD2] =	sst s25  }
0xa6: {  	s4 =	sshll.u32 s26, $0x1;
	_ =	strace $0x80000049;
	[dreg:$0x1] =	wrdreg $0xFFFFFFFF  }
0xa7: {  	s28 =	simm.s32 $_size_execute0_lowered;
	s2 =	sadd.s32 s2, s4;
	[dreg:$0x0] =	wrdreg $0x0  }
0xa8: {  	s4 =	sshll.u32 s28, $0x1;
	[dreg:$0x2] =	wrdreg s2  }
0xa9: {  	[dreg:$0x3] =	wrdreg s4  }
0xaa: {  	[dreg:$0x4] =	wrdreg $0xC0  }
0xab: {  	_ =	task [dreg:s6], $0x5FFFF  }
0xac: {  	[dreg:$0x1] =	wrdreg $0xFFFFFFFF  }
0xad: {  	[dreg:$0x0] =	wrdreg $0x60  }
0xae: {  	[dreg:$0x2] =	wrdreg s24  }
0xaf: {  	[dreg:$0x3] =	wrdreg $0x9  }
0xb0: {  	_ =	task.clear_ibuf [dreg:s6], $0x4FFFF;
	_ =	strace $0x90000049  }
0xb1: {  	s29 =	simm.s32 $0x9;
	_ =	strace $0x8000004B  }
0xb2: {  	_ =	swait.ge [sflag:s29], $0x1  }
0xb3: {  	[sflag:s29] =	ssyncadd.s32 $0xFFFFFFFF  }
0xb4: {  	_ =	strace $0x9000004B  }
0xb5: {  	_ =	sfence  }
0xb6: {  	s30 =	sld [smem:$0x0];
	_ =	sdelay $0x2  }
0xb7: {  	s31 =	sshll.u32 s1, $0xD;
	s1 =	sshrl.u32 s1, $0x2  }
0xb8: {  	s3 =	sand.u32 $0x4000, s31;
	s1 =	sadd.s32 s1, s30  }
0xb9: {  	s0 =	sor.u32 s3, s0;
	s1 =	sshll.u32 s1, $0x11  }
0xba: {  	s0 =	sor.u32 s1, s0  }
0xbb: {  	s0 =	sadd.s32 $0x8F2B, s0  }
0xbc: {  	[sflag:s0] =	ssyncadd.remote.s32 $0x1  }
0xbd: {  	_ =	sfence.sel $0xFFFF  }
0xbe: {  	[dreg:$0x0] =	wrdreg $0xFFFFFFFF;
	(pc) =	sbr.abs _section_cstart, $3  }
0xbf: {  	[dreg:$0x1] =	wrdreg $0xFFFFFFFF  }
0xc0: {  	_ =	task.clear_ibuf [dreg:s6], $0x2FFFF;
	_ =	strace $0x9FFFFFFF  }
0xc1: {  	(tm) =	ssettm $0x7FFFFFFF  }
tec
execute0_lowered:
.L_overlay_start_1:
0x0: {  	(tag) =	ssettag $0x1  }
0x1: {  	s0 =	srdreg.scid;
	s5 =	rddreg [dreg:$0x0]  }
0x2: {  	s1 =	stileid.u32;
	s6 =	simm.s32 $0x1;
	s9 =	simm.s32 $0x1  }
0x3: {  	s10 =	simm.s32 $0x3;
	s13 =	simm.s32 $0x0;
	s2 =	sshll.u32 s0, $0xB  }
0x4: {  	s12 =	simm.s32 $0x0;
	s3 =	sshll.u32 s1, $0xC;
	s2 =	sand.u32 $0x800, s2  }
0x5: {  	s0 =	rddreg [dreg:$0x1];
	_ =	strace $0x8000004A;
	s2 =	sor.u32 s3, s2  }
0x6: {  	s4 =	sadd.s32 $0x10600, s5;
	[sflag:s6] =	ssyncpa.u1 $0x0;
	s8 =	ssub.s32 $0x20000, s2  }
.Ltmp0:
0x7: {  	s3 =	sadd.s32 $0x7600, s5;
	s7 =	sand.u32 $0xF800, s8;
	(pc) =	sbr.rel .LBB2_1-.Ltmp0, $4  }
0x8: {  	s5 =	sadd.s32 $0x14600, s5;
	s11 =	smov.u32 s2;
	p0 =	sne.s32 s7, $0x0  }
0x9: {  	s8 =	sshrl.u32 s8, $0x10;
	s7 =	simm.s32 $0x2;
	s9 =	simm.s32 @!p0 $0x0  }
0xa: {  	[sflag:s7] =	ssyncpa.u1 $0x0;
	p0 =	por $0x0, $0x0;
	s8 =	sadd.s32 s9, s8  }
0xb: {  	vm0 =	vmmov $0xffff;
	[sflag:s10] =	ssyncpa.u1 $0x0;
	s10 =	simm.s32 $0x0;
	s9 =	sadd.s32 $0x1, s8  }
.LBB2_4:
0xc: {  	v2 =	vnsel vm1, $0x0, v2  }
0xd: {  	vm1 =	vgt.s32 v0, $0x0;
	v2 =	vmin.u32 v2, $0x1FFFF  }
0xe: {  	v0 =	vnsel vm1, $0x0, v0  }
0xf: {  	v0 =	vmin.u32 v0, $0x1FFFF  }
0x10: {  	[tilespmem:s15], [sflag:$0x1] =	stream.indirect_vreg.gather [hbm4b:s3+s10], $0x1, v1, vm0, $0x4038;
	[tilespmem:$0x2000] =	vst v63  }
0x11: {  	(ifvalue) =	ssetifvalue $0x7FFFFFFF  }
0x12: {  	[tilespmem:s16], [sflag:$0x1] =	stream.indirect_vreg.gather [hbm4b:s3+s10], $0x1, v2, vm0, $0x4038;
	[tilespmem:$0x2000] =	vst v63  }
0x13: {  	s29 =	sadd.s32 $0x10, s16;
	(ifvalue) =	ssetifvalue $0x7FFFFFFF  }
0x14: {  	[tilespmem:s29], [sflag:$0x1] =	stream.indirect_vreg.gather [hbm4b:s3+s10], $0x1, v0, vm0, $0x4038;
	[tilespmem:$0x2000] =	vst v63  }
0x15: {  	_ =	swait.ge [sflag:s6], $0x800  }
0x16: {  	s30 =	sshrl.u32 s13, $0x3;
	[sflag:s6] =	ssyncset.done $0x0  }
0x17: {  	s31 =	sand.u32 $0x7, s13;
	s15 =	sadd.s32 s5, s30;
	[sflag:s6] =	ssyncadd.s32 $0xFFFFF800  }
0x18: {  	[hbm4b:s15+s31] =	stream.linear.scatter [tilespmem:s14], [sflag:$0x3], $0x800, $0x38;
	[tilespmem:$0x2000] =	vst v63  }
.LBB2_5:
0x19: {  	s15 =	sadd.s32 $0x10000, s11  }
0x1a: {  	p2 =	sgt.s32 s15, $0x1FFFF  }
0x1b: {  	s15 =	smov.u32 @p2 s2;
	p2 =	sne.s32 s12, s9  }
.Ltmp1:
0x1c: {  	p1 =	slt.u32 s12, $0x2;
	(pc) =	sbr.rel @!p2 .LBB2_6-.Ltmp1, $4  }
0x1d: {  	s14 =	simm.s32 @!p1 $0x3  }
0x1e: {  	s16 =	sadd.s32 $0x1, s12;
	_ =	swait.ge @!p1 [sflag:s14], $0x800  }
0x1f: {  	s13 =	smov.u32 s11;
	p0 =	por !p0, !p0;
	[sflag:s14] =	ssyncset.done @!p1 $0x0  }
0x20: {  	s12 =	smov.u32 s16;
	s11 =	smov.u32 s15;
	[sflag:s14] =	ssyncadd.s32 @!p1 $0xFFFFF800  }
.LBB2_1:
0x21: {  	p1 =	sge.u32 s12, s8  }
0x22: {  	s14 =	sxor.u32 @!p1 $0xFFFFFFFF, s12  }
0x23: {  	s31 =	sadd.s32 $0xFFFFFFFF, s12;
	s15 =	sshrl.u32 @!p1 s11, $0x3;
	s14 =	sshll.u32 @!p1 s14, $0xB  }
0x24: {  	s16 =	sand.u32 @!p1 $0x7, s11;
	s15 =	sadd.s32 @!p1 s4, s15;
	s14 =	sand.u32 @!p1 $0x800, s14  }
0x25: {  	[tilespmem:s14], [sflag:$0x2] =	stream.linear.gather @!p1 [hbm4b:s15+s16], $0x800, $0x38;
	[tilespmem:$0x2000] =	vst v63  }
0x26: {  	p1 =	sge.u32 s31, s8  }
.Ltmp2:
0x27: {  	_ = 	snop;
	(pc) =	sbr.rel @p1 .LBB2_5-.Ltmp2, $1  }
0x28: {  	_ =	sdelay $0x3  }
0x29: {  	s14 =	simm.s32 $0x1  }
0x2a: {  	_ =	swait.ge [sflag:s7], $0x800;
	s14 =	simm.s32 @!p0 $0x0  }
0x2b: {  	[sflag:s7] =	ssyncset.done $0x0;
	s14 =	sshll.u32 s14, $0xB  }
0x2c: {  	[sflag:s7] =	ssyncadd.s32 $0xFFFFF800;
	(ifvalue) =	ssetifvalue $0x7FFFFFFF;
	v0 =	vld.msk [tilespmem:s14+$0x0 ss:$0x1], $0xffff;
	_ =	sdelay $0x4  }
0x2d: {  	s15 =	sadd.s32 $0x10, s14;
	vm1 =	vgt.s32 v0, $0x0  }
0x2e: {  	v2 =	vld.msk [tilespmem:s15+$0x0 ss:$0x1], $0xffff;
	v1 =	vnsel vm1, $0x0, v0  }
0x2f: {  	v1 =	vmin.u32 v1, $0x1FFFF;
	_ =	sdelay $0x1  }
0x30: {  	s16 =	sshll.u32 s12, $0xB;
	s18 =	simm.s32 $0x20  }
0x31: {  	s16 =	sand.u32 $0x800, s16;
	s17 =	sadd.s32 $0x10, s15;
	s15 =	sor.u32 $0x1000, s14  }
0x32: {  	s14 =	sor.u32 $0x1000, s16;
	s16 =	sadd.s32 $0x10, s15;
	v0 =	vld.msk [tilespmem:s17+$0x0 ss:$0x1], $0xffff;
	vm1 =	vgt.s32 v2, $0x0;
	(ifvalue) =	ssetifvalue $0x7FFFFFFF  }
.LBB2_3:
0x33: {  	[tilespmem:s15], [sflag:$0x1] =	stream.indirect_vreg.gather [hbm4b:s3+s10], $0x1, v1, vm0, $0x4038;
	[tilespmem:$0x2000] =	vst v63  }
0x34: {  	s18 =	sadd.s32 $0x10, s18  }
0x35: {  	v2 =	vnsel vm1, $0x0, v2;
	p1 =	slt.u32 s18, $0x7F0  }
.Ltmp3:
0x36: {  	s15 =	smov.u32 s16;
	v1 =	vmin.u32 v2, $0x1FFFF;
	(pc) =	sbr.rel @p1 .LBB2_3-.Ltmp3, $3  }
0x37: {  	_ =	sdelay $0x1  }
0x38: {  	s17 =	sadd.s32 $0x10, s17  }
0x39: {  	vm1 =	vgt.s32 v0, $0x0;
	s16 =	sadd.s32 $0x10, s16;
	v2 =	vmov v0;
	(ifvalue) =	ssetifvalue $0x7FFFFFFF;
	v0 =	vld.msk [tilespmem:s17+$0x0 ss:$0x1], $0xffff  }
.Ltmp4:
0x3a: {  	_ = 	snop;
	(pc) =	sbr.rel .LBB2_4-.Ltmp4, $1  }
0x3b: {  	_ =	sdelay $0x3  }
.LBB2_6:
0x3c: {  	_ =	sfence.sel $0x180000  }
0x3d: {  	s2 =	simm.s32 $0x2;
	[bflag:$0x0] =	sbarrier.arrive $0xFFFF  }
0x3e: {  	s30 =	simm.s32 $0x3;
	[sflag:s2] =	ssyncpa.u1 $0x1  }
0x3f: {  	s31 =	simm.s32 $0x1;
	[sflag:s30] =	ssyncpa.u1 $0x1  }
0x40: {  	[sflag:s31] =	ssyncpa.u1 $0x1  }
0x41: {  	p0 =	sne.s32 s1, $0x0;
	_ =	strace $0x9000004A  }
0x42: {  	s0 =	sadd.s32 @!p0 $0x100000, s0;
	[bflag:$0x2] =	sbarrier.arrive $0xFFFF  }
0x43: {  	[sflag:s0] =	ssyncadd.tile.s32 @!p0 $0x1;
	_ =	shalt  }
.Lfunc_end2:
_tile_overlayer_lowered:
.L_overlay_start_2:
0x44: {  	(tag) =	ssettag $0x2  }
0x45: {  	s0 =	rddreg [dreg:$0x0];
	s2 =	stileid.u32  }
0x46: {  	s1 =	rddreg [dreg:$0x1];
	p0 =	sne.s32 s2, $0x0  }
0x47: {  	s3 =	rddreg [dreg:$0x2];
	[bflag:$0x3] =	sbarrier.arrive $0xFFFF;
	s2 =	simm.s32 @!p0 $0x1C01  }
0x48: {  	[timem:s3], [sflag:s2] =	dma.local @!p0 [hbm:s0], s1  }
0x49: {  	s0 =	simm.s32 @!p0 $0x1  }
0x4a: {  	_ =	swait.ge @!p0 [sflag:s0], s1  }
0x4b: {  	s1 =	ssub.s32 @!p0 $0x0, s1;
	[sflag:s0] =	ssyncset.done @!p0 $0x0  }
0x4c: {  	[sflag:s0] =	ssyncadd.s32 @!p0 s1  }
0x4d: {  	[bflag:$0x3] =	sbarrier.arrive $0xFFFF  }
0x4e: {  	_ =	shalt  }

// kernel: scatter_offload_async_start
scs
__scs_entry_jumppad:
0x0: {  	(pc) =	sbr.rel $0x88, $3  }
0x1: {  	(tag) =	ssettag $0x0;
	lr =	simm.s32 $0x1  }
0x2: {  	[smem:$0x3F9D] =	sst lr;
	_ =	strace $0xD0000000  }
0x3: {  	_ = 	snop  }
0x4: {  	_ = 	snop  }
0x5: {  	_ = 	snop  }
0x6: {  	_ = 	snop  }
0x7: {  	_ = 	snop  }
__scs_overlays_trampoline_lowered:
0x8: {  	[smem:$0x3FAC] =	sst s0  }
0x9: {  	[smem:$0x3FAD] =	sst s1  }
0xa: {  	[smem:$0x3FAE] =	sst s2  }
0xb: {  	[smem:$0x3FAF] =	sst s3  }
0xc: {  	[smem:$0x3FB0] =	sst s4  }
0xd: {  	[smem:$0x3FB1] =	sst s5  }
0xe: {  	[smem:$0x3FB2] =	sst s6  }
0xf: {  	[smem:$0x3FB3] =	sst s7  }
0x10: {  	[smem:$0x3FB4] =	sst s8  }
0x11: {  	[smem:$0x3FB5] =	sst s9;
	s0 =	simm.s32 @!p0 $0x0  }
0x12: {  	s1 =	sld [smem:$0x3F9B];
	s0 =	simm.s32 @p0 $0x1  }
0x13: {  	[smem:$0x3FB6] =	sst s0;
	s0 =	simm.s32 @!p1 $0x0  }
0x14: {  	s2 =	sld [smem:$0x3F9A];
	s0 =	simm.s32 @p1 $0x1  }
0x15: {  	[smem:$0x3FB7] =	sst s0;
	s0 =	simm.s32 @!p2 $0x0  }
0x16: {  	s3 =	sld [smem:$0x3FDB];
	s0 =	simm.s32 @p2 $0x1  }
0x17: {  	s4 =	simm.s32 $0x1BF5;
	[smem:$0x3FB9] =	sst s0  }
0x18: {  	s0 =	sld [smem:$0x3F9C];
	_ =	swait.ge [sflag:s4], $0x0  }
0x19: {  	s7 =	sld [smem:$0x3F9D]  }
0x1a: {  	s8 =	sadd.s32 $0xFFFFE003, lr  }
0x1b: {  	s9 =	sadd.s32 $0xFFFFFEF7, lr;
	s5 =	simm.s32 $0xFFFFFFFF;
	p2 =	slt.u32 s8, $0xFFFFF086  }
0x1c: {  	p1 =	slt.u32 s9, $0xF7A;
	s5 =	simm.s32 @!p2 $0x0  }
0x1d: {  	s5 =	simm.s32 @p1 $0x1;
	p0 =	seq.s32 s7, s2  }
0x1e: {  	s7 =	smul.u32 @!p0 $0xF7A, s2;
	p2 =	seq.s32 @!p0 s5, $0x0  }
0x1f: {  	s9 =	smul.u32 $0xF7A, s1;
	s8 =	simm.s32 @!p0 $0x1BF5;
	p2 =	por !p2, p0  }
0x20: {  	[sflag:s8] =	ssyncset.s32 @!p0 $0xFFFFF086;
	s6 =	sadd.s32 @!p0 s3, s7;
	s7 =	simm.s32 @!p0 $0x108  }
0x21: {  	s3 =	sadd.s32 s3, s9;
	s6 =	sadd.s32 @!p0 $0x88, s6;
	s7 =	simm.s32 @p2 $0x1082  }
0x22: {  	[simem:s7], [sflag:s8] =	dma.local @!p0 [hbm:s6], $0xF7A  }
0x23: {  	s9 =	sor.u32 $0xD0000000, s2;
	s6 =	simm.s32 $0x108;
	_ =	swait.ge @!p0 [sflag:s8], $0x0  }
0x24: {  	s3 =	sadd.s32 $0x88, s3;
	s6 =	simm.s32 @!p1 $0x1082;
	[sflag:s4] =	ssyncset.s32 $0xFFFFF086  }
0x25: {  	[simem:s6], [sflag:s4] =	dma.local [hbm:s3], $0xF7A  }
0x26: {  	[smem:$0x3F9D] =	sst s1;
	(tag) =	ssettag s2;
	_ =	strace s9  }
0x27: {  	s1 =	sld [smem:$0x3FAD]  }
0x28: {  	s2 =	sld [smem:$0x3FAE]  }
0x29: {  	s4 =	sld [smem:$0x3FB0]  }
0x2a: {  	p0 =	seq.s32 s5, $0x0;
	s5 =	sld [smem:$0x3FB1]  }
0x2b: {  	s6 =	sld [smem:$0x3FB2]  }
0x2c: {  	s7 =	sld [smem:$0x3FB3]  }
0x2d: {  	s3 =	simm.s32 $0x108;
	s8 =	sld [smem:$0x3FB4]  }
0x2e: {  	s3 =	simm.s32 @!p0 $0x1082;
	s9 =	sld [smem:$0x3FB5]  }
0x2f: {  	lr =	sadd.s32 s0, s3;
	s0 =	sld [smem:$0x3FAC]  }
0x30: {  	s3 =	sld [smem:$0x3FAF]  }
0x31: {  	[smem:$0x3FB8] =	sst s10  }
0x32: {  	s10 =	sld [smem:$0x3FB6];
	_ =	sdelay $0x3  }
0x33: {  	p0 =	seq.s32 s10, $0x1;
	s10 =	sld [smem:$0x3FB8];
	_ =	sdelay $0x3  }
0x34: {  	[smem:$0x3FB8] =	sst s10  }
0x35: {  	s10 =	sld [smem:$0x3FB7];
	_ =	sdelay $0x3  }
0x36: {  	p1 =	seq.s32 s10, $0x1;
	s10 =	sld [smem:$0x3FB8];
	_ =	sdelay $0x3  }
0x37: {  	[smem:$0x3FB8] =	sst s10  }
0x38: {  	s10 =	sld [smem:$0x3FB9]  }
0x39: {  	_ = 	snop;
	(pc) =	sbr.ind lr, $3  }
0x3a: {  	_ = 	snop  }
0x3b: {  	_ = 	snop  }
0x3c: {  	p2 =	seq.s32 s10, $0x1;
	s10 =	sld [smem:$0x3FB8]  }
0x3d: {  	_ =	shalt  }
0x3e: {  	_ =	shalt  }
0x3f: {  	_ =	shalt  }
0x40: {  	_ =	shalt  }
0x41: {  	_ =	shalt  }
0x42: {  	_ =	shalt  }
0x43: {  	_ =	shalt  }
0x44: {  	_ =	shalt  }
0x45: {  	_ =	shalt  }
0x46: {  	_ =	shalt  }
0x47: {  	_ =	shalt  }
0x48: {  	_ =	shalt  }
0x49: {  	_ =	shalt  }
0x4a: {  	_ =	shalt  }
0x4b: {  	_ =	shalt  }
0x4c: {  	_ =	shalt  }
0x4d: {  	_ =	shalt  }
0x4e: {  	_ =	shalt  }
0x4f: {  	_ =	shalt  }
0x50: {  	_ =	shalt  }
0x51: {  	_ =	shalt  }
0x52: {  	_ =	shalt  }
0x53: {  	_ =	shalt  }
0x54: {  	_ =	shalt  }
0x55: {  	_ =	shalt  }
0x56: {  	_ =	shalt  }
0x57: {  	_ =	shalt  }
0x58: {  	_ =	shalt  }
0x59: {  	_ =	shalt  }
0x5a: {  	_ =	shalt  }
0x5b: {  	_ =	shalt  }
0x5c: {  	_ =	shalt  }
0x5d: {  	_ =	shalt  }
0x5e: {  	_ =	shalt  }
0x5f: {  	_ =	shalt  }
0x60: {  	_ =	shalt  }
0x61: {  	_ =	shalt  }
0x62: {  	_ =	shalt  }
0x63: {  	_ =	shalt  }
0x64: {  	_ =	shalt  }
0x65: {  	_ =	shalt  }
0x66: {  	_ =	shalt  }
0x67: {  	_ =	shalt  }
0x68: {  	_ =	shalt  }
0x69: {  	_ =	shalt  }
0x6a: {  	_ =	shalt  }
0x6b: {  	_ =	shalt  }
0x6c: {  	_ =	shalt  }
0x6d: {  	_ =	shalt  }
0x6e: {  	_ =	shalt  }
0x6f: {  	_ =	shalt  }
0x70: {  	_ =	shalt  }
0x71: {  	_ =	shalt  }
0x72: {  	_ =	shalt  }
0x73: {  	_ =	shalt  }
0x74: {  	_ =	shalt  }
0x75: {  	_ =	shalt  }
0x76: {  	_ =	shalt  }
0x77: {  	_ =	shalt  }
0x78: {  	_ =	shalt  }
0x79: {  	_ =	shalt  }
0x7a: {  	_ =	shalt  }
0x7b: {  	_ =	shalt  }
0x7c: {  	_ =	shalt  }
0x7d: {  	_ =	shalt  }
0x7e: {  	_ =	shalt  }
0x7f: {  	_ =	shalt  }
0x80: {  	_ =	shalt  }
0x81: {  	_ =	shalt  }
0x82: {  	_ =	shalt  }
0x83: {  	_ =	shalt  }
0x84: {  	_ =	shalt  }
0x85: {  	_ =	shalt  }
0x86: {  	_ =	shalt  }
0x87: {  	_ =	shalt  }
.Lfunc_end0:
.L_simem_size_0:
called_computation_lowered:
.L_overlay_start_0:
0x88: {  	s0 =	sld [smem:$0x3FD9]  }
0x89: {  	s1 =	sld [smem:$0x3FFE];
	_ =	sdelay $0x3  }
0x8a: {  	s0 =	sadd.s32 s1, s0  }
0x8b: {  	[smem:$0x3FC4] =	sst s0  }
0x8c: {  	_ = 	snop  }
0x8d: {  	(tm) =	ssettm $0x1  }
0x8e: {  	s15 =	sld [smem:$0x3FFB];
	_ =	sdelay $0x3  }
0x8f: {  	_ =	strace s15  }
0x90: {  	s0 =	sld [smem:$0x3FFC];
	_ =	sdelay $0x3  }
0x91: {  	_ =	strace s0  }
0x92: {  	s0 =	sld [smem:$0x3FFD];
	_ =	sdelay $0x3  }
0x93: {  	_ =	strace s0  }
0x94: {  	_ =	strace $0x8FFFFFFF  }
0x95: {  	s16 =	sld [smem:$0x3FDB];
	_ =	sdelay $0x1  }
0x96: {  	s17 =	simm.s32 $_scs_section_size  }
0x97: {  	s2 =	simm.s32 $_size__tile_overlayer_lowered;
	s3 =	simm.s32 $_tile_overlayer_lowered  }
0x98: {  	s20 =	simm.s32 $0x1BFF;
	s19 =	sshll.u32 s3, $0x1;
	s0 =	sadd.s32 s17, s16  }
0x99: {  	s4 =	simm.s32 $0x0;
	s18 =	sshll.u32 s2, $0x1;
	s2 =	sadd.s32 s19, s0  }
0x9a: {  	[timem:s4], [sflag:s20] =	dma.local [hbm:s2], s18  }
0x9b: {  	_ =	swait.ge [sflag:s20], s18  }
0x9c: {  	s1 =	ssub.s32 $0x0, s18;
	[sflag:s20] =	ssyncset.done $0x0  }
0x9d: {  	[sflag:s20] =	ssyncadd.s32 s1;
	_ =	sdelay $0x1  }
0x9e: {  	s21 =	simm.s32 $0x1B8B  }
0x9f: {  	_ =	swait.ge [sflag:s21], $0x1  }
0xa0: {  	[sflag:s21] =	ssyncset.done $0x0  }
0xa1: {  	s23 =	simm.s32 $0x1B8E;
	s22 =	sld [smem:$0x3FFE];
	[sflag:s21] =	ssyncadd.s32 $0xFFFFFFFF  }
0xa2: {  	s24 =	simm.s32 $execute0_lowered;
	[smem:$0x3FD2] =	sst s23  }
0xa3: {  	s2 =	sshll.u32 s24, $0x1;
	_ =	strace $0x80000046;
	[dreg:$0x1] =	wrdreg $0xFFFFFFFF  }
0xa4: {  	s25 =	simm.s32 $_size_execute0_lowered;
	s0 =	sadd.s32 s0, s2;
	[dreg:$0x0] =	wrdreg $0x0  }
0xa5: {  	s2 =	sshll.u32 s25, $0x1;
	[dreg:$0x2] =	wrdreg s0  }
0xa6: {  	[dreg:$0x3] =	wrdreg s2  }
0xa7: {  	[dreg:$0x4] =	wrdreg $0xC0  }
0xa8: {  	_ =	task [dreg:s4], $0x5FFFF  }
0xa9: {  	[dreg:$0x1] =	wrdreg $0xFFFFFFFF  }
0xaa: {  	[dreg:$0x0] =	wrdreg $0x60  }
0xab: {  	[dreg:$0x2] =	wrdreg s22  }
0xac: {  	[dreg:$0x3] =	wrdreg $0x9  }
0xad: {  	_ =	task.clear_ibuf [dreg:s4], $0x4FFFF;
	_ =	strace $0x90000046  }
0xae: {  	s26 =	simm.s32 $0x9;
	_ =	strace $0x80000048  }
0xaf: {  	_ =	swait.ge [sflag:s26], $0x1  }
0xb0: {  	[sflag:s26] =	ssyncadd.s32 $0xFFFFFFFF  }
0xb1: {  	_ =	strace $0x90000048  }
0xb2: {  	_ =	sfence  }
0xb3: {  	s28 =	sld [smem:$0x0];
	_ =	sdelay $0x1  }
0xb4: {  	s29 =	srdreg.scid  }
0xb5: {  	s30 =	sshll.u32 s29, $0xD;
	s31 =	sshrl.u32 s29, $0x2  }
0xb6: {  	s1 =	sand.u32 $0x1, s29;
	s2 =	sand.u32 $0x4000, s30;
	s0 =	sadd.s32 s31, s28  }
0xb7: {  	s1 =	sor.u32 s2, s1;
	s0 =	sshll.u32 s0, $0x11  }
0xb8: {  	s0 =	sor.u32 s0, s1  }
0xb9: {  	s0 =	sadd.s32 $0x8F2B, s0  }
0xba: {  	[sflag:s0] =	ssyncadd.remote.s32 $0x1  }
0xbb: {  	_ =	sfence.sel $0xFFFF  }
0xbc: {  	[dreg:$0x0] =	wrdreg $0xFFFFFFFF;
	(pc) =	sbr.abs _section_cstart, $3  }
0xbd: {  	[dreg:$0x1] =	wrdreg $0xFFFFFFFF  }
0xbe: {  	_ =	task.clear_ibuf [dreg:s4], $0x2FFFF;
	_ =	strace $0x9FFFFFFF  }
0xbf: {  	(tm) =	ssettm $0x7FFFFFFF  }
tec
execute0_lowered:
.L_overlay_start_1:
0x0: {  	(tag) =	ssettag $0x1  }
0x1: {  	s2 =	rddreg [dreg:$0x0]  }
0x2: {  	s0 =	rddreg [dreg:$0x1];
	_ =	strace $0x80000047;
	s3 =	stileid.u32  }
0x3: {  	s4 =	simm.s32 $0x3E;
	s1 =	sadd.s32 $0xF800, s2;
	p0 =	sne.s32 s3, $0x0  }
0x4: {  	[sflag:s4] =	ssyncpa.u1 $0x0;
	s5 =	simm.s32 @!p0 $0x1C3E;
	s6 =	simm.s32 @!p0 $0x0  }
0x5: {  	[spmem:s6], [sflag:s5] =	dma.local @!p0 [hbm:s1], $0x800  }
0x6: {  	s5 =	simm.s32 @!p0 $0x3E  }
0x7: {  	_ =	swait.ge @!p0 [sflag:s5], $0x800  }
0x8: {  	[sflag:s5] =	ssyncset.done @!p0 $0x0  }
0x9: {  	s26 =	simm.s32 $0x1;
	[sflag:s5] =	ssyncadd.s32 @!p0 $0xFFFFF800  }
0xa: {  	s29 =	simm.s32 $0x2;
	s7 =	simm.s32 $0x2400;
	[bflag:$0x0] =	sbarrier.arrive $0xFFFF  }
0xb: {  	s28 =	sadd.s32 $0x14600, s2;
	s30 =	sadd.s32 $0x1600, s2;
	[sflag:s4] =	ssyncpa.u1 $0x1  }
0xc: {  	s3 =	sshll.u32 s3, $0xA;
	s2 =	simm.s32 $0x0;
	[sflag:s26] =	ssyncpa.u1 $0x0  }
0xd: {  	s4 =	sadd.s32 s28, s3;
	(ifvalue) =	ssetifvalue $0x4000;
	[sflag:s29] =	ssyncpa.u1 $0x0  }
0xe: {  	[tilespmem:s7], [sflag:$0x2] =	stream.linear.gather [hbm4b:s4+s2], $0x2000, $0x38;
	[tilespmem:$0x8400] =	vst v63  }
0xf: {  	s31 =	sadd.s32 s30, s3;
	s3 =	simm.s32 $0x6400  }
0x10: {  	[tilespmem:s3], [sflag:$0x2] =	stream.linear.gather [hbm4b:s31+s2], $0x2000, $0x38;
	[tilespmem:$0x8400] =	vst v63  }
0x11: {  	_ =	swait.ge [sflag:s29], $0x4000  }
0x12: {  	[sflag:s29] =	ssyncset.done $0x0  }
0x13: {  	[sflag:s29] =	ssyncadd.s32 $0xFFFFC000  }
0x14: {  	v0 =	vld.msk [tilespmem:s7+$0x0 ss:$0x1], $0xffff;
	_ =	sdelay $0x4  }
0x15: {  	v0 =	vmin.u32 v0, $0x4000;
	_ =	sdelay $0x3  }
0x16: {  	vm0 =	vmmov $0xffff;
	s5 =	simm.s32 $0x2410;
	s4 =	simm.s32 $0x0  }
0x17: {  	[spmem:s2] =	stream.indirect_vreg.scatter.add.s32 [tilespmem:s3], [sflag:$0x1], $0x1, v0, vm0, $0x4038;
	[tilespmem:$0x8400] =	vst v63  }
.LBB2_1:
0x18: {  	v0 =	vld.msk [tilespmem:s5+$0x0 ss:$0x1], $0xffff;
	s4 =	sadd.s32 $0x10, s4  }
0x19: {  	p1 =	slt.u32 s4, $0x1FF0;
	_ =	sdelay $0x4  }
0x1a: {  	v0 =	vmin.u32 v0, $0x4000  }
.Ltmp0:
0x1b: {  	(pc) =	sbr.rel @p1 .LBB2_1-.Ltmp0, $3  }
0x1c: {  	_ =	sdelay $0x1  }
0x1d: {  	s5 =	sadd.s32 $0x10, s5;
	s3 =	sadd.s32 $0x10, s3  }
0x1e: {  	[spmem:s2] =	stream.indirect_vreg.scatter.add.s32 [tilespmem:s3], [sflag:$0x1], $0x1, v0, vm0, $0x4038;
	[tilespmem:$0x8400] =	vst v63  }
0x1f: {  	s2 =	simm.s32 $0x1  }
0x20: {  	_ =	swait.ge [sflag:s2], $0x2000  }
0x21: {  	[sflag:s2] =	ssyncset.done $0x0  }
0x22: {  	[sflag:s2] =	ssyncadd.s32 $0xFFFFE000  }
0x23: {  	_ =	sfence.sel $0x180000  }
0x24: {  	s3 =	simm.s32 $0x2;
	[bflag:$0x0] =	sbarrier.arrive $0xFFFF  }
0x25: {  	[sflag:s3] =	ssyncpa.u1 $0x1  }
0x26: {  	[sflag:s2] =	ssyncpa.u1 $0x1  }
0x27: {  	_ =	sfence.stream.spmem  }
0x28: {  	s31 =	simm.s32 $0x3D;
	[bflag:$0x0] =	sbarrier.arrive $0xFFFF  }
0x29: {  	s2 =	simm.s32 @p0 $0x3D;
	[sflag:s31] =	ssyncpa.u1 $0x0  }
0x2a: {  	[sflag:s2] =	ssyncpa.u1 @p0 $0x1  }
0x2b: {  	[bflag:$0x0] =	sbarrier.arrive @p0 $0xFFFF  }
0x2c: {  	_ =	strace @p0 $0x90000047  }
0x2d: {  	s3 =	simm.s32 @!p0 $0x1C3D;
	s2 =	simm.s32 @!p0 $0x0;
	[bflag:$0x2] =	sbarrier.arrive @p0 $0xFFFF  }
0x2e: {  	[hbm:s1], [sflag:s3] =	dma.local @!p0 [spmem:s2], $0x800  }
0x2f: {  	s1 =	simm.s32 @!p0 $0x3D  }
0x30: {  	_ =	swait.ge @!p0 [sflag:s1], $0x800  }
0x31: {  	[sflag:s1] =	ssyncset.done @!p0 $0x0  }
0x32: {  	[sflag:s1] =	ssyncadd.s32 @!p0 $0xFFFFF800  }
0x33: {  	[sflag:s1] =	ssyncpa.u1 @!p0 $0x1  }
0x34: {  	[bflag:$0x0] =	sbarrier.arrive @!p0 $0xFFFF  }
0x35: {  	_ =	strace @!p0 $0x90000047  }
0x36: {  	s0 =	sadd.s32 @!p0 $0x100000, s0;
	[bflag:$0x2] =	sbarrier.arrive @!p0 $0xFFFF  }
0x37: {  	[sflag:s0] =	ssyncadd.tile.s32 @!p0 $0x1;
	_ =	shalt  }
.Lfunc_end2:
_tile_overlayer_lowered:
.L_overlay_start_2:
0x38: {  	(tag) =	ssettag $0x2  }
0x39: {  	s0 =	rddreg [dreg:$0x0];
	s2 =	stileid.u32  }
0x3a: {  	s1 =	rddreg [dreg:$0x1];
	p0 =	sne.s32 s2, $0x0  }
0x3b: {  	s3 =	rddreg [dreg:$0x2];
	[bflag:$0x3] =	sbarrier.arrive $0xFFFF;
	s2 =	simm.s32 @!p0 $0x1C01  }
0x3c: {  	[timem:s3], [sflag:s2] =	dma.local @!p0 [hbm:s0], s1  }
0x3d: {  	s0 =	simm.s32 @!p0 $0x1  }
0x3e: {  	_ =	swait.ge @!p0 [sflag:s0], s1  }
0x3f: {  	s1 =	ssub.s32 @!p0 $0x0, s1;
	[sflag:s0] =	ssyncset.done @!p0 $0x0  }
0x40: {  	[sflag:s0] =	ssyncadd.s32 @!p0 s1  }
0x41: {  	[bflag:$0x3] =	sbarrier.arrive $0xFFFF  }
0x42: {  	_ =	shalt  }

// kernel: sparse-core-data-format-call.cloned.1.call-start
scs
called_computation.1_lowered:
.L_overlay_start_0:
0x0: {  	s2 =	sld [smem:$0x3FD9]  }
0x1: {  	s3 =	sld [smem:$0x3FFE];
	_ =	sdelay $0x1  }
0x2: {  	s1 =	srdreg.scid  }
0x3: {  	s0 =	sand.u32 $0x1, s1  }
0x4: {  	s18 =	sshll.u32 s0, $0xA;
	s2 =	sadd.s32 s3, s2  }
0x5: {  	s2 =	sadd.s32 s2, s18  }
0x6: {  	[smem:$0x3FC4] =	sst s2  }
0x7: {  	_ = 	snop  }
0x8: {  	s2 =	sld [smem:$0x3FD0];
	(tm) =	ssettm $0x1  }
0x9: {  	s19 =	sld [smem:$0x3FFB];
	_ =	sdelay $0x3  }
0xa: {  	_ =	strace s19  }
0xb: {  	s3 =	sld [smem:$0x3FFC];
	_ =	sdelay $0x3  }
0xc: {  	_ =	strace s3  }
0xd: {  	s3 =	sld [smem:$0x3FFD];
	_ =	sdelay $0x3  }
0xe: {  	_ =	strace s3  }
0xf: {  	_ =	strace $0x8FFFFFFF  }
0x10: {  	s20 =	sld [smem:$0x3FDB];
	_ =	sdelay $0x1  }
0x11: {  	s4 =	simm.s32 $_scs_section_size  }
0x12: {  	s5 =	simm.s32 $_size__tile_overlayer_lowered;
	s6 =	simm.s32 $_tile_overlayer_lowered  }
0x13: {  	s23 =	simm.s32 $0x1BFF;
	s22 =	sshll.u32 s6, $0x1;
	s3 =	sadd.s32 s4, s20  }
0x14: {  	s7 =	simm.s32 $0x0;
	s21 =	sshll.u32 s5, $0x1;
	s5 =	sadd.s32 s22, s3  }
0x15: {  	[timem:s7], [sflag:s23] =	dma.local [hbm:s5], s21  }
0x16: {  	_ =	swait.ge [sflag:s23], s21  }
0x17: {  	s4 =	ssub.s32 $0x0, s21;
	[sflag:s23] =	ssyncset.done $0x0  }
0x18: {  	[sflag:s23] =	ssyncadd.s32 s4;
	_ =	sdelay $0x1  }
0x19: {  	s24 =	simm.s32 $0x1B8B  }
0x1a: {  	_ =	swait.ge [sflag:s24], $0x1  }
0x1b: {  	[sflag:s24] =	ssyncset.done $0x0  }
0x1c: {  	s26 =	simm.s32 $0x1B8E;
	s25 =	sld [smem:$0x3FFE];
	[sflag:s24] =	ssyncadd.s32 $0xFFFFFFFF  }
0x1d: {  	s27 =	simm.s32 $execute0_lowered;
	[smem:$0x3FD2] =	sst s26  }
0x1e: {  	s5 =	sshll.u32 s27, $0x1;
	_ =	strace $0x8000004C;
	[dreg:$0x1] =	wrdreg $0xFFFFFFFF  }
0x1f: {  	s28 =	simm.s32 $_size_execute0_lowered;
	s3 =	sadd.s32 s3, s5;
	[dreg:$0x0] =	wrdreg $0x0  }
0x20: {  	s5 =	sshll.u32 s28, $0x1;
	[dreg:$0x2] =	wrdreg s3  }
0x21: {  	[dreg:$0x3] =	wrdreg s5  }
0x22: {  	[dreg:$0x4] =	wrdreg $0xC0  }
0x23: {  	_ =	task [dreg:s7], $0x5FFFF  }
0x24: {  	[dreg:$0x1] =	wrdreg $0xFFFFFFFF  }
0x25: {  	[dreg:$0x0] =	wrdreg $0x60  }
0x26: {  	[dreg:$0x2] =	wrdreg s25  }
0x27: {  	[dreg:$0x3] =	wrdreg s2  }
0x28: {  	[dreg:$0x4] =	wrdreg $0x9  }
0x29: {  	_ =	task.clear_ibuf [dreg:s7], $0x5FFFF;
	_ =	strace $0x9000004C  }
0x2a: {  	s29 =	simm.s32 $0x9;
	_ =	strace $0x8000004E  }
0x2b: {  	_ =	swait.ge [sflag:s29], $0x1  }
0x2c: {  	[sflag:s29] =	ssyncadd.s32 $0xFFFFFFFF  }
0x2d: {  	_ =	strace $0x9000004E  }
0x2e: {  	_ =	sfence  }
0x2f: {  	s30 =	sld [smem:$0x0];
	_ =	sdelay $0x2  }
0x30: {  	s31 =	sshll.u32 s1, $0xD;
	s1 =	sshrl.u32 s1, $0x2  }
0x31: {  	s3 =	sand.u32 $0x4000, s31;
	s1 =	sadd.s32 s1, s30  }
0x32: {  	s0 =	sor.u32 s3, s0;
	s1 =	sshll.u32 s1, $0x11  }
0x33: {  	s0 =	sor.u32 s1, s0  }
0x34: {  	s0 =	sadd.s32 $0x8F2B, s0  }
0x35: {  	[sflag:s0] =	ssyncadd.remote.s32 $0x1  }
0x36: {  	_ =	sfence.sel $0xFFFF  }
0x37: {  	[dreg:$0x0] =	wrdreg $0xFFFFFFFF;
	(pc) =	sbr.abs _section_cstart, $3  }
0x38: {  	[dreg:$0x1] =	wrdreg $0xFFFFFFFF  }
0x39: {  	_ =	task.clear_ibuf [dreg:s7], $0x2FFFF;
	_ =	strace $0x9FFFFFFF  }
0x3a: {  	(tm) =	ssettm $0x7FFFFFFF  }
0x3b: {  	_ =	shalt  }
tec
execute0_lowered:
.L_overlay_start_1:
0x0: {  	(tag) =	ssettag $0x1  }
0x1: {  	s0 =	srdreg.scid;
	s5 =	rddreg [dreg:$0x0]  }
0x2: {  	s3 =	rddreg [dreg:$0x1];
	s1 =	sshll.u32 s0, $0x4  }
0x3: {  	s7 =	simm.s32 $0x1;
	s0 =	stileid.u32;
	s1 =	sand.u32 $0x10, s1  }
0x4: {  	s8 =	simm.s32 $0x2;
	s15 =	simm.s32 $0x0;
	s1 =	sor.u32 s0, s1  }
0x5: {  	s14 =	simm.s32 $0x0;
	s9 =	simm.s32 $0x0;
	s2 =	sshll.u32 s1, $0x7  }
0x6: {  	s10 =	simm.s32 $0x0;
	s11 =	simm.s32 $0x0;
	s6 =	ssub.s32 $0x4000, s2  }
0x7: {  	s13 =	simm.s32 $0x0;
	s5 =	sadd.s32 $0x1600, s5;
	s4 =	sand.u32 $0xF80, s6  }
.Ltmp0:
0x8: {  	s1 =	rddreg [dreg:$0x2];
	p0 =	sne.s32 s4, $0x0;
	(pc) =	sbr.rel .LBB1_1-.Ltmp0, $4  }
0x9: {  	_ =	strace $0x8000004D;
	s6 =	sshrl.u32 s6, $0xC;
	s7 =	simm.s32 @!p0 $0x0  }
0xa: {  	s12 =	smov.u32 s2;
	s4 =	simm.s32 $0x1;
	s6 =	sadd.s32 s7, s6  }
0xb: {  	[sflag:s4] =	ssyncpa.u1 $0x0;
	p0 =	por $0x0, $0x0;
	s6 =	sshll.u32 s6, $0x3  }
0xc: {  	[sflag:s8] =	ssyncpa.u1 $0x0;
	s8 =	simm.s32 $0x20000;
	s7 =	sor.u32 $0x1, s6  }
.LBB1_4:
0xd: {  	s20 =	sshra.s32 s20, $0x2  }
0xe: {  	s28 =	sand.u32 $0x78, s10;
	s21 =	sshll.u32 s9, $0xE;
	s22 =	sshll.u32 s10, $0x3  }
0xf: {  	s24 =	sshll.u32 s9, $0x7;
	p1 =	sgt.s32 s9, $0x370;
	s30 =	sshra.s32 s9, $0x1F  }
0x10: {  	s26 =	sshra.s32 s10, $0x1F;
	s19 =	sadd.s32 s20, s19;
	s21 =	sand.u32 $0xFFFE0000, s21  }
0x11: {  	v5 =	vld [tilespmem:s17+$0xFFFFFFD0];
	[tilespmem:s18+$0x2040 ss:$0x81] =	vst.msk $0xffff, v4;
	s23 =	sand.u32 $0xFFFFFC00, s22;
	s29 =	sand.u32 $0x380, s24;
	s22 =	sand.u32 $0x3C00, s22  }
0x12: {  	v58 =	vld [tilespmem:s17+$0xFFFFFFE0];
	[tilespmem:s18+$0x2850 ss:$0x81] =	vst.msk $0xffff, v3;
	s21 =	sadd.s32 s23, s21;
	s20 =	sor.u32 s28, s22;
	s22 =	smov.u32 s9  }
0x13: {  	v59 =	vld [tilespmem:s17+$0xFFFFFFF0];
	[tilespmem:s18+$0x3060 ss:$0x81] =	vst.msk $0xffff, v2;
	s24 =	sand.u32 s30, s9;
	s21 =	sshrl.u32 s21, $0xE;
	s22 =	simm.s32 @!p1 $0x370  }
0x14: {  	v60 =	vld [tilespmem:s17+$0x0];
	[tilespmem:s18+$0x0 ss:$0x81] =	vst.msk $0xffff, v1;
	p1 =	sgt.s32 s10, $0x3F80;
	s31 =	ssub.s32 s22, s24;
	s22 =	smov.u32 s10  }
0x15: {  	v61 =	vld [tilespmem:s17+$0x10];
	[tilespmem:s19+$0x3870 ss:$0x81] =	vst.msk $0xffff, v0;
	s25 =	smulhi.u32 $0x410411, s21;
	s24 =	sand.u32 s26, s10;
	s22 =	simm.s32 @!p1 $0x3F80  }
0x16: {  	v62 =	vld [tilespmem:s17+$0x20];
	s20 =	sor.u32 s29, s20;
	[tilespmem:s19+$0x810 ss:$0x81] =	vst.msk $0xffff, v5;
	s27 =	sadd.s32 $0xFFFFFC90, s31;
	s22 =	ssub.s32 s22, s24  }
0x17: {  	v63 =	vld [tilespmem:s17+$0xFFFFFFC0];
	[tilespmem:s19+$0x1020 ss:$0x81] =	vst.msk $0xffff, v58;
	s18 =	ssub.s32 $0x3F0, s31;
	s28 =	smul.u32 $0x3F0, s25;
	s29 =	sadd.s32 $0xFFFFC080, s22  }
0x18: {  	[tilespmem:s19+$0x1830 ss:$0x81] =	vst.msk $0xffff, v59;
	p1 =	sgt.s32 s27, $0x7F;
	s22 =	ssub.s32 $0x4000, s22;
	p2 =	sgt.s32 s29, $0x7F  }
0x19: {  	s30 =	sand.u32 $0x7, s10;
	[tilespmem:s19+$0x2040 ss:$0x81] =	vst.msk $0xffff, v60;
	s18 =	simm.s32 @p1 $0x0;
	s22 =	simm.s32 @p2 $0x0  }
0x1a: {  	s20 =	sshrl.u32 s20, $0x3;
	[tilespmem:s19+$0x2850 ss:$0x81] =	vst.msk $0xffff, v61;
	s17 =	ssub.s32 s21, s28;
	s18 =	smul.u32 s22, s18  }
0x1b: {  	[tilespmem:s19+$0x3060 ss:$0x81] =	vst.msk $0xffff, v62;
	s20 =	sadd.s32 s3, s20;
	s21 =	sshll.u32 s30, $0x12;
	s17 =	sshll.u32 s17, $0xB  }
0x1c: {  	[tilespmem:s19+$0x0 ss:$0x81] =	vst.msk $0xffff, v63;
	s31 =	sor.u32 $0x400, s21;
	s17 =	sadd.s32 s17, s20;
	s18 =	sand.u32 $0x3FFFFFFF, s18  }
0x1d: {  	[hbm4b:s17+s31] =	stream.strided.scatter [tilespmem:s16], [sflag:$0x2], s18, s8, s31, $0x20;
	[tilespmem:$0x10100] =	vst v63  }
.LBB1_5:
0x1e: {  	p1 =	slt.u32 s13, $0x2  }
0x1f: {  	s17 =	smov.u32 s15;
	p2 =	sgt.s32 @!p1 s15, $0x370;
	s16 =	sshra.s32 @!p1 s15, $0x1F  }
0x20: {  	p3 =	sgt.s32 @!p1 s14, $0x3F80;
	s18 =	sshra.s32 @!p1 s14, $0x1F;
	p2 =	por !p2, p1  }
0x21: {  	s15 =	sand.u32 @!p1 s16, s15;
	p3 =	por !p3, p1;
	s16 =	smov.u32 s14  }
0x22: {  	s14 =	sand.u32 @!p1 s18, s14;
	s17 =	simm.s32 @p2 $0x370;
	s16 =	simm.s32 @p3 $0x3F80  }
0x23: {  	s15 =	ssub.s32 @!p1 s17, s15;
	s14 =	ssub.s32 @!p1 s16, s14  }
0x24: {  	s18 =	smov.u32 s12;
	s16 =	sadd.s32 @!p1 $0xFFFFFC90, s15;
	s17 =	sadd.s32 @!p1 $0xFFFFC080, s14  }
0x25: {  	s15 =	ssub.s32 @!p1 $0x3F0, s15;
	p2 =	sgt.s32 @!p1 s16, $0x7F;
	p3 =	sgt.s32 @!p1 s17, $0x7F  }
0x26: {  	s14 =	ssub.s32 @!p1 $0x4000, s14;
	p2 =	por !p2, p1;
	p3 =	por !p3, p1  }
0x27: {  	s16 =	sadd.s32 $0x80, s11;
	s15 =	simm.s32 @!p2 $0x0;
	s14 =	simm.s32 @!p3 $0x0  }
0x28: {  	p2 =	sgt.s32 s16, $0x3EF;
	s14 =	smul.u32 @!p1 s14, s15;
	s15 =	sadd.s32 $0x1000, s12  }
0x29: {  	s18 =	smov.u32 @p2 s15  }
0x2a: {  	s16 =	simm.s32 @p2 $0x0;
	p2 =	sgt.s32 s18, $0x3FFF  }
0x2b: {  	s18 =	smov.u32 @p2 s2;
	p2 =	sne.s32 s13, s7  }
.Ltmp1:
0x2c: {  	p0 =	por !p0, !p0;
	s17 =	simm.s32 @!p1 $0x2;
	(pc) =	sbr.rel @!p2 .LBB1_6-.Ltmp1, $4  }
0x2d: {  	s15 =	smov.u32 s9;
	s9 =	smov.u32 s11;
	s14 =	sand.u32 @!p1 $0x3FFFFFFF, s14  }
0x2e: {  	s11 =	smov.u32 s16;
	_ =	swait.ge @!p1 [sflag:s17], s14;
	s19 =	ssub.s32 @!p1 $0x0, s14  }
0x2f: {  	s14 =	smov.u32 s10;
	s13 =	sadd.s32 $0x1, s13;
	[sflag:s17] =	ssyncset.done @!p1 $0x0  }
0x30: {  	s10 =	smov.u32 s12;
	s12 =	smov.u32 s18;
	[sflag:s17] =	ssyncadd.s32 @!p1 s19  }
.LBB1_1:
0x31: {  	p1 =	sge.u32 s13, s6  }
0x32: {  	s31 =	sadd.s32 $0xFFFFFFFF, s13;
	s16 =	sshll.u32 @!p1 s12, $0xA  }
0x33: {  	s17 =	sshll.u32 @!p1 s11, $0x3;
	s18 =	sshll.u32 @!p1 s12, $0x7;
	s16 =	sand.u32 @!p1 $0xFFE000, s16  }
0x34: {  	s19 =	sand.u32 @!p1 $0x78, s11;
	s16 =	sadd.s32 @!p1 s16, s17;
	s17 =	sand.u32 @!p1 $0x380, s18  }
0x35: {  	s18 =	sxor.u32 @!p1 $0xFFFFFFFF, s13;
	s16 =	sand.u32 @!p1 $0xFFFC00, s16;
	s17 =	sor.u32 @!p1 s17, s19  }
0x36: {  	s18 =	sshll.u32 @!p1 s18, $0xE;
	s16 =	sor.u32 @!p1 s16, s17;
	s17 =	sand.u32 @!p1 $0x7, s11  }
0x37: {  	s19 =	simm.s32 @!p1 $0x2000;
	s16 =	sshrl.u32 @!p1 s16, $0x3;
	s17 =	sshll.u32 @!p1 s17, $0x12  }
0x38: {  	s18 =	sand.u32 @!p1 $0x4000, s18;
	s16 =	sadd.s32 @!p1 s5, s16;
	s17 =	sor.u32 @!p1 $0x400, s17  }
0x39: {  	[tilespmem:s18], [sflag:$0x1] =	stream.strided.gather @!p1 [hbm4b:s16+s17], $0x4000, s19, s17, $0x38;
	[tilespmem:$0x10100] =	vst v63  }
0x3a: {  	p1 =	sge.u32 s31, s6  }
.Ltmp2:
0x3b: {  	_ = 	snop;
	(pc) =	sbr.rel @p1 .LBB1_5-.Ltmp2, $1  }
0x3c: {  	_ =	sdelay $0x3  }
0x3d: {  	s16 =	simm.s32 $0x1  }
0x3e: {  	_ =	swait.ge [sflag:s4], $0x4000;
	s16 =	simm.s32 @!p0 $0x0  }
0x3f: {  	[sflag:s4] =	ssyncset.done $0x0;
	s17 =	sshll.u32 s16, $0xE  }
0x40: {  	[sflag:s4] =	ssyncadd.s32 $0xFFFFC000;
	s17 =	sor.u32 $0x40, s17  }
0x41: {  	s16 =	smul.u32 $0x10200, s16;
	v0 =	vld [tilespmem:s17+$0x30]  }
0x42: {  	v1 =	vld [tilespmem:s17+$0xFFFFFFD0]  }
0x43: {  	s16 =	sshrl.u32 s16, $0x2;
	v5 =	vld [tilespmem:s17+$0xFFFFFFE0]  }
0x44: {  	v6 =	vld [tilespmem:s17+$0xFFFFFFF0];
	s19 =	sor.u32 $0x8000, s16  }
0x45: {  	s31 =	sand.u32 $0x1, s13;
	v4 =	vld [tilespmem:s17+$0x0];
	s18 =	sadd.s32 $0x0, s19  }
0x46: {  	v3 =	vld [tilespmem:s17+$0x10];
	s16 =	smul.u32 $0x10200, s31;
	[tilespmem:s18+$0x3870 ss:$0x81] =	vst.msk $0xffff, v0  }
0x47: {  	v2 =	vld [tilespmem:s17+$0x20];
	[tilespmem:s18+$0x810 ss:$0x81] =	vst.msk $0xffff, v1  }
0x48: {  	s16 =	sshrl.u32 s16, $0x2;
	v1 =	vld [tilespmem:s17+$0xFFFFFFC0];
	[tilespmem:s18+$0x1020 ss:$0x81] =	vst.msk $0xffff, v5;
	s17 =	sadd.s32 $0x80, s17  }
0x49: {  	s20 =	simm.s32 $0x4;
	s21 =	simm.s32 $0x8;
	s16 =	sor.u32 $0x8000, s16;
	[tilespmem:s18+$0x1830 ss:$0x81] =	vst.msk $0xffff, v6;
	v0 =	vld [tilespmem:s17+$0x30]  }
.LBB1_3:
0x4a: {  	p1 =	sne.s32 s21, $0x1FC;
	v5 =	vld [tilespmem:s17+$0xFFFFFFD0];
	[tilespmem:s18+$0x2040 ss:$0x81] =	vst.msk $0xffff, v4  }
0x4b: {  	v6 =	vld [tilespmem:s17+$0xFFFFFFE0];
	[tilespmem:s18+$0x2850 ss:$0x81] =	vst.msk $0xffff, v3  }
0x4c: {  	s22 =	sshra.s32 s20, $0x2;
	s20 =	smov.u32 s21;
	v7 =	vld [tilespmem:s17+$0xFFFFFFF0];
	[tilespmem:s18+$0x3060 ss:$0x81] =	vst.msk $0xffff, v2  }
.Ltmp3:
0x4d: {  	v4 =	vld [tilespmem:s17+$0x0];
	[tilespmem:s18+$0x0 ss:$0x81] =	vst.msk $0xffff, v1;
	s18 =	sadd.s32 s22, s19;
	(pc) =	sbr.rel @p1 .LBB1_3-.Ltmp3, $4  }
0x4e: {  	v3 =	vld [tilespmem:s17+$0x10];
	[tilespmem:s18+$0x3870 ss:$0x81] =	vst.msk $0xffff, v0  }
0x4f: {  	[tilespmem:s18+$0x810 ss:$0x81] =	vst.msk $0xffff, v5;
	v2 =	vld [tilespmem:s17+$0x20]  }
0x50: {  	v1 =	vld [tilespmem:s17+$0xFFFFFFC0];
	[tilespmem:s18+$0x1020 ss:$0x81] =	vst.msk $0xffff, v6;
	s17 =	sadd.s32 $0x80, s17  }
0x51: {  	s21 =	sadd.s32 $0x4, s21;
	v0 =	vld [tilespmem:s17+$0x30];
	[tilespmem:s18+$0x1830 ss:$0x81] =	vst.msk $0xffff, v7  }
.Ltmp4:
0x52: {  	_ = 	snop;
	(pc) =	sbr.rel .LBB1_4-.Ltmp4, $1  }
0x53: {  	_ =	sdelay $0x3  }
.LBB1_6:
0x54: {  	_ =	sfence.sel $0x180000  }
0x55: {  	s2 =	simm.s32 $0x1;
	[bflag:$0x0] =	sbarrier.arrive $0xFFFF  }
0x56: {  	s31 =	simm.s32 $0x2;
	[sflag:s2] =	ssyncpa.u1 $0x1  }
0x57: {  	[sflag:s31] =	ssyncpa.u1 $0x1  }
0x58: {  	p0 =	sne.s32 s0, $0x0;
	_ =	strace $0x9000004D  }
0x59: {  	s0 =	sadd.s32 @!p0 $0x100000, s1;
	[bflag:$0x2] =	sbarrier.arrive $0xFFFF  }
0x5a: {  	[sflag:s0] =	ssyncadd.tile.s32 @!p0 $0x1;
	_ =	shalt  }
.Lfunc_end1:
_tile_overlayer_lowered:
.L_overlay_start_2:
0x5b: {  	(tag) =	ssettag $0x2  }
0x5c: {  	s0 =	rddreg [dreg:$0x0];
	s2 =	stileid.u32  }
0x5d: {  	s1 =	rddreg [dreg:$0x1];
	p0 =	sne.s32 s2, $0x0  }
0x5e: {  	s3 =	rddreg [dreg:$0x2];
	[bflag:$0x3] =	sbarrier.arrive $0xFFFF;
	s2 =	simm.s32 @!p0 $0x1C01  }
0x5f: {  	[timem:s3], [sflag:s2] =	dma.local @!p0 [hbm:s0], s1  }
0x60: {  	s0 =	simm.s32 @!p0 $0x1  }
0x61: {  	_ =	swait.ge @!p0 [sflag:s0], s1  }
0x62: {  	s1 =	ssub.s32 @!p0 $0x0, s1;
	[sflag:s0] =	ssyncset.done @!p0 $0x0  }
0x63: {  	[sflag:s0] =	ssyncadd.s32 @!p0 s1  }
0x64: {  	[bflag:$0x3] =	sbarrier.arrive $0xFFFF  }
0x65: {  	_ =	shalt  }

</sc_bundles>
